<compile_context>
chip_gen: v7x
topology: tpu7x:2x2x1
jax: 0.10.2.dev20260603
libtpu: 0.0.44.dev20260713+nightly
codegen_flags: <defaults>
</compile_context>

<pallas_src>
import functools

import jax
import jax.numpy as jnp
from jax import lax
from jax.experimental import pallas as pl
from jax.experimental.pallas import tpu as pltpu

try:
    from jax.experimental.pallas import tpu_sc as plsc
except ImportError:
    plsc = None

_N = 10000
_D = 128
_H = 16
_C = 40

_NC = 2
_NS = 16
_NW = _NC * _NS
_CHUNK = 128
_NPAD = 10240
_BR = 1024


def _rsqrt16(x):
    i = lax.bitcast_convert_type(x, jnp.int32)
    i = jnp.int32(0x5F3759DF) - lax.shift_right_arithmetic(i, 1)
    q = lax.bitcast_convert_type(i, jnp.float32)
    q = q * (1.5 - 0.5 * x * q * q)
    q = q * (1.5 - 0.5 * x * q * q)
    return q


def _edge_scatter(nch, src_v, dst_v, b0, b1, b2, b3, gsh, acc, gsem, ssem):
    def g(j, buf):
        pltpu.async_copy(gsh.at[src_v.at[j]], buf, gsem)

    def gw(j, buf):
        pltpu.make_async_copy(gsh.at[src_v.at[j]], buf, gsem).wait()

    def sca(j, buf):
        return pltpu.async_copy(buf, acc.at[dst_v.at[j]], ssem, add=True)

    g(0, b0)
    g(1, b1)

    def body(i, carry):
        j0 = 4 * i
        gw(j0, b0)
        s0 = sca(j0, b0)
        g(j0 + 2, b2)
        gw(j0 + 1, b1)
        s1 = sca(j0 + 1, b1)
        g(j0 + 3, b3)
        gw(j0 + 2, b2)
        s2 = sca(j0 + 2, b2)
        s0.wait()
        g(j0 + 4, b0)
        gw(j0 + 3, b3)
        s3 = sca(j0 + 3, b3)
        s1.wait()
        g(j0 + 5, b1)
        s2.wait()
        s3.wait()
        return carry

    lax.fori_loop(0, nch // 4, body, 0)
    gw(nch, b0)
    gw(nch + 1, b1)


@functools.lru_cache(maxsize=None)
def _make_sc_prop1(npad: int, nch: int):
    width = _H
    rows_per_tile = npad // _NS
    mesh = plsc.VectorSubcoreMesh(core_axis_name="c", subcore_axis_name="s")

    @functools.partial(
        pl.kernel,
        mesh=mesh,
        out_type=jax.ShapeDtypeStruct((_NC, npad, width), jnp.float32),
        scratch_types=[
            pltpu.VMEM((nch + 2, _CHUNK), jnp.int32),
            pltpu.VMEM((nch + 2, _CHUNK), jnp.int32),
            pltpu.VMEM((_CHUNK, width), jnp.float32),
            pltpu.VMEM((_CHUNK, width), jnp.float32),
            pltpu.VMEM((_CHUNK, width), jnp.float32),
            pltpu.VMEM((_CHUNK, width), jnp.float32),
            pltpu.VMEM((rows_per_tile, width), jnp.float32),
            pltpu.VMEM((rows_per_tile, width), jnp.float32),
            pltpu.VMEM((rows_per_tile, width), jnp.float32),
            pltpu.VMEM_SHARED((npad, width), jnp.float32),
            pltpu.VMEM_SHARED((npad, width), jnp.float32),
            pltpu.SemaphoreType.DMA,
            pltpu.SemaphoreType.DMA,
        ],
        compiler_params=pltpu.CompilerParams(use_tc_tiling_on_sc=False),
    )
    def prop(y_hbm, degp_hbm, src_hbm, dst_hbm, out_hbm,
             src_v, dst_v, b0, b1, b2, b3, yv, d0v, d1v, gsh, acc,
             gsem, ssem):
        c = lax.axis_index("c")
        s = lax.axis_index("s")
        wid = c * _NS + s
        rows = pl.ds(s * rows_per_tile, rows_per_tile)
        pltpu.sync_copy(y_hbm.at[rows], yv)
        pltpu.sync_copy(degp_hbm.at[0, rows], d0v)
        pltpu.sync_copy(degp_hbm.at[1, rows], d1v)
        pltpu.sync_copy(src_hbm.at[wid], src_v)
        pltpu.sync_copy(dst_hbm.at[wid], dst_v)

        def gbody(i, carry):
            q = _rsqrt16(d0v[i] + d1v[i] - 1.0)
            yv[i] = yv[i] * q
            return carry

        lax.fori_loop(0, rows_per_tile, gbody, 0)
        pltpu.sync_copy(yv, gsh.at[rows])
        pltpu.sync_copy(yv, acc.at[rows])
        plsc.subcore_barrier()
        _edge_scatter(nch, src_v, dst_v, b0, b1, b2, b3, gsh, acc,
                      gsem, ssem)
        plsc.subcore_barrier()
        pltpu.sync_copy(acc.at[rows], out_hbm.at[c, rows])

    return prop


@functools.lru_cache(maxsize=None)
def _make_sc_deg(npad: int, nch: int):
    width = _H
    rows_per_tile = npad // _NS
    mesh = plsc.VectorSubcoreMesh(core_axis_name="c", subcore_axis_name="s")
    nfire = 16

    @functools.partial(
        pl.kernel,
        mesh=mesh,
        out_type=jax.ShapeDtypeStruct((_NC, npad, width), jnp.float32),
        scratch_types=[
            pltpu.VMEM((nch + 2, _CHUNK), jnp.int32),
            pltpu.VMEM((_CHUNK, width), jnp.float32),
            pltpu.VMEM_SHARED((npad, width), jnp.float32),
            pltpu.SemaphoreType.DMA,
        ],
        compiler_params=pltpu.CompilerParams(use_tc_tiling_on_sc=False),
    )
    def deg(ones_hbm, dst_hbm, out_hbm, dst_v, ones_v, acc, ssem):
        c = lax.axis_index("c")
        s = lax.axis_index("s")
        wid = c * _NS + s
        r0 = s * rows_per_tile
        pltpu.sync_copy(ones_hbm.at[pl.ds(r0, rows_per_tile)],
                        acc.at[pl.ds(r0, rows_per_tile)])
        pltpu.sync_copy(dst_hbm.at[wid], dst_v)
        pltpu.sync_copy(ones_hbm.at[pl.ds(0, _CHUNK)], ones_v)
        plsc.subcore_barrier()

        def body(i, carry):
            for k in range(nfire):
                pltpu.async_copy(ones_v, acc.at[dst_v.at[i * nfire + k]],
                                 ssem, add=True)
            for k in range(nfire):
                pltpu.make_async_copy(ones_v, acc.at[dst_v.at[0]],
                                      ssem).wait()
            return carry

        lax.fori_loop(0, nch // nfire, body, 0)
        plsc.subcore_barrier()
        pltpu.sync_copy(acc.at[pl.ds(r0, rows_per_tile)],
                        out_hbm.at[c, pl.ds(r0, rows_per_tile)])

    return deg


@functools.lru_cache(maxsize=None)
def _make_sc_prop_g(npad: int, width: int, nch: int):
    rows_per_tile = npad // _NS
    mesh = plsc.VectorSubcoreMesh(core_axis_name="c", subcore_axis_name="s")

    @functools.partial(
        pl.kernel,
        mesh=mesh,
        out_type=jax.ShapeDtypeStruct((_NC, npad, width), jnp.float32),
        scratch_types=[
            pltpu.VMEM((nch + 2, _CHUNK), jnp.int32),
            pltpu.VMEM((nch + 2, _CHUNK), jnp.int32),
            pltpu.VMEM((_CHUNK, width), jnp.float32),
            pltpu.VMEM((_CHUNK, width), jnp.float32),
            pltpu.VMEM((_CHUNK, width), jnp.float32),
            pltpu.VMEM((_CHUNK, width), jnp.float32),
            pltpu.VMEM_SHARED((npad, width), jnp.float32),
            pltpu.VMEM_SHARED((npad, width), jnp.float32),
            pltpu.SemaphoreType.DMA,
            pltpu.SemaphoreType.DMA,
        ],
        compiler_params=pltpu.CompilerParams(use_tc_tiling_on_sc=False),
    )
    def prop(g_hbm, src_hbm, dst_hbm, out_hbm,
             src_v, dst_v, b0, b1, b2, b3, gsh, acc, gsem, ssem):
        c = lax.axis_index("c")
        s = lax.axis_index("s")
        wid = c * _NS + s
        rows = pl.ds(s * rows_per_tile, rows_per_tile)
        pltpu.sync_copy(g_hbm.at[rows], gsh.at[rows])
        pltpu.sync_copy(g_hbm.at[rows], acc.at[rows])
        pltpu.sync_copy(src_hbm.at[wid], src_v)
        pltpu.sync_copy(dst_hbm.at[wid], dst_v)
        plsc.subcore_barrier()
        _edge_scatter(nch, src_v, dst_v, b0, b1, b2, b3, gsh, acc,
                      gsem, ssem)
        plsc.subcore_barrier()
        pltpu.sync_copy(acc.at[rows], out_hbm.at[c, rows])

    return prop


def _dinv_block(degp):
    deg = degp[0, :, :1] + degp[1, :, :1] - 1.0
    return lax.rsqrt(jnp.maximum(deg, 1.0))


def _tc0_body(x_ref, w1_ref, y_ref):
    y_ref[...] = jnp.dot(x_ref[...], w1_ref[...],
                         preferred_element_type=jnp.float32)


def _tc2_body(p1_ref, y_ref, degp_ref, b1_ref, w2_ref, g2_ref):
    dinv = _dinv_block(degp_ref[...])
    g1 = y_ref[...] * dinv
    h = (p1_ref[0] + p1_ref[1] - g1) * dinv + b1_ref[...]
    h = jnp.maximum(h, 0.0)
    g2_ref[...] = jnp.dot(h, w2_ref[...],
                          preferred_element_type=jnp.float32) * dinv


def _tc3_body(p2_ref, g2_ref, degp_ref, b2_ref, out_ref):
    dinv = _dinv_block(degp_ref[...])
    z = (p2_ref[0] + p2_ref[1] - g2_ref[...]) * dinv + b2_ref[...]
    z = z[:, :_C]
    m = jnp.max(z, axis=1, keepdims=True)
    e = jnp.exp(z - m)
    lse = jnp.log(jnp.sum(e, axis=1, keepdims=True))
    out_ref[...] = z - m - lse


def _row_spec(w, br=_BR):
    return pl.BlockSpec((br, w), lambda i: (i, 0))


def _pair_spec(w, br=_BR):
    return pl.BlockSpec((2, br, w), lambda i: (0, i, 0))


def _full_spec(a, b):
    return pl.BlockSpec((a, b), lambda i: (0, 0))


def kernel(input_matrix, adjency_coo_matrix, W1, b1, W2, b2):
    cpad = 48
    grid = (_NPAD // _BR,)

    src = adjency_coo_matrix[0]
    dst = adjency_coo_matrix[1]
    e = src.shape[0]
    ept = -(-e // _NW)
    nch = -(-ept // _CHUNK)
    nch = ((nch + 7) // 8) * 8
    epad = _NW * nch * _CHUNK
    fill = jnp.full((epad - e,), _N, dtype=jnp.int32)
    dump = jnp.full((_NW, 2, _CHUNK), _N, dtype=jnp.int32)
    srcp = jnp.concatenate(
        [jnp.concatenate([src, fill]).reshape(_NW, nch, _CHUNK), dump], axis=1)
    dstp = jnp.concatenate(
        [jnp.concatenate([dst, fill]).reshape(_NW, nch, _CHUNK), dump], axis=1)

    ones = jnp.ones((_NPAD, _H), dtype=jnp.float32)
    w2p = jnp.pad(W2, ((0, 0), (0, cpad - _C)))
    b1r = b1.reshape(1, _H)
    b2r = jnp.pad(b2, (0, cpad - _C)).reshape(1, cpad)

    sc_prop1 = _make_sc_prop1(_NPAD, nch)
    sc_prop48 = _make_sc_prop_g(_NPAD, cpad, nch)
    sc_deg = _make_sc_deg(_NPAD, nch)

    gridn = (_N // 1000,)
    y = pl.pallas_call(
        _tc0_body,
        grid=gridn,
        in_specs=[_row_spec(_D, 1000), _full_spec(_D, _H)],
        out_specs=_row_spec(_H, 1000),
        out_shape=jax.ShapeDtypeStruct((_N, _H), jnp.float32),
    )(input_matrix, W1)
    yp = jnp.pad(y, ((0, _NPAD - _N), (0, 0)))

    degp = sc_deg(ones, dstp)

    p1 = sc_prop1(yp, degp, srcp, dstp)

    g2 = pl.pallas_call(
        _tc2_body,
        grid=grid,
        in_specs=[_pair_spec(_H), _row_spec(_H), _pair_spec(_H),
                  _full_spec(1, _H), _full_spec(_H, cpad)],
        out_specs=_row_spec(cpad),
        out_shape=jax.ShapeDtypeStruct((_NPAD, cpad), jnp.float32),
    )(p1, yp, degp, b1r, w2p)

    p2 = sc_prop48(g2, srcp, dstp)

    out = pl.pallas_call(
        _tc3_body,
        grid=gridn,
        in_specs=[_pair_spec(cpad, 1000), _row_spec(cpad, 1000),
                  _pair_spec(_H, 1000), _full_spec(1, cpad)],
        out_specs=_row_spec(_C, 1000),
        out_shape=jax.ShapeDtypeStruct((_N, _C), jnp.float32),
    )(p2, g2, degp, b2r)

    return out

# --- scband reference (transcript-rebuilt; emitter-appended) ---
"""Pipeline reference for scband-gcnnet-18777597018266 (READ-ONLY COPY).

The authoritative reference and input builder live on the scoring server;
editing this copy changes nothing except your own understanding.
"""

import jax, jax.numpy as jnp
import numpy as np

N = 10000
E = 320000
D = 128
H = 16
C = 40


def setup_inputs(seed: int = 0) -> dict:
    key = jax.random.key(seed)
    k1, k2, k3, k4 = jax.random.split(key, 4)
    input_matrix = jax.random.normal(k1, (N, D), dtype=jnp.float32)
    adjency_coo_matrix = jax.random.randint(k2, (2, E), 0, N, dtype=jnp.int32)
    W1 = jax.random.normal(k3, (D, H), dtype=jnp.float32) * (1.0 / np.sqrt(D))
    b1 = jnp.zeros((H,), dtype=jnp.float32)
    W2 = jax.random.normal(k4, (H, C), dtype=jnp.float32) * (1.0 / np.sqrt(H))
    b2 = jnp.zeros((C,), dtype=jnp.float32)
    return {
        "input_matrix": input_matrix,
        "adjency_coo_matrix": adjency_coo_matrix,
        "W1": W1,
        "b1": b1,
        "W2": W2,
        "b2": b2,
    }


def _gcn_propagate(h, edge_index, n):
    # Symmetric GCN normalization with added self-loops: D^{-1/2} (A + I) D^{-1/2} h
    src = edge_index[0]
    dst = edge_index[1]
    loop = jnp.arange(n, dtype=src.dtype)
    src_f = jnp.concatenate([src, loop])
    dst_f = jnp.concatenate([dst, loop])
    deg = jax.ops.segment_sum(jnp.ones_like(dst_f, dtype=h.dtype), dst_f, num_segments=n)
    dinv = 1.0 / jnp.sqrt(jnp.maximum(deg, 1.0))
    norm = dinv[src_f] * dinv[dst_f]
    msg = h[src_f] * norm[:, None]
    return jax.ops.segment_sum(msg, dst_f, num_segments=n)


def reference(input_matrix, adjency_coo_matrix, W1, b1, W2, b2):
    n = input_matrix.shape[0]
    # GCN layer 1: A_hat @ (X W1) + b1, ReLU (dropout inactive in eval)
    h = _gcn_propagate(input_matrix @ W1, adjency_coo_matrix, n) + b1
    h = jax.nn.relu(h)
    # GCN layer 2: A_hat @ (H W2) + b2, LogSoftmax(dim=1)
    out = _gcn_propagate(h @ W2, adjency_coo_matrix, n) + b2
    return jax.nn.log_softmax(out, axis=1)

if __name__ == "__main__":
    import jax
    _d = setup_inputs()
    print(jax.jit(kernel)(*tuple(_d.values())))

</pallas_src>

<mosaic_0001>
#map = affine_map<(d0, d1) -> (0, 0)>
#map1 = affine_map<(d0, d1) -> (0, 0, 0)>
module attributes {stable_mosaic.version = 14 : i64} {
  func.func @prop(%arg0: i32, %arg1: i32, %arg2: memref<10240x16xf32, #tpu.memory_space<hbm>>, %arg3: memref<2x10240x16xf32, #tpu.memory_space<hbm>>, %arg4: memref<32x82x128xi32, #tpu.memory_space<hbm>>, %arg5: memref<32x82x128xi32, #tpu.memory_space<hbm>>, %arg6: memref<2x10240x16xf32, #tpu.memory_space<hbm>>, %arg7: memref<82x128xi32, #tpu.memory_space<vmem>>, %arg8: memref<82x128xi32, #tpu.memory_space<vmem>>, %arg9: memref<128x16xf32, #tpu.memory_space<vmem>>, %arg10: memref<128x16xf32, #tpu.memory_space<vmem>>, %arg11: memref<128x16xf32, #tpu.memory_space<vmem>>, %arg12: memref<128x16xf32, #tpu.memory_space<vmem>>, %arg13: memref<640x16xf32, #tpu.memory_space<vmem>>, %arg14: memref<640x16xf32, #tpu.memory_space<vmem>>, %arg15: memref<640x16xf32, #tpu.memory_space<vmem>>, %arg16: memref<10240x16xf32, #tpu.memory_space<vmem_shared>>, %arg17: memref<10240x16xf32, #tpu.memory_space<vmem_shared>>, %arg18: memref<!tpu.dma_semaphore, #tpu.memory_space<semaphore_mem>>, %arg19: memref<!tpu.dma_semaphore, #tpu.memory_space<semaphore_mem>>) attributes {dimension_semantics = [#tpu.dimension_semantics<core_parallel>, #tpu.dimension_semantics<subcore_parallel>], iteration_bounds = array<i64: 2, 16>, scalar_prefetch = 0 : i64, scratch_operands = 13 : i64, tpu.core_type = #tpu.core_type<sc_vector_subcore>, window_params = [{transform_indices = #map}, {transform_indices = #map1}, {transform_indices = #map1}, {transform_indices = #map1}, {transform_indices = #map1}]} {
    %mul3A = arith.constant 16 : i32
    %mul3A_0 = arith.muli %arg0, %mul3A : i32
    %add3A = arith.addi %mul3A_0, %arg1 : i32
    %mul3A_1 = arith.constant 640 : i32
    %mul3A_2 = arith.muli %arg1, %mul3A_1 : i32
    "tpu.region"() ({
      %run_scoped3A_42 = tpu.sem_alloc : memref<!tpu.dma_semaphore, #tpu.memory_space<semaphore_mem>>
      %dma_start3A_43 = arith.constant 0 : i32
      %dma_start3A_44 = tpu.memref_slice %arg2[%mul3A_2, %dma_start3A_43] : memref<10240x16xf32, #tpu.memory_space<hbm>> -> memref<640x16xf32, #tpu.memory_space<hbm>>
      %dma_start3A_45 = arith.constant 0 : i32
      %dma_start3A_46 = tpu.memref_slice %arg2[%mul3A_2, %dma_start3A_45] : memref<10240x16xf32, #tpu.memory_space<hbm>> -> memref<640x16xf32, #tpu.memory_space<hbm>>
      tpu.enqueue_dma source(%dma_start3A_46 : memref<640x16xf32, #tpu.memory_space<hbm>>) target(%arg13 : memref<640x16xf32, #tpu.memory_space<vmem>>) target_semaphore(%run_scoped3A_42 : memref<!tpu.dma_semaphore, #tpu.memory_space<semaphore_mem>>)
      %dma_wait3A_47 = arith.constant 0 : i32
      %dma_wait3A_48 = tpu.memref_slice %arg2[%mul3A_2, %dma_wait3A_47] : memref<10240x16xf32, #tpu.memory_space<hbm>> -> memref<640x16xf32, #tpu.memory_space<hbm>>
      %dma_wait3A_49 = arith.constant 0 : i32
      %dma_wait3A_50 = tpu.memref_slice %arg2[%mul3A_2, %dma_wait3A_49] : memref<10240x16xf32, #tpu.memory_space<hbm>> -> memref<640x16xf32, #tpu.memory_space<hbm>>
      tpu.wait_dma2 semaphore(%run_scoped3A_42 : memref<!tpu.dma_semaphore, #tpu.memory_space<semaphore_mem>>) src(%dma_wait3A_50 : memref<640x16xf32, #tpu.memory_space<hbm>>) dst(%arg13 : memref<640x16xf32, #tpu.memory_space<vmem>>)
      tpu.yield
    }) : () -> ()
    %run_scoped3A = arith.constant 0 : i32
    "tpu.region"() ({
      %run_scoped3A_42 = tpu.sem_alloc : memref<!tpu.dma_semaphore, #tpu.memory_space<semaphore_mem>>
      %dma_start3A_43 = arith.constant 0 : i32
      %dma_start3A_44 = tpu.memref_slice %arg3[%run_scoped3A, %mul3A_2, %dma_start3A_43] : memref<2x10240x16xf32, #tpu.memory_space<hbm>> -> memref<1x640x16xf32, #tpu.memory_space<hbm>>
      %dma_start3A_45 = tpu.memref_squeeze %dma_start3A_44 : memref<1x640x16xf32, #tpu.memory_space<hbm>> -> memref<640x16xf32, #tpu.memory_space<hbm>>
      %dma_start3A_46 = arith.constant 0 : i32
      %dma_start3A_47 = tpu.memref_slice %arg3[%run_scoped3A, %mul3A_2, %dma_start3A_46] : memref<2x10240x16xf32, #tpu.memory_space<hbm>> -> memref<1x640x16xf32, #tpu.memory_space<hbm>>
      %dma_start3A_48 = tpu.memref_squeeze %dma_start3A_47 : memref<1x640x16xf32, #tpu.memory_space<hbm>> -> memref<640x16xf32, #tpu.memory_space<hbm>>
      tpu.enqueue_dma source(%dma_start3A_48 : memref<640x16xf32, #tpu.memory_space<hbm>>) target(%arg14 : memref<640x16xf32, #tpu.memory_space<vmem>>) target_semaphore(%run_scoped3A_42 : memref<!tpu.dma_semaphore, #tpu.memory_space<semaphore_mem>>)
      %dma_wait3A_49 = arith.constant 0 : i32
      %dma_wait3A_50 = tpu.memref_slice %arg3[%run_scoped3A, %mul3A_2, %dma_wait3A_49] : memref<2x10240x16xf32, #tpu.memory_space<hbm>> -> memref<1x640x16xf32, #tpu.memory_space<hbm>>
      %dma_wait3A_51 = tpu.memref_squeeze %dma_wait3A_50 : memref<1x640x16xf32, #tpu.memory_space<hbm>> -> memref<640x16xf32, #tpu.memory_space<hbm>>
      %dma_wait3A_52 = arith.constant 0 : i32
      %dma_wait3A_53 = tpu.memref_slice %arg3[%run_scoped3A, %mul3A_2, %dma_wait3A_52] : memref<2x10240x16xf32, #tpu.memory_space<hbm>> -> memref<1x640x16xf32, #tpu.memory_space<hbm>>
      %dma_wait3A_54 = tpu.memref_squeeze %dma_wait3A_53 : memref<1x640x16xf32, #tpu.memory_space<hbm>> -> memref<640x16xf32, #tpu.memory_space<hbm>>
      tpu.wait_dma2 semaphore(%run_scoped3A_42 : memref<!tpu.dma_semaphore, #tpu.memory_space<semaphore_mem>>) src(%dma_wait3A_54 : memref<640x16xf32, #tpu.memory_space<hbm>>) dst(%arg14 : memref<640x16xf32, #tpu.memory_space<vmem>>)
      tpu.yield
    }) : () -> ()
    %run_scoped3A_3 = arith.constant 1 : i32
    "tpu.region"() ({
      %run_scoped3A_42 = tpu.sem_alloc : memref<!tpu.dma_semaphore, #tpu.memory_space<semaphore_mem>>
      %dma_start3A_43 = arith.constant 0 : i32
      %dma_start3A_44 = tpu.memref_slice %arg3[%run_scoped3A_3, %mul3A_2, %dma_start3A_43] : memref<2x10240x16xf32, #tpu.memory_space<hbm>> -> memref<1x640x16xf32, #tpu.memory_space<hbm>>
      %dma_start3A_45 = tpu.memref_squeeze %dma_start3A_44 : memref<1x640x16xf32, #tpu.memory_space<hbm>> -> memref<640x16xf32, #tpu.memory_space<hbm>>
      %dma_start3A_46 = arith.constant 0 : i32
      %dma_start3A_47 = tpu.memref_slice %arg3[%run_scoped3A_3, %mul3A_2, %dma_start3A_46] : memref<2x10240x16xf32, #tpu.memory_space<hbm>> -> memref<1x640x16xf32, #tpu.memory_space<hbm>>
      %dma_start3A_48 = tpu.memref_squeeze %dma_start3A_47 : memref<1x640x16xf32, #tpu.memory_space<hbm>> -> memref<640x16xf32, #tpu.memory_space<hbm>>
      tpu.enqueue_dma source(%dma_start3A_48 : memref<640x16xf32, #tpu.memory_space<hbm>>) target(%arg15 : memref<640x16xf32, #tpu.memory_space<vmem>>) target_semaphore(%run_scoped3A_42 : memref<!tpu.dma_semaphore, #tpu.memory_space<semaphore_mem>>)
      %dma_wait3A_49 = arith.constant 0 : i32
      %dma_wait3A_50 = tpu.memref_slice %arg3[%run_scoped3A_3, %mul3A_2, %dma_wait3A_49] : memref<2x10240x16xf32, #tpu.memory_space<hbm>> -> memref<1x640x16xf32, #tpu.memory_space<hbm>>
      %dma_wait3A_51 = tpu.memref_squeeze %dma_wait3A_50 : memref<1x640x16xf32, #tpu.memory_space<hbm>> -> memref<640x16xf32, #tpu.memory_space<hbm>>
      %dma_wait3A_52 = arith.constant 0 : i32
      %dma_wait3A_53 = tpu.memref_slice %arg3[%run_scoped3A_3, %mul3A_2, %dma_wait3A_52] : memref<2x10240x16xf32, #tpu.memory_space<hbm>> -> memref<1x640x16xf32, #tpu.memory_space<hbm>>
      %dma_wait3A_54 = tpu.memref_squeeze %dma_wait3A_53 : memref<1x640x16xf32, #tpu.memory_space<hbm>> -> memref<640x16xf32, #tpu.memory_space<hbm>>
      tpu.wait_dma2 semaphore(%run_scoped3A_42 : memref<!tpu.dma_semaphore, #tpu.memory_space<semaphore_mem>>) src(%dma_wait3A_54 : memref<640x16xf32, #tpu.memory_space<hbm>>) dst(%arg15 : memref<640x16xf32, #tpu.memory_space<vmem>>)
      tpu.yield
    }) : () -> ()
    "tpu.region"() ({
      %run_scoped3A_42 = tpu.sem_alloc : memref<!tpu.dma_semaphore, #tpu.memory_space<semaphore_mem>>
      %dma_start3A_43 = arith.constant 0 : i32
      %dma_start3A_44 = arith.constant 0 : i32
      %dma_start3A_45 = tpu.memref_slice %arg4[%add3A, %dma_start3A_43, %dma_start3A_44] : memref<32x82x128xi32, #tpu.memory_space<hbm>> -> memref<1x82x128xi32, #tpu.memory_space<hbm>>
      %dma_start3A_46 = tpu.memref_squeeze %dma_start3A_45 : memref<1x82x128xi32, #tpu.memory_space<hbm>> -> memref<82x128xi32, #tpu.memory_space<hbm>>
      %dma_start3A_47 = arith.constant 0 : i32
      %dma_start3A_48 = arith.constant 0 : i32
      %dma_start3A_49 = tpu.memref_slice %arg4[%add3A, %dma_start3A_47, %dma_start3A_48] : memref<32x82x128xi32, #tpu.memory_space<hbm>> -> memref<1x82x128xi32, #tpu.memory_space<hbm>>
      %dma_start3A_50 = tpu.memref_squeeze %dma_start3A_49 : memref<1x82x128xi32, #tpu.memory_space<hbm>> -> memref<82x128xi32, #tpu.memory_space<hbm>>
      tpu.enqueue_dma source(%dma_start3A_50 : memref<82x128xi32, #tpu.memory_space<hbm>>) target(%arg7 : memref<82x128xi32, #tpu.memory_space<vmem>>) target_semaphore(%run_scoped3A_42 : memref<!tpu.dma_semaphore, #tpu.memory_space<semaphore_mem>>)
      %dma_wait3A_51 = arith.constant 0 : i32
      %dma_wait3A_52 = arith.constant 0 : i32
      %dma_wait3A_53 = tpu.memref_slice %arg4[%add3A, %dma_wait3A_51, %dma_wait3A_52] : memref<32x82x128xi32, #tpu.memory_space<hbm>> -> memref<1x82x128xi32, #tpu.memory_space<hbm>>
      %dma_wait3A_54 = tpu.memref_squeeze %dma_wait3A_53 : memref<1x82x128xi32, #tpu.memory_space<hbm>> -> memref<82x128xi32, #tpu.memory_space<hbm>>
      %dma_wait3A_55 = arith.constant 0 : i32
      %dma_wait3A_56 = arith.constant 0 : i32
      %dma_wait3A_57 = tpu.memref_slice %arg4[%add3A, %dma_wait3A_55, %dma_wait3A_56] : memref<32x82x128xi32, #tpu.memory_space<hbm>> -> memref<1x82x128xi32, #tpu.memory_space<hbm>>
      %dma_wait3A_58 = tpu.memref_squeeze %dma_wait3A_57 : memref<1x82x128xi32, #tpu.memory_space<hbm>> -> memref<82x128xi32, #tpu.memory_space<hbm>>
      tpu.wait_dma2 semaphore(%run_scoped3A_42 : memref<!tpu.dma_semaphore, #tpu.memory_space<semaphore_mem>>) src(%dma_wait3A_58 : memref<82x128xi32, #tpu.memory_space<hbm>>) dst(%arg7 : memref<82x128xi32, #tpu.memory_space<vmem>>)
      tpu.yield
    }) : () -> ()
    "tpu.region"() ({
      %run_scoped3A_42 = tpu.sem_alloc : memref<!tpu.dma_semaphore, #tpu.memory_space<semaphore_mem>>
      %dma_start3A_43 = arith.constant 0 : i32
      %dma_start3A_44 = arith.constant 0 : i32
      %dma_start3A_45 = tpu.memref_slice %arg5[%add3A, %dma_start3A_43, %dma_start3A_44] : memref<32x82x128xi32, #tpu.memory_space<hbm>> -> memref<1x82x128xi32, #tpu.memory_space<hbm>>
      %dma_start3A_46 = tpu.memref_squeeze %dma_start3A_45 : memref<1x82x128xi32, #tpu.memory_space<hbm>> -> memref<82x128xi32, #tpu.memory_space<hbm>>
      %dma_start3A_47 = arith.constant 0 : i32
      %dma_start3A_48 = arith.constant 0 : i32
      %dma_start3A_49 = tpu.memref_slice %arg5[%add3A, %dma_start3A_47, %dma_start3A_48] : memref<32x82x128xi32, #tpu.memory_space<hbm>> -> memref<1x82x128xi32, #tpu.memory_space<hbm>>
      %dma_start3A_50 = tpu.memref_squeeze %dma_start3A_49 : memref<1x82x128xi32, #tpu.memory_space<hbm>> -> memref<82x128xi32, #tpu.memory_space<hbm>>
      tpu.enqueue_dma source(%dma_start3A_50 : memref<82x128xi32, #tpu.memory_space<hbm>>) target(%arg8 : memref<82x128xi32, #tpu.memory_space<vmem>>) target_semaphore(%run_scoped3A_42 : memref<!tpu.dma_semaphore, #tpu.memory_space<semaphore_mem>>)
      %dma_wait3A_51 = arith.constant 0 : i32
      %dma_wait3A_52 = arith.constant 0 : i32
      %dma_wait3A_53 = tpu.memref_slice %arg5[%add3A, %dma_wait3A_51, %dma_wait3A_52] : memref<32x82x128xi32, #tpu.memory_space<hbm>> -> memref<1x82x128xi32, #tpu.memory_space<hbm>>
      %dma_wait3A_54 = tpu.memref_squeeze %dma_wait3A_53 : memref<1x82x128xi32, #tpu.memory_space<hbm>> -> memref<82x128xi32, #tpu.memory_space<hbm>>
      %dma_wait3A_55 = arith.constant 0 : i32
      %dma_wait3A_56 = arith.constant 0 : i32
      %dma_wait3A_57 = tpu.memref_slice %arg5[%add3A, %dma_wait3A_55, %dma_wait3A_56] : memref<32x82x128xi32, #tpu.memory_space<hbm>> -> memref<1x82x128xi32, #tpu.memory_space<hbm>>
      %dma_wait3A_58 = tpu.memref_squeeze %dma_wait3A_57 : memref<1x82x128xi32, #tpu.memory_space<hbm>> -> memref<82x128xi32, #tpu.memory_space<hbm>>
      tpu.wait_dma2 semaphore(%run_scoped3A_42 : memref<!tpu.dma_semaphore, #tpu.memory_space<semaphore_mem>>) src(%dma_wait3A_58 : memref<82x128xi32, #tpu.memory_space<hbm>>) dst(%arg8 : memref<82x128xi32, #tpu.memory_space<vmem>>)
      tpu.yield
    }) : () -> ()
    %scan3A = arith.constant 0 : i32
    %scan3A_4 = arith.constant 0 : i32
    %scan3A_5 = arith.constant 640 : i32
    %scan3A_6 = arith.addi %scan3A_4, %scan3A_5 : i32
    %scan3A_7 = arith.constant 1 : i32
    scf.for %scan3A_42 = %scan3A_4 to %scan3A_6 step %scan3A_7  : i32 {
      %get3A = arith.index_cast %scan3A_42 : i32 to index
      %get3A_43 = arith.constant 0 : index
      %get3A_44 = tpu.vector_load %arg14[%get3A, %get3A_43] {strides = array<i32>} : memref<640x16xf32, #tpu.memory_space<vmem>>, vector<1x16xf32>,
      %get3A_45 = vector.shape_cast %get3A_44 : vector<1x16xf32> to vector<16xf32>
      %get3A_46 = arith.index_cast %scan3A_42 : i32 to index
      %get3A_47 = arith.constant 0 : index
      %get3A_48 = tpu.vector_load %arg15[%get3A_46, %get3A_47] {strides = array<i32>} : memref<640x16xf32, #tpu.memory_space<vmem>>, vector<1x16xf32>,
      %get3A_49 = vector.shape_cast %get3A_48 : vector<1x16xf32> to vector<16xf32>
      %add3A_50 = arith.addf %get3A_45, %get3A_49 : vector<16xf32>
      %sub3A = arith.constant 1.000000e+00 : f32
      %sub3A_51 = vector.broadcast %sub3A : f32 to vector<16xf32>
      %sub3A_52 = arith.subf %add3A_50, %sub3A_51 : vector<16xf32>
      %bitcast_convert_type3A = tpu.bitcast %sub3A_52 : vector<16xf32> -> vector<16xi32>
      %shift_right_arithmetic3A = arith.constant 1 : i32
      %shift_right_arithmetic3A_53 = vector.broadcast %shift_right_arithmetic3A : i32 to vector<16xi32>
      %shift_right_arithmetic3A_54 = arith.shrsi %bitcast_convert_type3A, %shift_right_arithmetic3A_53 : vector<16xi32>
      %sub3A_55 = arith.constant 1597463007 : i32
      %sub3A_56 = vector.broadcast %sub3A_55 : i32 to vector<16xi32>
      %sub3A_57 = arith.subi %sub3A_56, %shift_right_arithmetic3A_54 : vector<16xi32>
      %bitcast_convert_type3A_58 = tpu.bitcast %sub3A_57 : vector<16xi32> -> vector<16xf32>
      %mul3A_59 = arith.constant 5.000000e-01 : f32
      %mul3A_60 = vector.broadcast %mul3A_59 : f32 to vector<16xf32>
      %mul3A_61 = arith.mulf %mul3A_60, %sub3A_52 : vector<16xf32>
      %mul3A_62 = arith.mulf %mul3A_61, %bitcast_convert_type3A_58 : vector<16xf32>
      %mul3A_63 = arith.mulf %mul3A_62, %bitcast_convert_type3A_58 : vector<16xf32>
      %sub3A_64 = arith.constant 1.500000e+00 : f32
      %sub3A_65 = vector.broadcast %sub3A_64 : f32 to vector<16xf32>
      %sub3A_66 = arith.subf %sub3A_65, %mul3A_63 : vector<16xf32>
      %mul3A_67 = arith.mulf %bitcast_convert_type3A_58, %sub3A_66 : vector<16xf32>
      %mul3A_68 = arith.constant 5.000000e-01 : f32
      %mul3A_69 = vector.broadcast %mul3A_68 : f32 to vector<16xf32>
      %mul3A_70 = arith.mulf %mul3A_69, %sub3A_52 : vector<16xf32>
      %mul3A_71 = arith.mulf %mul3A_70, %mul3A_67 : vector<16xf32>
      %mul3A_72 = arith.mulf %mul3A_71, %mul3A_67 : vector<16xf32>
      %sub3A_73 = arith.constant 1.500000e+00 : f32
      %sub3A_74 = vector.broadcast %sub3A_73 : f32 to vector<16xf32>
      %sub3A_75 = arith.subf %sub3A_74, %mul3A_72 : vector<16xf32>
      %mul3A_76 = arith.mulf %mul3A_67, %sub3A_75 : vector<16xf32>
      %get3A_77 = arith.index_cast %scan3A_42 : i32 to index
      %get3A_78 = arith.constant 0 : index
      %get3A_79 = tpu.vector_load %arg13[%get3A_77, %get3A_78] {strides = array<i32>} : memref<640x16xf32, #tpu.memory_space<vmem>>, vector<1x16xf32>,
      %get3A_80 = vector.shape_cast %get3A_79 : vector<1x16xf32> to vector<16xf32>
      %mul3A_81 = arith.mulf %get3A_80, %mul3A_76 : vector<16xf32>
      %swap3A = arith.index_cast %scan3A_42 : i32 to index
      %swap3A_82 = arith.constant 0 : index
      %swap3A_83 = tpu.vector_load %arg13[%swap3A, %swap3A_82] {strides = array<i32>} : memref<640x16xf32, #tpu.memory_space<vmem>>, vector<1x16xf32>,
      %swap3A_84 = vector.shape_cast %swap3A_83 : vector<1x16xf32> to vector<16xf32>
      %swap3A_85 = vector.shape_cast %mul3A_81 : vector<16xf32> to vector<1x16xf32>
      tpu.vector_store %arg13[%swap3A, %swap3A_82], %swap3A_85 {strides = array<i32>} : memref<640x16xf32, #tpu.memory_space<vmem>>, vector<1x16xf32>,
    }
    %scan3A_8 = arith.constant 640 : i32
    "tpu.region"() ({
      %run_scoped3A_42 = tpu.sem_alloc : memref<!tpu.dma_semaphore, #tpu.memory_space<semaphore_mem>>
      %dma_start3A_43 = arith.constant 0 : i32
      %dma_start3A_44 = tpu.memref_slice %arg16[%mul3A_2, %dma_start3A_43] : memref<10240x16xf32, #tpu.memory_space<vmem_shared>> -> memref<640x16xf32, #tpu.memory_space<vmem_shared>>
      %dma_start3A_45 = arith.constant 0 : i32
      %dma_start3A_46 = tpu.memref_slice %arg16[%mul3A_2, %dma_start3A_45] : memref<10240x16xf32, #tpu.memory_space<vmem_shared>> -> memref<640x16xf32, #tpu.memory_space<vmem_shared>>
      tpu.enqueue_dma source(%arg13 : memref<640x16xf32, #tpu.memory_space<vmem>>) target(%dma_start3A_46 : memref<640x16xf32, #tpu.memory_space<vmem_shared>>) target_semaphore(%run_scoped3A_42 : memref<!tpu.dma_semaphore, #tpu.memory_space<semaphore_mem>>)
      %dma_wait3A_47 = arith.constant 0 : i32
      %dma_wait3A_48 = tpu.memref_slice %arg16[%mul3A_2, %dma_wait3A_47] : memref<10240x16xf32, #tpu.memory_space<vmem_shared>> -> memref<640x16xf32, #tpu.memory_space<vmem_shared>>
      %dma_wait3A_49 = arith.constant 0 : i32
      %dma_wait3A_50 = tpu.memref_slice %arg16[%mul3A_2, %dma_wait3A_49] : memref<10240x16xf32, #tpu.memory_space<vmem_shared>> -> memref<640x16xf32, #tpu.memory_space<vmem_shared>>
      tpu.wait_dma2 semaphore(%run_scoped3A_42 : memref<!tpu.dma_semaphore, #tpu.memory_space<semaphore_mem>>) src(%arg13 : memref<640x16xf32, #tpu.memory_space<vmem>>) dst(%dma_wait3A_50 : memref<640x16xf32, #tpu.memory_space<vmem_shared>>)
      tpu.yield
    }) : () -> ()
    "tpu.region"() ({
      %run_scoped3A_42 = tpu.sem_alloc : memref<!tpu.dma_semaphore, #tpu.memory_space<semaphore_mem>>
      %dma_start3A_43 = arith.constant 0 : i32
      %dma_start3A_44 = tpu.memref_slice %arg17[%mul3A_2, %dma_start3A_43] : memref<10240x16xf32, #tpu.memory_space<vmem_shared>> -> memref<640x16xf32, #tpu.memory_space<vmem_shared>>
      %dma_start3A_45 = arith.constant 0 : i32
      %dma_start3A_46 = tpu.memref_slice %arg17[%mul3A_2, %dma_start3A_45] : memref<10240x16xf32, #tpu.memory_space<vmem_shared>> -> memref<640x16xf32, #tpu.memory_space<vmem_shared>>
      tpu.enqueue_dma source(%arg13 : memref<640x16xf32, #tpu.memory_space<vmem>>) target(%dma_start3A_46 : memref<640x16xf32, #tpu.memory_space<vmem_shared>>) target_semaphore(%run_scoped3A_42 : memref<!tpu.dma_semaphore, #tpu.memory_space<semaphore_mem>>)
      %dma_wait3A_47 = arith.constant 0 : i32
      %dma_wait3A_48 = tpu.memref_slice %arg17[%mul3A_2, %dma_wait3A_47] : memref<10240x16xf32, #tpu.memory_space<vmem_shared>> -> memref<640x16xf32, #tpu.memory_space<vmem_shared>>
      %dma_wait3A_49 = arith.constant 0 : i32
      %dma_wait3A_50 = tpu.memref_slice %arg17[%mul3A_2, %dma_wait3A_49] : memref<10240x16xf32, #tpu.memory_space<vmem_shared>> -> memref<640x16xf32, #tpu.memory_space<vmem_shared>>
      tpu.wait_dma2 semaphore(%run_scoped3A_42 : memref<!tpu.dma_semaphore, #tpu.memory_space<semaphore_mem>>) src(%arg13 : memref<640x16xf32, #tpu.memory_space<vmem>>) dst(%dma_wait3A_50 : memref<640x16xf32, #tpu.memory_space<vmem_shared>>)
      tpu.yield
    }) : () -> ()
    %barrier3A = arith.constant 0 : index
    tpu.barrier barrier_id(%barrier3A)
    %dma_start3A = arith.constant 0 : i32
    %dma_start3A_9 = arith.constant 0 : i32
    %dma_start3A_10 = tpu.memref_slice %arg7[%dma_start3A, %dma_start3A_9] : memref<82x128xi32, #tpu.memory_space<vmem>> -> memref<1x128xi32, #tpu.memory_space<vmem>>
    %dma_start3A_11 = tpu.memref_squeeze %dma_start3A_10 : memref<1x128xi32, #tpu.memory_space<vmem>> -> memref<128xi32, #tpu.memory_space<vmem>>
    %dma_start3A_12 = arith.constant 0 : i32
    %dma_start3A_13 = arith.constant 0 : i32
    %dma_start3A_14 = tpu.memref_slice %arg16[%dma_start3A_12, %dma_start3A_13] : memref<10240x16xf32, #tpu.memory_space<vmem_shared>> -> memref<10240x16xf32, #tpu.memory_space<vmem_shared>>
    tpu.enqueue_indirect_dma source(%dma_start3A_14 : memref<10240x16xf32, #tpu.memory_space<vmem_shared>>) target(%arg9 : memref<128x16xf32, #tpu.memory_space<vmem>>) offsets(%dma_start3A_11 : memref<128xi32, #tpu.memory_space<vmem>>) semaphore(%arg18 : memref<!tpu.dma_semaphore, #tpu.memory_space<semaphore_mem>>)
    %dma_start3A_15 = arith.constant 1 : i32
    %dma_start3A_16 = arith.constant 0 : i32
    %dma_start3A_17 = tpu.memref_slice %arg7[%dma_start3A_15, %dma_start3A_16] : memref<82x128xi32, #tpu.memory_space<vmem>> -> memref<1x128xi32, #tpu.memory_space<vmem>>
    %dma_start3A_18 = tpu.memref_squeeze %dma_start3A_17 : memref<1x128xi32, #tpu.memory_space<vmem>> -> memref<128xi32, #tpu.memory_space<vmem>>
    %dma_start3A_19 = arith.constant 0 : i32
    %dma_start3A_20 = arith.constant 0 : i32
    %dma_start3A_21 = tpu.memref_slice %arg16[%dma_start3A_19, %dma_start3A_20] : memref<10240x16xf32, #tpu.memory_space<vmem_shared>> -> memref<10240x16xf32, #tpu.memory_space<vmem_shared>>
    tpu.enqueue_indirect_dma source(%dma_start3A_21 : memref<10240x16xf32, #tpu.memory_space<vmem_shared>>) target(%arg10 : memref<128x16xf32, #tpu.memory_space<vmem>>) offsets(%dma_start3A_18 : memref<128xi32, #tpu.memory_space<vmem>>) semaphore(%arg18 : memref<!tpu.dma_semaphore, #tpu.memory_space<semaphore_mem>>)
    %scan3A_22 = arith.constant 0 : i32
    %scan3A_23 = arith.constant 0 : i32
    %scan3A_24 = arith.constant 20 : i32
    %scan3A_25 = arith.addi %scan3A_23, %scan3A_24 : i32
    %scan3A_26 = arith.constant 1 : i32
    scf.for %scan3A_42 = %scan3A_23 to %scan3A_25 step %scan3A_26  : i32 {
      %mul3A_43 = arith.constant 4 : i32
      %mul3A_44 = arith.muli %mul3A_43, %scan3A_42 : i32
      %dma_wait3A_45 = arith.constant 0 : i32
      %dma_wait3A_46 = tpu.memref_slice %arg7[%mul3A_44, %dma_wait3A_45] : memref<82x128xi32, #tpu.memory_space<vmem>> -> memref<1x128xi32, #tpu.memory_space<vmem>>
      %dma_wait3A_47 = tpu.memref_squeeze %dma_wait3A_46 : memref<1x128xi32, #tpu.memory_space<vmem>> -> memref<128xi32, #tpu.memory_space<vmem>>
      %dma_wait3A_48 = arith.constant 0 : i32
      %dma_wait3A_49 = arith.constant 0 : i32
      %dma_wait3A_50 = tpu.memref_slice %arg16[%dma_wait3A_48, %dma_wait3A_49] : memref<10240x16xf32, #tpu.memory_space<vmem_shared>> -> memref<10240x16xf32, #tpu.memory_space<vmem_shared>>
      tpu.wait_indirect_dma semaphore(%arg18 : memref<!tpu.dma_semaphore, #tpu.memory_space<semaphore_mem>>) src(%dma_wait3A_50 : memref<10240x16xf32, #tpu.memory_space<vmem_shared>>) dst(%arg9 : memref<128x16xf32, #tpu.memory_space<vmem>>)
      %dma_start3A_51 = arith.constant 0 : i32
      %dma_start3A_52 = tpu.memref_slice %arg8[%mul3A_44, %dma_start3A_51] : memref<82x128xi32, #tpu.memory_space<vmem>> -> memref<1x128xi32, #tpu.memory_space<vmem>>
      %dma_start3A_53 = tpu.memref_squeeze %dma_start3A_52 : memref<1x128xi32, #tpu.memory_space<vmem>> -> memref<128xi32, #tpu.memory_space<vmem>>
      %dma_start3A_54 = arith.constant 0 : i32
      %dma_start3A_55 = arith.constant 0 : i32
      %dma_start3A_56 = tpu.memref_slice %arg17[%dma_start3A_54, %dma_start3A_55] : memref<10240x16xf32, #tpu.memory_space<vmem_shared>> -> memref<10240x16xf32, #tpu.memory_space<vmem_shared>>
      tpu.enqueue_indirect_dma source(%arg9 : memref<128x16xf32, #tpu.memory_space<vmem>>) target(%dma_start3A_56 : memref<10240x16xf32, #tpu.memory_space<vmem_shared>>) offsets(%dma_start3A_53 : memref<128xi32, #tpu.memory_space<vmem>>) semaphore(%arg19 : memref<!tpu.dma_semaphore, #tpu.memory_space<semaphore_mem>>) {add = true}
      %add3A_57 = arith.constant 2 : i32
      %add3A_58 = arith.addi %mul3A_44, %add3A_57 : i32
      %dma_start3A_59 = arith.constant 0 : i32
      %dma_start3A_60 = tpu.memref_slice %arg7[%add3A_58, %dma_start3A_59] : memref<82x128xi32, #tpu.memory_space<vmem>> -> memref<1x128xi32, #tpu.memory_space<vmem>>
      %dma_start3A_61 = tpu.memref_squeeze %dma_start3A_60 : memref<1x128xi32, #tpu.memory_space<vmem>> -> memref<128xi32, #tpu.memory_space<vmem>>
      %dma_start3A_62 = arith.constant 0 : i32
      %dma_start3A_63 = arith.constant 0 : i32
      %dma_start3A_64 = tpu.memref_slice %arg16[%dma_start3A_62, %dma_start3A_63] : memref<10240x16xf32, #tpu.memory_space<vmem_shared>> -> memref<10240x16xf32, #tpu.memory_space<vmem_shared>>
      tpu.enqueue_indirect_dma source(%dma_start3A_64 : memref<10240x16xf32, #tpu.memory_space<vmem_shared>>) target(%arg11 : memref<128x16xf32, #tpu.memory_space<vmem>>) offsets(%dma_start3A_61 : memref<128xi32, #tpu.memory_space<vmem>>) semaphore(%arg18 : memref<!tpu.dma_semaphore, #tpu.memory_space<semaphore_mem>>)
      %add3A_65 = arith.constant 1 : i32
      %add3A_66 = arith.addi %mul3A_44, %add3A_65 : i32
      %dma_wait3A_67 = arith.constant 0 : i32
      %dma_wait3A_68 = tpu.memref_slice %arg7[%add3A_66, %dma_wait3A_67] : memref<82x128xi32, #tpu.memory_space<vmem>> -> memref<1x128xi32, #tpu.memory_space<vmem>>
      %dma_wait3A_69 = tpu.memref_squeeze %dma_wait3A_68 : memref<1x128xi32, #tpu.memory_space<vmem>> -> memref<128xi32, #tpu.memory_space<vmem>>
      %dma_wait3A_70 = arith.constant 0 : i32
      %dma_wait3A_71 = arith.constant 0 : i32
      %dma_wait3A_72 = tpu.memref_slice %arg16[%dma_wait3A_70, %dma_wait3A_71] : memref<10240x16xf32, #tpu.memory_space<vmem_shared>> -> memref<10240x16xf32, #tpu.memory_space<vmem_shared>>
      tpu.wait_indirect_dma semaphore(%arg18 : memref<!tpu.dma_semaphore, #tpu.memory_space<semaphore_mem>>) src(%dma_wait3A_72 : memref<10240x16xf32, #tpu.memory_space<vmem_shared>>) dst(%arg10 : memref<128x16xf32, #tpu.memory_space<vmem>>)
      %add3A_73 = arith.constant 1 : i32
      %add3A_74 = arith.addi %mul3A_44, %add3A_73 : i32
      %dma_start3A_75 = arith.constant 0 : i32
      %dma_start3A_76 = tpu.memref_slice %arg8[%add3A_74, %dma_start3A_75] : memref<82x128xi32, #tpu.memory_space<vmem>> -> memref<1x128xi32, #tpu.memory_space<vmem>>
      %dma_start3A_77 = tpu.memref_squeeze %dma_start3A_76 : memref<1x128xi32, #tpu.memory_space<vmem>> -> memref<128xi32, #tpu.memory_space<vmem>>
      %dma_start3A_78 = arith.constant 0 : i32
      %dma_start3A_79 = arith.constant 0 : i32
      %dma_start3A_80 = tpu.memref_slice %arg17[%dma_start3A_78, %dma_start3A_79] : memref<10240x16xf32, #tpu.memory_space<vmem_shared>> -> memref<10240x16xf32, #tpu.memory_space<vmem_shared>>
      tpu.enqueue_indirect_dma source(%arg10 : memref<128x16xf32, #tpu.memory_space<vmem>>) target(%dma_start3A_80 : memref<10240x16xf32, #tpu.memory_space<vmem_shared>>) offsets(%dma_start3A_77 : memref<128xi32, #tpu.memory_space<vmem>>) semaphore(%arg19 : memref<!tpu.dma_semaphore, #tpu.memory_space<semaphore_mem>>) {add = true}
      %add3A_81 = arith.constant 3 : i32
      %add3A_82 = arith.addi %mul3A_44, %add3A_81 : i32
      %dma_start3A_83 = arith.constant 0 : i32
      %dma_start3A_84 = tpu.memref_slice %arg7[%add3A_82, %dma_start3A_83] : memref<82x128xi32, #tpu.memory_space<vmem>> -> memref<1x128xi32, #tpu.memory_space<vmem>>
      %dma_start3A_85 = tpu.memref_squeeze %dma_start3A_84 : memref<1x128xi32, #tpu.memory_space<vmem>> -> memref<128xi32, #tpu.memory_space<vmem>>
      %dma_start3A_86 = arith.constant 0 : i32
      %dma_start3A_87 = arith.constant 0 : i32
      %dma_start3A_88 = tpu.memref_slice %arg16[%dma_start3A_86, %dma_start3A_87] : memref<10240x16xf32, #tpu.memory_space<vmem_shared>> -> memref<10240x16xf32, #tpu.memory_space<vmem_shared>>
      tpu.enqueue_indirect_dma source(%dma_start3A_88 : memref<10240x16xf32, #tpu.memory_space<vmem_shared>>) target(%arg12 : memref<128x16xf32, #tpu.memory_space<vmem>>) offsets(%dma_start3A_85 : memref<128xi32, #tpu.memory_space<vmem>>) semaphore(%arg18 : memref<!tpu.dma_semaphore, #tpu.memory_space<semaphore_mem>>)
      %add3A_89 = arith.constant 2 : i32
      %add3A_90 = arith.addi %mul3A_44, %add3A_89 : i32
      %dma_wait3A_91 = arith.constant 0 : i32
      %dma_wait3A_92 = tpu.memref_slice %arg7[%add3A_90, %dma_wait3A_91] : memref<82x128xi32, #tpu.memory_space<vmem>> -> memref<1x128xi32, #tpu.memory_space<vmem>>
      %dma_wait3A_93 = tpu.memref_squeeze %dma_wait3A_92 : memref<1x128xi32, #tpu.memory_space<vmem>> -> memref<128xi32, #tpu.memory_space<vmem>>
      %dma_wait3A_94 = arith.constant 0 : i32
      %dma_wait3A_95 = arith.constant 0 : i32
      %dma_wait3A_96 = tpu.memref_slice %arg16[%dma_wait3A_94, %dma_wait3A_95] : memref<10240x16xf32, #tpu.memory_space<vmem_shared>> -> memref<10240x16xf32, #tpu.memory_space<vmem_shared>>
      tpu.wait_indirect_dma semaphore(%arg18 : memref<!tpu.dma_semaphore, #tpu.memory_space<semaphore_mem>>) src(%dma_wait3A_96 : memref<10240x16xf32, #tpu.memory_space<vmem_shared>>) dst(%arg11 : memref<128x16xf32, #tpu.memory_space<vmem>>)
      %add3A_97 = arith.constant 2 : i32
      %add3A_98 = arith.addi %mul3A_44, %add3A_97 : i32
      %dma_start3A_99 = arith.constant 0 : i32
      %dma_start3A_100 = tpu.memref_slice %arg8[%add3A_98, %dma_start3A_99] : memref<82x128xi32, #tpu.memory_space<vmem>> -> memref<1x128xi32, #tpu.memory_space<vmem>>
      %dma_start3A_101 = tpu.memref_squeeze %dma_start3A_100 : memref<1x128xi32, #tpu.memory_space<vmem>> -> memref<128xi32, #tpu.memory_space<vmem>>
      %dma_start3A_102 = arith.constant 0 : i32
      %dma_start3A_103 = arith.constant 0 : i32
      %dma_start3A_104 = tpu.memref_slice %arg17[%dma_start3A_102, %dma_start3A_103] : memref<10240x16xf32, #tpu.memory_space<vmem_shared>> -> memref<10240x16xf32, #tpu.memory_space<vmem_shared>>
      tpu.enqueue_indirect_dma source(%arg11 : memref<128x16xf32, #tpu.memory_space<vmem>>) target(%dma_start3A_104 : memref<10240x16xf32, #tpu.memory_space<vmem_shared>>) offsets(%dma_start3A_101 : memref<128xi32, #tpu.memory_space<vmem>>) semaphore(%arg19 : memref<!tpu.dma_semaphore, #tpu.memory_space<semaphore_mem>>) {add = true}
      %dma_wait3A_105 = arith.constant 0 : i32
      %dma_wait3A_106 = tpu.memref_slice %arg8[%mul3A_44, %dma_wait3A_105] : memref<82x128xi32, #tpu.memory_space<vmem>> -> memref<1x128xi32, #tpu.memory_space<vmem>>
      %dma_wait3A_107 = tpu.memref_squeeze %dma_wait3A_106 : memref<1x128xi32, #tpu.memory_space<vmem>> -> memref<128xi32, #tpu.memory_space<vmem>>
      %dma_wait3A_108 = arith.constant 0 : i32
      %dma_wait3A_109 = arith.constant 0 : i32
      %dma_wait3A_110 = tpu.memref_slice %arg17[%dma_wait3A_108, %dma_wait3A_109] : memref<10240x16xf32, #tpu.memory_space<vmem_shared>> -> memref<10240x16xf32, #tpu.memory_space<vmem_shared>>
      tpu.wait_indirect_dma semaphore(%arg19 : memref<!tpu.dma_semaphore, #tpu.memory_space<semaphore_mem>>) src(%arg9 : memref<128x16xf32, #tpu.memory_space<vmem>>) dst(%dma_wait3A_110 : memref<10240x16xf32, #tpu.memory_space<vmem_shared>>)
      %add3A_111 = arith.constant 4 : i32
      %add3A_112 = arith.addi %mul3A_44, %add3A_111 : i32
      %dma_start3A_113 = arith.constant 0 : i32
      %dma_start3A_114 = tpu.memref_slice %arg7[%add3A_112, %dma_start3A_113] : memref<82x128xi32, #tpu.memory_space<vmem>> -> memref<1x128xi32, #tpu.memory_space<vmem>>
      %dma_start3A_115 = tpu.memref_squeeze %dma_start3A_114 : memref<1x128xi32, #tpu.memory_space<vmem>> -> memref<128xi32, #tpu.memory_space<vmem>>
      %dma_start3A_116 = arith.constant 0 : i32
      %dma_start3A_117 = arith.constant 0 : i32
      %dma_start3A_118 = tpu.memref_slice %arg16[%dma_start3A_116, %dma_start3A_117] : memref<10240x16xf32, #tpu.memory_space<vmem_shared>> -> memref<10240x16xf32, #tpu.memory_space<vmem_shared>>
      tpu.enqueue_indirect_dma source(%dma_start3A_118 : memref<10240x16xf32, #tpu.memory_space<vmem_shared>>) target(%arg9 : memref<128x16xf32, #tpu.memory_space<vmem>>) offsets(%dma_start3A_115 : memref<128xi32, #tpu.memory_space<vmem>>) semaphore(%arg18 : memref<!tpu.dma_semaphore, #tpu.memory_space<semaphore_mem>>)
      %add3A_119 = arith.constant 3 : i32
      %add3A_120 = arith.addi %mul3A_44, %add3A_119 : i32
      %dma_wait3A_121 = arith.constant 0 : i32
      %dma_wait3A_122 = tpu.memref_slice %arg7[%add3A_120, %dma_wait3A_121] : memref<82x128xi32, #tpu.memory_space<vmem>> -> memref<1x128xi32, #tpu.memory_space<vmem>>
      %dma_wait3A_123 = tpu.memref_squeeze %dma_wait3A_122 : memref<1x128xi32, #tpu.memory_space<vmem>> -> memref<128xi32, #tpu.memory_space<vmem>>
      %dma_wait3A_124 = arith.constant 0 : i32
      %dma_wait3A_125 = arith.constant 0 : i32
      %dma_wait3A_126 = tpu.memref_slice %arg16[%dma_wait3A_124, %dma_wait3A_125] : memref<10240x16xf32, #tpu.memory_space<vmem_shared>> -> memref<10240x16xf32, #tpu.memory_space<vmem_shared>>
      tpu.wait_indirect_dma semaphore(%arg18 : memref<!tpu.dma_semaphore, #tpu.memory_space<semaphore_mem>>) src(%dma_wait3A_126 : memref<10240x16xf32, #tpu.memory_space<vmem_shared>>) dst(%arg12 : memref<128x16xf32, #tpu.memory_space<vmem>>)
      %add3A_127 = arith.constant 3 : i32
      %add3A_128 = arith.addi %mul3A_44, %add3A_127 : i32
      %dma_start3A_129 = arith.constant 0 : i32
      %dma_start3A_130 = tpu.memref_slice %arg8[%add3A_128, %dma_start3A_129] : memref<82x128xi32, #tpu.memory_space<vmem>> -> memref<1x128xi32, #tpu.memory_space<vmem>>
      %dma_start3A_131 = tpu.memref_squeeze %dma_start3A_130 : memref<1x128xi32, #tpu.memory_space<vmem>> -> memref<128xi32, #tpu.memory_space<vmem>>
      %dma_start3A_132 = arith.constant 0 : i32
      %dma_start3A_133 = arith.constant 0 : i32
      %dma_start3A_134 = tpu.memref_slice %arg17[%dma_start3A_132, %dma_start3A_133] : memref<10240x16xf32, #tpu.memory_space<vmem_shared>> -> memref<10240x16xf32, #tpu.memory_space<vmem_shared>>
      tpu.enqueue_indirect_dma source(%arg12 : memref<128x16xf32, #tpu.memory_space<vmem>>) target(%dma_start3A_134 : memref<10240x16xf32, #tpu.memory_space<vmem_shared>>) offsets(%dma_start3A_131 : memref<128xi32, #tpu.memory_space<vmem>>) semaphore(%arg19 : memref<!tpu.dma_semaphore, #tpu.memory_space<semaphore_mem>>) {add = true}
      %dma_wait3A_135 = arith.constant 0 : i32
      %dma_wait3A_136 = tpu.memref_slice %arg8[%add3A_74, %dma_wait3A_135] : memref<82x128xi32, #tpu.memory_space<vmem>> -> memref<1x128xi32, #tpu.memory_space<vmem>>
      %dma_wait3A_137 = tpu.memref_squeeze %dma_wait3A_136 : memref<1x128xi32, #tpu.memory_space<vmem>> -> memref<128xi32, #tpu.memory_space<vmem>>
      %dma_wait3A_138 = arith.constant 0 : i32
      %dma_wait3A_139 = arith.constant 0 : i32
      %dma_wait3A_140 = tpu.memref_slice %arg17[%dma_wait3A_138, %dma_wait3A_139] : memref<10240x16xf32, #tpu.memory_space<vmem_shared>> -> memref<10240x16xf32, #tpu.memory_space<vmem_shared>>
      tpu.wait_indirect_dma semaphore(%arg19 : memref<!tpu.dma_semaphore, #tpu.memory_space<semaphore_mem>>) src(%arg10 : memref<128x16xf32, #tpu.memory_space<vmem>>) dst(%dma_wait3A_140 : memref<10240x16xf32, #tpu.memory_space<vmem_shared>>)
      %add3A_141 = arith.constant 5 : i32
      %add3A_142 = arith.addi %mul3A_44, %add3A_141 : i32
      %dma_start3A_143 = arith.constant 0 : i32
      %dma_start3A_144 = tpu.memref_slice %arg7[%add3A_142, %dma_start3A_143] : memref<82x128xi32, #tpu.memory_space<vmem>> -> memref<1x128xi32, #tpu.memory_space<vmem>>
      %dma_start3A_145 = tpu.memref_squeeze %dma_start3A_144 : memref<1x128xi32, #tpu.memory_space<vmem>> -> memref<128xi32, #tpu.memory_space<vmem>>
      %dma_start3A_146 = arith.constant 0 : i32
      %dma_start3A_147 = arith.constant 0 : i32
      %dma_start3A_148 = tpu.memref_slice %arg16[%dma_start3A_146, %dma_start3A_147] : memref<10240x16xf32, #tpu.memory_space<vmem_shared>> -> memref<10240x16xf32, #tpu.memory_space<vmem_shared>>
      tpu.enqueue_indirect_dma source(%dma_start3A_148 : memref<10240x16xf32, #tpu.memory_space<vmem_shared>>) target(%arg10 : memref<128x16xf32, #tpu.memory_space<vmem>>) offsets(%dma_start3A_145 : memref<128xi32, #tpu.memory_space<vmem>>) semaphore(%arg18 : memref<!tpu.dma_semaphore, #tpu.memory_space<semaphore_mem>>)
      %dma_wait3A_149 = arith.constant 0 : i32
      %dma_wait3A_150 = tpu.memref_slice %arg8[%add3A_98, %dma_wait3A_149] : memref<82x128xi32, #tpu.memory_space<vmem>> -> memref<1x128xi32, #tpu.memory_space<vmem>>
      %dma_wait3A_151 = tpu.memref_squeeze %dma_wait3A_150 : memref<1x128xi32, #tpu.memory_space<vmem>> -> memref<128xi32, #tpu.memory_space<vmem>>
      %dma_wait3A_152 = arith.constant 0 : i32
      %dma_wait3A_153 = arith.constant 0 : i32
      %dma_wait3A_154 = tpu.memref_slice %arg17[%dma_wait3A_152, %dma_wait3A_153] : memref<10240x16xf32, #tpu.memory_space<vmem_shared>> -> memref<10240x16xf32, #tpu.memory_space<vmem_shared>>
      tpu.wait_indirect_dma semaphore(%arg19 : memref<!tpu.dma_semaphore, #tpu.memory_space<semaphore_mem>>) src(%arg11 : memref<128x16xf32, #tpu.memory_space<vmem>>) dst(%dma_wait3A_154 : memref<10240x16xf32, #tpu.memory_space<vmem_shared>>)
      %dma_wait3A_155 = arith.constant 0 : i32
      %dma_wait3A_156 = tpu.memref_slice %arg8[%add3A_128, %dma_wait3A_155] : memref<82x128xi32, #tpu.memory_space<vmem>> -> memref<1x128xi32, #tpu.memory_space<vmem>>
      %dma_wait3A_157 = tpu.memref_squeeze %dma_wait3A_156 : memref<1x128xi32, #tpu.memory_space<vmem>> -> memref<128xi32, #tpu.memory_space<vmem>>
      %dma_wait3A_158 = arith.constant 0 : i32
      %dma_wait3A_159 = arith.constant 0 : i32
      %dma_wait3A_160 = tpu.memref_slice %arg17[%dma_wait3A_158, %dma_wait3A_159] : memref<10240x16xf32, #tpu.memory_space<vmem_shared>> -> memref<10240x16xf32, #tpu.memory_space<vmem_shared>>
      tpu.wait_indirect_dma semaphore(%arg19 : memref<!tpu.dma_semaphore, #tpu.memory_space<semaphore_mem>>) src(%arg12 : memref<128x16xf32, #tpu.memory_space<vmem>>) dst(%dma_wait3A_160 : memref<10240x16xf32, #tpu.memory_space<vmem_shared>>)
    }
    %scan3A_27 = arith.constant 20 : i32
    %dma_wait3A = arith.constant 80 : i32
    %dma_wait3A_28 = arith.constant 0 : i32
    %dma_wait3A_29 = tpu.memref_slice %arg7[%dma_wait3A, %dma_wait3A_28] : memref<82x128xi32, #tpu.memory_space<vmem>> -> memref<1x128xi32, #tpu.memory_space<vmem>>
    %dma_wait3A_30 = tpu.memref_squeeze %dma_wait3A_29 : memref<1x128xi32, #tpu.memory_space<vmem>> -> memref<128xi32, #tpu.memory_space<vmem>>
    %dma_wait3A_31 = arith.constant 0 : i32
    %dma_wait3A_32 = arith.constant 0 : i32
    %dma_wait3A_33 = tpu.memref_slice %arg16[%dma_wait3A_31, %dma_wait3A_32] : memref<10240x16xf32, #tpu.memory_space<vmem_shared>> -> memref<10240x16xf32, #tpu.memory_space<vmem_shared>>
    tpu.wait_indirect_dma semaphore(%arg18 : memref<!tpu.dma_semaphore, #tpu.memory_space<semaphore_mem>>) src(%dma_wait3A_33 : memref<10240x16xf32, #tpu.memory_space<vmem_shared>>) dst(%arg9 : memref<128x16xf32, #tpu.memory_space<vmem>>)
    %dma_wait3A_34 = arith.constant 81 : i32
    %dma_wait3A_35 = arith.constant 0 : i32
    %dma_wait3A_36 = tpu.memref_slice %arg7[%dma_wait3A_34, %dma_wait3A_35] : memref<82x128xi32, #tpu.memory_space<vmem>> -> memref<1x128xi32, #tpu.memory_space<vmem>>
    %dma_wait3A_37 = tpu.memref_squeeze %dma_wait3A_36 : memref<1x128xi32, #tpu.memory_space<vmem>> -> memref<128xi32, #tpu.memory_space<vmem>>
    %dma_wait3A_38 = arith.constant 0 : i32
    %dma_wait3A_39 = arith.constant 0 : i32
    %dma_wait3A_40 = tpu.memref_slice %arg16[%dma_wait3A_38, %dma_wait3A_39] : memref<10240x16xf32, #tpu.memory_space<vmem_shared>> -> memref<10240x16xf32, #tpu.memory_space<vmem_shared>>
    tpu.wait_indirect_dma semaphore(%arg18 : memref<!tpu.dma_semaphore, #tpu.memory_space<semaphore_mem>>) src(%dma_wait3A_40 : memref<10240x16xf32, #tpu.memory_space<vmem_shared>>) dst(%arg10 : memref<128x16xf32, #tpu.memory_space<vmem>>)
    %barrier3A_41 = arith.constant 0 : index
    tpu.barrier barrier_id(%barrier3A_41)
    "tpu.region"() ({
      %run_scoped3A_42 = tpu.sem_alloc : memref<!tpu.dma_semaphore, #tpu.memory_space<semaphore_mem>>
      %dma_start3A_43 = arith.constant 0 : i32
      %dma_start3A_44 = tpu.memref_slice %arg6[%arg0, %mul3A_2, %dma_start3A_43] : memref<2x10240x16xf32, #tpu.memory_space<hbm>> -> memref<1x640x16xf32, #tpu.memory_space<hbm>>
      %dma_start3A_45 = tpu.memref_squeeze %dma_start3A_44 : memref<1x640x16xf32, #tpu.memory_space<hbm>> -> memref<640x16xf32, #tpu.memory_space<hbm>>
      %dma_start3A_46 = arith.constant 0 : i32
      %dma_start3A_47 = tpu.memref_slice %arg17[%mul3A_2, %dma_start3A_46] : memref<10240x16xf32, #tpu.memory_space<vmem_shared>> -> memref<640x16xf32, #tpu.memory_space<vmem_shared>>
      tpu.enqueue_dma source(%dma_start3A_47 : memref<640x16xf32, #tpu.memory_space<vmem_shared>>) target(%dma_start3A_45 : memref<640x16xf32, #tpu.memory_space<hbm>>) target_semaphore(%run_scoped3A_42 : memref<!tpu.dma_semaphore, #tpu.memory_space<semaphore_mem>>)
      %dma_wait3A_48 = arith.constant 0 : i32
      %dma_wait3A_49 = tpu.memref_slice %arg6[%arg0, %mul3A_2, %dma_wait3A_48] : memref<2x10240x16xf32, #tpu.memory_space<hbm>> -> memref<1x640x16xf32, #tpu.memory_space<hbm>>
      %dma_wait3A_50 = tpu.memref_squeeze %dma_wait3A_49 : memref<1x640x16xf32, #tpu.memory_space<hbm>> -> memref<640x16xf32, #tpu.memory_space<hbm>>
      %dma_wait3A_51 = arith.constant 0 : i32
      %dma_wait3A_52 = tpu.memref_slice %arg17[%mul3A_2, %dma_wait3A_51] : memref<10240x16xf32, #tpu.memory_space<vmem_shared>> -> memref<640x16xf32, #tpu.memory_space<vmem_shared>>
      tpu.wait_dma2 semaphore(%run_scoped3A_42 : memref<!tpu.dma_semaphore, #tpu.memory_space<semaphore_mem>>) src(%dma_wait3A_52 : memref<640x16xf32, #tpu.memory_space<vmem_shared>>) dst(%dma_wait3A_50 : memref<640x16xf32, #tpu.memory_space<hbm>>)
      tpu.yield
    }) : () -> ()
    return
  }
}

#map = affine_map<(d0, d1) -> (0, 0)>
#map1 = affine_map<(d0, d1) -> (0, 0, 0)>
module attributes {stable_mosaic.version = 14 : i64} {
  func.func @deg(%arg0: i32, %arg1: i32, %arg2: memref<10240x16xf32, #tpu.memory_space<hbm>>, %arg3: memref<32x82x128xi32, #tpu.memory_space<hbm>>, %arg4: memref<2x10240x16xf32, #tpu.memory_space<hbm>>, %arg5: memref<82x128xi32, #tpu.memory_space<vmem>>, %arg6: memref<128x16xf32, #tpu.memory_space<vmem>>, %arg7: memref<10240x16xf32, #tpu.memory_space<vmem_shared>>, %arg8: memref<!tpu.dma_semaphore, #tpu.memory_space<semaphore_mem>>) attributes {dimension_semantics = [#tpu.dimension_semantics<core_parallel>, #tpu.dimension_semantics<subcore_parallel>], iteration_bounds = array<i64: 2, 16>, scalar_prefetch = 0 : i64, scratch_operands = 4 : i64, tpu.core_type = #tpu.core_type<sc_vector_subcore>, window_params = [{transform_indices = #map}, {transform_indices = #map1}, {transform_indices = #map1}]} {
    %mul3A = arith.constant 16 : i32
    %mul3A_0 = arith.muli %arg0, %mul3A : i32
    %add3A = arith.addi %mul3A_0, %arg1 : i32
    %mul3A_1 = arith.constant 640 : i32
    %mul3A_2 = arith.muli %arg1, %mul3A_1 : i32
    "tpu.region"() ({
      %run_scoped3A = tpu.sem_alloc : memref<!tpu.dma_semaphore, #tpu.memory_space<semaphore_mem>>
      %dma_start3A = arith.constant 0 : i32
      %dma_start3A_9 = tpu.memref_slice %arg7[%mul3A_2, %dma_start3A] : memref<10240x16xf32, #tpu.memory_space<vmem_shared>> -> memref<640x16xf32, #tpu.memory_space<vmem_shared>>
      %dma_start3A_10 = arith.constant 0 : i32
      %dma_start3A_11 = tpu.memref_slice %arg2[%mul3A_2, %dma_start3A_10] : memref<10240x16xf32, #tpu.memory_space<hbm>> -> memref<640x16xf32, #tpu.memory_space<hbm>>
      tpu.enqueue_dma source(%dma_start3A_11 : memref<640x16xf32, #tpu.memory_space<hbm>>) target(%dma_start3A_9 : memref<640x16xf32, #tpu.memory_space<vmem_shared>>) target_semaphore(%run_scoped3A : memref<!tpu.dma_semaphore, #tpu.memory_space<semaphore_mem>>)
      %dma_wait3A = arith.constant 0 : i32
      %dma_wait3A_12 = tpu.memref_slice %arg7[%mul3A_2, %dma_wait3A] : memref<10240x16xf32, #tpu.memory_space<vmem_shared>> -> memref<640x16xf32, #tpu.memory_space<vmem_shared>>
      %dma_wait3A_13 = arith.constant 0 : i32
      %dma_wait3A_14 = tpu.memref_slice %arg2[%mul3A_2, %dma_wait3A_13] : memref<10240x16xf32, #tpu.memory_space<hbm>> -> memref<640x16xf32, #tpu.memory_space<hbm>>
      tpu.wait_dma2 semaphore(%run_scoped3A : memref<!tpu.dma_semaphore, #tpu.memory_space<semaphore_mem>>) src(%dma_wait3A_14 : memref<640x16xf32, #tpu.memory_space<hbm>>) dst(%dma_wait3A_12 : memref<640x16xf32, #tpu.memory_space<vmem_shared>>)
      tpu.yield
    }) : () -> ()
    "tpu.region"() ({
      %run_scoped3A = tpu.sem_alloc : memref<!tpu.dma_semaphore, #tpu.memory_space<semaphore_mem>>
      %dma_start3A = arith.constant 0 : i32
      %dma_start3A_9 = arith.constant 0 : i32
      %dma_start3A_10 = tpu.memref_slice %arg3[%add3A, %dma_start3A, %dma_start3A_9] : memref<32x82x128xi32, #tpu.memory_space<hbm>> -> memref<1x82x128xi32, #tpu.memory_space<hbm>>
      %dma_start3A_11 = tpu.memref_squeeze %dma_start3A_10 : memref<1x82x128xi32, #tpu.memory_space<hbm>> -> memref<82x128xi32, #tpu.memory_space<hbm>>
      %dma_start3A_12 = arith.constant 0 : i32
      %dma_start3A_13 = arith.constant 0 : i32
      %dma_start3A_14 = tpu.memref_slice %arg3[%add3A, %dma_start3A_12, %dma_start3A_13] : memref<32x82x128xi32, #tpu.memory_space<hbm>> -> memref<1x82x128xi32, #tpu.memory_space<hbm>>
      %dma_start3A_15 = tpu.memref_squeeze %dma_start3A_14 : memref<1x82x128xi32, #tpu.memory_space<hbm>> -> memref<82x128xi32, #tpu.memory_space<hbm>>
      tpu.enqueue_dma source(%dma_start3A_15 : memref<82x128xi32, #tpu.memory_space<hbm>>) target(%arg5 : memref<82x128xi32, #tpu.memory_space<vmem>>) target_semaphore(%run_scoped3A : memref<!tpu.dma_semaphore, #tpu.memory_space<semaphore_mem>>)
      %dma_wait3A = arith.constant 0 : i32
      %dma_wait3A_16 = arith.constant 0 : i32
      %dma_wait3A_17 = tpu.memref_slice %arg3[%add3A, %dma_wait3A, %dma_wait3A_16] : memref<32x82x128xi32, #tpu.memory_space<hbm>> -> memref<1x82x128xi32, #tpu.memory_space<hbm>>
      %dma_wait3A_18 = tpu.memref_squeeze %dma_wait3A_17 : memref<1x82x128xi32, #tpu.memory_space<hbm>> -> memref<82x128xi32, #tpu.memory_space<hbm>>
      %dma_wait3A_19 = arith.constant 0 : i32
      %dma_wait3A_20 = arith.constant 0 : i32
      %dma_wait3A_21 = tpu.memref_slice %arg3[%add3A, %dma_wait3A_19, %dma_wait3A_20] : memref<32x82x128xi32, #tpu.memory_space<hbm>> -> memref<1x82x128xi32, #tpu.memory_space<hbm>>
      %dma_wait3A_22 = tpu.memref_squeeze %dma_wait3A_21 : memref<1x82x128xi32, #tpu.memory_space<hbm>> -> memref<82x128xi32, #tpu.memory_space<hbm>>
      tpu.wait_dma2 semaphore(%run_scoped3A : memref<!tpu.dma_semaphore, #tpu.memory_space<semaphore_mem>>) src(%dma_wait3A_22 : memref<82x128xi32, #tpu.memory_space<hbm>>) dst(%arg5 : memref<82x128xi32, #tpu.memory_space<vmem>>)
      tpu.yield
    }) : () -> ()
    "tpu.region"() ({
      %run_scoped3A = tpu.sem_alloc : memref<!tpu.dma_semaphore, #tpu.memory_space<semaphore_mem>>
      %dma_start3A = arith.constant 0 : i32
      %dma_start3A_9 = arith.constant 0 : i32
      %dma_start3A_10 = tpu.memref_slice %arg2[%dma_start3A, %dma_start3A_9] : memref<10240x16xf32, #tpu.memory_space<hbm>> -> memref<128x16xf32, #tpu.memory_space<hbm>>
      %dma_start3A_11 = arith.constant 0 : i32
      %dma_start3A_12 = arith.constant 0 : i32
      %dma_start3A_13 = tpu.memref_slice %arg2[%dma_start3A_11, %dma_start3A_12] : memref<10240x16xf32, #tpu.memory_space<hbm>> -> memref<128x16xf32, #tpu.memory_space<hbm>>
      tpu.enqueue_dma source(%dma_start3A_13 : memref<128x16xf32, #tpu.memory_space<hbm>>) target(%arg6 : memref<128x16xf32, #tpu.memory_space<vmem>>) target_semaphore(%run_scoped3A : memref<!tpu.dma_semaphore, #tpu.memory_space<semaphore_mem>>)
      %dma_wait3A = arith.constant 0 : i32
      %dma_wait3A_14 = arith.constant 0 : i32
      %dma_wait3A_15 = tpu.memref_slice %arg2[%dma_wait3A, %dma_wait3A_14] : memref<10240x16xf32, #tpu.memory_space<hbm>> -> memref<128x16xf32, #tpu.memory_space<hbm>>
      %dma_wait3A_16 = arith.constant 0 : i32
      %dma_wait3A_17 = arith.constant 0 : i32
      %dma_wait3A_18 = tpu.memref_slice %arg2[%dma_wait3A_16, %dma_wait3A_17] : memref<10240x16xf32, #tpu.memory_space<hbm>> -> memref<128x16xf32, #tpu.memory_space<hbm>>
      tpu.wait_dma2 semaphore(%run_scoped3A : memref<!tpu.dma_semaphore, #tpu.memory_space<semaphore_mem>>) src(%dma_wait3A_18 : memref<128x16xf32, #tpu.memory_space<hbm>>) dst(%arg6 : memref<128x16xf32, #tpu.memory_space<vmem>>)
      tpu.yield
    }) : () -> ()
    %barrier3A = arith.constant 0 : index
    tpu.barrier barrier_id(%barrier3A)
    %scan3A = arith.constant 0 : i32
    %scan3A_3 = arith.constant 0 : i32
    %scan3A_4 = arith.constant 5 : i32
    %scan3A_5 = arith.addi %scan3A_3, %scan3A_4 : i32
    %scan3A_6 = arith.constant 1 : i32
    scf.for %scan3A_9 = %scan3A_3 to %scan3A_5 step %scan3A_6  : i32 {
      %mul3A_10 = arith.constant 16 : i32
      %mul3A_11 = arith.muli %scan3A_9, %mul3A_10 : i32
      %add3A_12 = arith.constant 0 : i32
      %add3A_13 = arith.addi %mul3A_11, %add3A_12 : i32
      %dma_start3A = arith.constant 0 : i32
      %dma_start3A_14 = tpu.memref_slice %arg5[%add3A_13, %dma_start3A] : memref<82x128xi32, #tpu.memory_space<vmem>> -> memref<1x128xi32, #tpu.memory_space<vmem>>
      %dma_start3A_15 = tpu.memref_squeeze %dma_start3A_14 : memref<1x128xi32, #tpu.memory_space<vmem>> -> memref<128xi32, #tpu.memory_space<vmem>>
      %dma_start3A_16 = arith.constant 0 : i32
      %dma_start3A_17 = arith.constant 0 : i32
      %dma_start3A_18 = tpu.memref_slice %arg7[%dma_start3A_16, %dma_start3A_17] : memref<10240x16xf32, #tpu.memory_space<vmem_shared>> -> memref<10240x16xf32, #tpu.memory_space<vmem_shared>>
      tpu.enqueue_indirect_dma source(%arg6 : memref<128x16xf32, #tpu.memory_space<vmem>>) target(%dma_start3A_18 : memref<10240x16xf32, #tpu.memory_space<vmem_shared>>) offsets(%dma_start3A_15 : memref<128xi32, #tpu.memory_space<vmem>>) semaphore(%arg8 : memref<!tpu.dma_semaphore, #tpu.memory_space<semaphore_mem>>) {add = true}
      %mul3A_19 = arith.constant 16 : i32
      %mul3A_20 = arith.muli %scan3A_9, %mul3A_19 : i32
      %add3A_21 = arith.constant 1 : i32
      %add3A_22 = arith.addi %mul3A_20, %add3A_21 : i32
      %dma_start3A_23 = arith.constant 0 : i32
      %dma_start3A_24 = tpu.memref_slice %arg5[%add3A_22, %dma_start3A_23] : memref<82x128xi32, #tpu.memory_space<vmem>> -> memref<1x128xi32, #tpu.memory_space<vmem>>
      %dma_start3A_25 = tpu.memref_squeeze %dma_start3A_24 : memref<1x128xi32, #tpu.memory_space<vmem>> -> memref<128xi32, #tpu.memory_space<vmem>>
      %dma_start3A_26 = arith.constant 0 : i32
      %dma_start3A_27 = arith.constant 0 : i32
      %dma_start3A_28 = tpu.memref_slice %arg7[%dma_start3A_26, %dma_start3A_27] : memref<10240x16xf32, #tpu.memory_space<vmem_shared>> -> memref<10240x16xf32, #tpu.memory_space<vmem_shared>>
      tpu.enqueue_indirect_dma source(%arg6 : memref<128x16xf32, #tpu.memory_space<vmem>>) target(%dma_start3A_28 : memref<10240x16xf32, #tpu.memory_space<vmem_shared>>) offsets(%dma_start3A_25 : memref<128xi32, #tpu.memory_space<vmem>>) semaphore(%arg8 : memref<!tpu.dma_semaphore, #tpu.memory_space<semaphore_mem>>) {add = true}
      %mul3A_29 = arith.constant 16 : i32
      %mul3A_30 = arith.muli %scan3A_9, %mul3A_29 : i32
      %add3A_31 = arith.constant 2 : i32
      %add3A_32 = arith.addi %mul3A_30, %add3A_31 : i32
      %dma_start3A_33 = arith.constant 0 : i32
      %dma_start3A_34 = tpu.memref_slice %arg5[%add3A_32, %dma_start3A_33] : memref<82x128xi32, #tpu.memory_space<vmem>> -> memref<1x128xi32, #tpu.memory_space<vmem>>
      %dma_start3A_35 = tpu.memref_squeeze %dma_start3A_34 : memref<1x128xi32, #tpu.memory_space<vmem>> -> memref<128xi32, #tpu.memory_space<vmem>>
      %dma_start3A_36 = arith.constant 0 : i32
      %dma_start3A_37 = arith.constant 0 : i32
      %dma_start3A_38 = tpu.memref_slice %arg7[%dma_start3A_36, %dma_start3A_37] : memref<10240x16xf32, #tpu.memory_space<vmem_shared>> -> memref<10240x16xf32, #tpu.memory_space<vmem_shared>>
      tpu.enqueue_indirect_dma source(%arg6 : memref<128x16xf32, #tpu.memory_space<vmem>>) target(%dma_start3A_38 : memref<10240x16xf32, #tpu.memory_space<vmem_shared>>) offsets(%dma_start3A_35 : memref<128xi32, #tpu.memory_space<vmem>>) semaphore(%arg8 : memref<!tpu.dma_semaphore, #tpu.memory_space<semaphore_mem>>) {add = true}
      %mul3A_39 = arith.constant 16 : i32
      %mul3A_40 = arith.muli %scan3A_9, %mul3A_39 : i32
      %add3A_41 = arith.constant 3 : i32
      %add3A_42 = arith.addi %mul3A_40, %add3A_41 : i32
      %dma_start3A_43 = arith.constant 0 : i32
      %dma_start3A_44 = tpu.memref_slice %arg5[%add3A_42, %dma_start3A_43] : memref<82x128xi32, #tpu.memory_space<vmem>> -> memref<1x128xi32, #tpu.memory_space<vmem>>
      %dma_start3A_45 = tpu.memref_squeeze %dma_start3A_44 : memref<1x128xi32, #tpu.memory_space<vmem>> -> memref<128xi32, #tpu.memory_space<vmem>>
      %dma_start3A_46 = arith.constant 0 : i32
      %dma_start3A_47 = arith.constant 0 : i32
      %dma_start3A_48 = tpu.memref_slice %arg7[%dma_start3A_46, %dma_start3A_47] : memref<10240x16xf32, #tpu.memory_space<vmem_shared>> -> memref<10240x16xf32, #tpu.memory_space<vmem_shared>>
      tpu.enqueue_indirect_dma source(%arg6 : memref<128x16xf32, #tpu.memory_space<vmem>>) target(%dma_start3A_48 : memref<10240x16xf32, #tpu.memory_space<vmem_shared>>) offsets(%dma_start3A_45 : memref<128xi32, #tpu.memory_space<vmem>>) semaphore(%arg8 : memref<!tpu.dma_semaphore, #tpu.memory_space<semaphore_mem>>) {add = true}
      %mul3A_49 = arith.constant 16 : i32
      %mul3A_50 = arith.muli %scan3A_9, %mul3A_49 : i32
      %add3A_51 = arith.constant 4 : i32
      %add3A_52 = arith.addi %mul3A_50, %add3A_51 : i32
      %dma_start3A_53 = arith.constant 0 : i32
      %dma_start3A_54 = tpu.memref_slice %arg5[%add3A_52, %dma_start3A_53] : memref<82x128xi32, #tpu.memory_space<vmem>> -> memref<1x128xi32, #tpu.memory_space<vmem>>
      %dma_start3A_55 = tpu.memref_squeeze %dma_start3A_54 : memref<1x128xi32, #tpu.memory_space<vmem>> -> memref<128xi32, #tpu.memory_space<vmem>>
      %dma_start3A_56 = arith.constant 0 : i32
      %dma_start3A_57 = arith.constant 0 : i32
      %dma_start3A_58 = tpu.memref_slice %arg7[%dma_start3A_56, %dma_start3A_57] : memref<10240x16xf32, #tpu.memory_space<vmem_shared>> -> memref<10240x16xf32, #tpu.memory_space<vmem_shared>>
      tpu.enqueue_indirect_dma source(%arg6 : memref<128x16xf32, #tpu.memory_space<vmem>>) target(%dma_start3A_58 : memref<10240x16xf32, #tpu.memory_space<vmem_shared>>) offsets(%dma_start3A_55 : memref<128xi32, #tpu.memory_space<vmem>>) semaphore(%arg8 : memref<!tpu.dma_semaphore, #tpu.memory_space<semaphore_mem>>) {add = true}
      %mul3A_59 = arith.constant 16 : i32
      %mul3A_60 = arith.muli %scan3A_9, %mul3A_59 : i32
      %add3A_61 = arith.constant 5 : i32
      %add3A_62 = arith.addi %mul3A_60, %add3A_61 : i32
      %dma_start3A_63 = arith.constant 0 : i32
      %dma_start3A_64 = tpu.memref_slice %arg5[%add3A_62, %dma_start3A_63] : memref<82x128xi32, #tpu.memory_space<vmem>> -> memref<1x128xi32, #tpu.memory_space<vmem>>
      %dma_start3A_65 = tpu.memref_squeeze %dma_start3A_64 : memref<1x128xi32, #tpu.memory_space<vmem>> -> memref<128xi32, #tpu.memory_space<vmem>>
      %dma_start3A_66 = arith.constant 0 : i32
      %dma_start3A_67 = arith.constant 0 : i32
      %dma_start3A_68 = tpu.memref_slice %arg7[%dma_start3A_66, %dma_start3A_67] : memref<10240x16xf32, #tpu.memory_space<vmem_shared>> -> memref<10240x16xf32, #tpu.memory_space<vmem_shared>>
      tpu.enqueue_indirect_dma source(%arg6 : memref<128x16xf32, #tpu.memory_space<vmem>>) target(%dma_start3A_68 : memref<10240x16xf32, #tpu.memory_space<vmem_shared>>) offsets(%dma_start3A_65 : memref<128xi32, #tpu.memory_space<vmem>>) semaphore(%arg8 : memref<!tpu.dma_semaphore, #tpu.memory_space<semaphore_mem>>) {add = true}
      %mul3A_69 = arith.constant 16 : i32
      %mul3A_70 = arith.muli %scan3A_9, %mul3A_69 : i32
      %add3A_71 = arith.constant 6 : i32
      %add3A_72 = arith.addi %mul3A_70, %add3A_71 : i32
      %dma_start3A_73 = arith.constant 0 : i32
      %dma_start3A_74 = tpu.memref_slice %arg5[%add3A_72, %dma_start3A_73] : memref<82x128xi32, #tpu.memory_space<vmem>> -> memref<1x128xi32, #tpu.memory_space<vmem>>
      %dma_start3A_75 = tpu.memref_squeeze %dma_start3A_74 : memref<1x128xi32, #tpu.memory_space<vmem>> -> memref<128xi32, #tpu.memory_space<vmem>>
      %dma_start3A_76 = arith.constant 0 : i32
      %dma_start3A_77 = arith.constant 0 : i32
      %dma_start3A_78 = tpu.memref_slice %arg7[%dma_start3A_76, %dma_start3A_77] : memref<10240x16xf32, #tpu.memory_space<vmem_shared>> -> memref<10240x16xf32, #tpu.memory_space<vmem_shared>>
      tpu.enqueue_indirect_dma source(%arg6 : memref<128x16xf32, #tpu.memory_space<vmem>>) target(%dma_start3A_78 : memref<10240x16xf32, #tpu.memory_space<vmem_shared>>) offsets(%dma_start3A_75 : memref<128xi32, #tpu.memory_space<vmem>>) semaphore(%arg8 : memref<!tpu.dma_semaphore, #tpu.memory_space<semaphore_mem>>) {add = true}
      %mul3A_79 = arith.constant 16 : i32
      %mul3A_80 = arith.muli %scan3A_9, %mul3A_79 : i32
      %add3A_81 = arith.constant 7 : i32
      %add3A_82 = arith.addi %mul3A_80, %add3A_81 : i32
      %dma_start3A_83 = arith.constant 0 : i32
      %dma_start3A_84 = tpu.memref_slice %arg5[%add3A_82, %dma_start3A_83] : memref<82x128xi32, #tpu.memory_space<vmem>> -> memref<1x128xi32, #tpu.memory_space<vmem>>
      %dma_start3A_85 = tpu.memref_squeeze %dma_start3A_84 : memref<1x128xi32, #tpu.memory_space<vmem>> -> memref<128xi32, #tpu.memory_space<vmem>>
      %dma_start3A_86 = arith.constant 0 : i32
      %dma_start3A_87 = arith.constant 0 : i32
      %dma_start3A_88 = tpu.memref_slice %arg7[%dma_start3A_86, %dma_start3A_87] : memref<10240x16xf32, #tpu.memory_space<vmem_shared>> -> memref<10240x16xf32, #tpu.memory_space<vmem_shared>>
      tpu.enqueue_indirect_dma source(%arg6 : memref<128x16xf32, #tpu.memory_space<vmem>>) target(%dma_start3A_88 : memref<10240x16xf32, #tpu.memory_space<vmem_shared>>) offsets(%dma_start3A_85 : memref<128xi32, #tpu.memory_space<vmem>>) semaphore(%arg8 : memref<!tpu.dma_semaphore, #tpu.memory_space<semaphore_mem>>) {add = true}
      %mul3A_89 = arith.constant 16 : i32
      %mul3A_90 = arith.muli %scan3A_9, %mul3A_89 : i32
      %add3A_91 = arith.constant 8 : i32
      %add3A_92 = arith.addi %mul3A_90, %add3A_91 : i32
      %dma_start3A_93 = arith.constant 0 : i32
      %dma_start3A_94 = tpu.memref_slice %arg5[%add3A_92, %dma_start3A_93] : memref<82x128xi32, #tpu.memory_space<vmem>> -> memref<1x128xi32, #tpu.memory_space<vmem>>
      %dma_start3A_95 = tpu.memref_squeeze %dma_start3A_94 : memref<1x128xi32, #tpu.memory_space<vmem>> -> memref<128xi32, #tpu.memory_space<vmem>>
      %dma_start3A_96 = arith.constant 0 : i32
      %dma_start3A_97 = arith.constant 0 : i32
      %dma_start3A_98 = tpu.memref_slice %arg7[%dma_start3A_96, %dma_start3A_97] : memref<10240x16xf32, #tpu.memory_space<vmem_shared>> -> memref<10240x16xf32, #tpu.memory_space<vmem_shared>>
      tpu.enqueue_indirect_dma source(%arg6 : memref<128x16xf32, #tpu.memory_space<vmem>>) target(%dma_start3A_98 : memref<10240x16xf32, #tpu.memory_space<vmem_shared>>) offsets(%dma_start3A_95 : memref<128xi32, #tpu.memory_space<vmem>>) semaphore(%arg8 : memref<!tpu.dma_semaphore, #tpu.memory_space<semaphore_mem>>) {add = true}
      %mul3A_99 = arith.constant 16 : i32
      %mul3A_100 = arith.muli %scan3A_9, %mul3A_99 : i32
      %add3A_101 = arith.constant 9 : i32
      %add3A_102 = arith.addi %mul3A_100, %add3A_101 : i32
      %dma_start3A_103 = arith.constant 0 : i32
      %dma_start3A_104 = tpu.memref_slice %arg5[%add3A_102, %dma_start3A_103] : memref<82x128xi32, #tpu.memory_space<vmem>> -> memref<1x128xi32, #tpu.memory_space<vmem>>
      %dma_start3A_105 = tpu.memref_squeeze %dma_start3A_104 : memref<1x128xi32, #tpu.memory_space<vmem>> -> memref<128xi32, #tpu.memory_space<vmem>>
      %dma_start3A_106 = arith.constant 0 : i32
      %dma_start3A_107 = arith.constant 0 : i32
      %dma_start3A_108 = tpu.memref_slice %arg7[%dma_start3A_106, %dma_start3A_107] : memref<10240x16xf32, #tpu.memory_space<vmem_shared>> -> memref<10240x16xf32, #tpu.memory_space<vmem_shared>>
      tpu.enqueue_indirect_dma source(%arg6 : memref<128x16xf32, #tpu.memory_space<vmem>>) target(%dma_start3A_108 : memref<10240x16xf32, #tpu.memory_space<vmem_shared>>) offsets(%dma_start3A_105 : memref<128xi32, #tpu.memory_space<vmem>>) semaphore(%arg8 : memref<!tpu.dma_semaphore, #tpu.memory_space<semaphore_mem>>) {add = true}
      %mul3A_109 = arith.constant 16 : i32
      %mul3A_110 = arith.muli %scan3A_9, %mul3A_109 : i32
      %add3A_111 = arith.constant 10 : i32
      %add3A_112 = arith.addi %mul3A_110, %add3A_111 : i32
      %dma_start3A_113 = arith.constant 0 : i32
      %dma_start3A_114 = tpu.memref_slice %arg5[%add3A_112, %dma_start3A_113] : memref<82x128xi32, #tpu.memory_space<vmem>> -> memref<1x128xi32, #tpu.memory_space<vmem>>
      %dma_start3A_115 = tpu.memref_squeeze %dma_start3A_114 : memref<1x128xi32, #tpu.memory_space<vmem>> -> memref<128xi32, #tpu.memory_space<vmem>>
      %dma_start3A_116 = arith.constant 0 : i32
      %dma_start3A_117 = arith.constant 0 : i32
      %dma_start3A_118 = tpu.memref_slice %arg7[%dma_start3A_116, %dma_start3A_117] : memref<10240x16xf32, #tpu.memory_space<vmem_shared>> -> memref<10240x16xf32, #tpu.memory_space<vmem_shared>>
      tpu.enqueue_indirect_dma source(%arg6 : memref<128x16xf32, #tpu.memory_space<vmem>>) target(%dma_start3A_118 : memref<10240x16xf32, #tpu.memory_space<vmem_shared>>) offsets(%dma_start3A_115 : memref<128xi32, #tpu.memory_space<vmem>>) semaphore(%arg8 : memref<!tpu.dma_semaphore, #tpu.memory_space<semaphore_mem>>) {add = true}
      %mul3A_119 = arith.constant 16 : i32
      %mul3A_120 = arith.muli %scan3A_9, %mul3A_119 : i32
      %add3A_121 = arith.constant 11 : i32
      %add3A_122 = arith.addi %mul3A_120, %add3A_121 : i32
      %dma_start3A_123 = arith.constant 0 : i32
      %dma_start3A_124 = tpu.memref_slice %arg5[%add3A_122, %dma_start3A_123] : memref<82x128xi32, #tpu.memory_space<vmem>> -> memref<1x128xi32, #tpu.memory_space<vmem>>
      %dma_start3A_125 = tpu.memref_squeeze %dma_start3A_124 : memref<1x128xi32, #tpu.memory_space<vmem>> -> memref<128xi32, #tpu.memory_space<vmem>>
      %dma_start3A_126 = arith.constant 0 : i32
      %dma_start3A_127 = arith.constant 0 : i32
      %dma_start3A_128 = tpu.memref_slice %arg7[%dma_start3A_126, %dma_start3A_127] : memref<10240x16xf32, #tpu.memory_space<vmem_shared>> -> memref<10240x16xf32, #tpu.memory_space<vmem_shared>>
      tpu.enqueue_indirect_dma source(%arg6 : memref<128x16xf32, #tpu.memory_space<vmem>>) target(%dma_start3A_128 : memref<10240x16xf32, #tpu.memory_space<vmem_shared>>) offsets(%dma_start3A_125 : memref<128xi32, #tpu.memory_space<vmem>>) semaphore(%arg8 : memref<!tpu.dma_semaphore, #tpu.memory_space<semaphore_mem>>) {add = true}
      %mul3A_129 = arith.constant 16 : i32
      %mul3A_130 = arith.muli %scan3A_9, %mul3A_129 : i32
      %add3A_131 = arith.constant 12 : i32
      %add3A_132 = arith.addi %mul3A_130, %add3A_131 : i32
      %dma_start3A_133 = arith.constant 0 : i32
      %dma_start3A_134 = tpu.memref_slice %arg5[%add3A_132, %dma_start3A_133] : memref<82x128xi32, #tpu.memory_space<vmem>> -> memref<1x128xi32, #tpu.memory_space<vmem>>
      %dma_start3A_135 = tpu.memref_squeeze %dma_start3A_134 : memref<1x128xi32, #tpu.memory_space<vmem>> -> memref<128xi32, #tpu.memory_space<vmem>>
      %dma_start3A_136 = arith.constant 0 : i32
      %dma_start3A_137 = arith.constant 0 : i32
      %dma_start3A_138 = tpu.memref_slice %arg7[%dma_start3A_136, %dma_start3A_137] : memref<10240x16xf32, #tpu.memory_space<vmem_shared>> -> memref<10240x16xf32, #tpu.memory_space<vmem_shared>>
      tpu.enqueue_indirect_dma source(%arg6 : memref<128x16xf32, #tpu.memory_space<vmem>>) target(%dma_start3A_138 : memref<10240x16xf32, #tpu.memory_space<vmem_shared>>) offsets(%dma_start3A_135 : memref<128xi32, #tpu.memory_space<vmem>>) semaphore(%arg8 : memref<!tpu.dma_semaphore, #tpu.memory_space<semaphore_mem>>) {add = true}
      %mul3A_139 = arith.constant 16 : i32
      %mul3A_140 = arith.muli %scan3A_9, %mul3A_139 : i32
      %add3A_141 = arith.constant 13 : i32
      %add3A_142 = arith.addi %mul3A_140, %add3A_141 : i32
      %dma_start3A_143 = arith.constant 0 : i32
      %dma_start3A_144 = tpu.memref_slice %arg5[%add3A_142, %dma_start3A_143] : memref<82x128xi32, #tpu.memory_space<vmem>> -> memref<1x128xi32, #tpu.memory_space<vmem>>
      %dma_start3A_145 = tpu.memref_squeeze %dma_start3A_144 : memref<1x128xi32, #tpu.memory_space<vmem>> -> memref<128xi32, #tpu.memory_space<vmem>>
      %dma_start3A_146 = arith.constant 0 : i32
      %dma_start3A_147 = arith.constant 0 : i32
      %dma_start3A_148 = tpu.memref_slice %arg7[%dma_start3A_146, %dma_start3A_147] : memref<10240x16xf32, #tpu.memory_space<vmem_shared>> -> memref<10240x16xf32, #tpu.memory_space<vmem_shared>>
      tpu.enqueue_indirect_dma source(%arg6 : memref<128x16xf32, #tpu.memory_space<vmem>>) target(%dma_start3A_148 : memref<10240x16xf32, #tpu.memory_space<vmem_shared>>) offsets(%dma_start3A_145 : memref<128xi32, #tpu.memory_space<vmem>>) semaphore(%arg8 : memref<!tpu.dma_semaphore, #tpu.memory_space<semaphore_mem>>) {add = true}
      %mul3A_149 = arith.constant 16 : i32
      %mul3A_150 = arith.muli %scan3A_9, %mul3A_149 : i32
      %add3A_151 = arith.constant 14 : i32
      %add3A_152 = arith.addi %mul3A_150, %add3A_151 : i32
      %dma_start3A_153 = arith.constant 0 : i32
      %dma_start3A_154 = tpu.memref_slice %arg5[%add3A_152, %dma_start3A_153] : memref<82x128xi32, #tpu.memory_space<vmem>> -> memref<1x128xi32, #tpu.memory_space<vmem>>
      %dma_start3A_155 = tpu.memref_squeeze %dma_start3A_154 : memref<1x128xi32, #tpu.memory_space<vmem>> -> memref<128xi32, #tpu.memory_space<vmem>>
      %dma_start3A_156 = arith.constant 0 : i32
      %dma_start3A_157 = arith.constant 0 : i32
      %dma_start3A_158 = tpu.memref_slice %arg7[%dma_start3A_156, %dma_start3A_157] : memref<10240x16xf32, #tpu.memory_space<vmem_shared>> -> memref<10240x16xf32, #tpu.memory_space<vmem_shared>>
      tpu.enqueue_indirect_dma source(%arg6 : memref<128x16xf32, #tpu.memory_space<vmem>>) target(%dma_start3A_158 : memref<10240x16xf32, #tpu.memory_space<vmem_shared>>) offsets(%dma_start3A_155 : memref<128xi32, #tpu.memory_space<vmem>>) semaphore(%arg8 : memref<!tpu.dma_semaphore, #tpu.memory_space<semaphore_mem>>) {add = true}
      %mul3A_159 = arith.constant 16 : i32
      %mul3A_160 = arith.muli %scan3A_9, %mul3A_159 : i32
      %add3A_161 = arith.constant 15 : i32
      %add3A_162 = arith.addi %mul3A_160, %add3A_161 : i32
      %dma_start3A_163 = arith.constant 0 : i32
      %dma_start3A_164 = tpu.memref_slice %arg5[%add3A_162, %dma_start3A_163] : memref<82x128xi32, #tpu.memory_space<vmem>> -> memref<1x128xi32, #tpu.memory_space<vmem>>
      %dma_start3A_165 = tpu.memref_squeeze %dma_start3A_164 : memref<1x128xi32, #tpu.memory_space<vmem>> -> memref<128xi32, #tpu.memory_space<vmem>>
      %dma_start3A_166 = arith.constant 0 : i32
      %dma_start3A_167 = arith.constant 0 : i32
      %dma_start3A_168 = tpu.memref_slice %arg7[%dma_start3A_166, %dma_start3A_167] : memref<10240x16xf32, #tpu.memory_space<vmem_shared>> -> memref<10240x16xf32, #tpu.memory_space<vmem_shared>>
      tpu.enqueue_indirect_dma source(%arg6 : memref<128x16xf32, #tpu.memory_space<vmem>>) target(%dma_start3A_168 : memref<10240x16xf32, #tpu.memory_space<vmem_shared>>) offsets(%dma_start3A_165 : memref<128xi32, #tpu.memory_space<vmem>>) semaphore(%arg8 : memref<!tpu.dma_semaphore, #tpu.memory_space<semaphore_mem>>) {add = true}
      %dma_wait3A = arith.constant 0 : i32
      %dma_wait3A_169 = arith.constant 0 : i32
      %dma_wait3A_170 = tpu.memref_slice %arg5[%dma_wait3A, %dma_wait3A_169] : memref<82x128xi32, #tpu.memory_space<vmem>> -> memref<1x128xi32, #tpu.memory_space<vmem>>
      %dma_wait3A_171 = tpu.memref_squeeze %dma_wait3A_170 : memref<1x128xi32, #tpu.memory_space<vmem>> -> memref<128xi32, #tpu.memory_space<vmem>>
      %dma_wait3A_172 = arith.constant 0 : i32
      %dma_wait3A_173 = arith.constant 0 : i32
      %dma_wait3A_174 = tpu.memref_slice %arg7[%dma_wait3A_172, %dma_wait3A_173] : memref<10240x16xf32, #tpu.memory_space<vmem_shared>> -> memref<10240x16xf32, #tpu.memory_space<vmem_shared>>
      tpu.wait_indirect_dma semaphore(%arg8 : memref<!tpu.dma_semaphore, #tpu.memory_space<semaphore_mem>>) src(%arg6 : memref<128x16xf32, #tpu.memory_space<vmem>>) dst(%dma_wait3A_174 : memref<10240x16xf32, #tpu.memory_space<vmem_shared>>)
      %dma_wait3A_175 = arith.constant 0 : i32
      %dma_wait3A_176 = arith.constant 0 : i32
      %dma_wait3A_177 = tpu.memref_slice %arg5[%dma_wait3A_175, %dma_wait3A_176] : memref<82x128xi32, #tpu.memory_space<vmem>> -> memref<1x128xi32, #tpu.memory_space<vmem>>
      %dma_wait3A_178 = tpu.memref_squeeze %dma_wait3A_177 : memref<1x128xi32, #tpu.memory_space<vmem>> -> memref<128xi32, #tpu.memory_space<vmem>>
      %dma_wait3A_179 = arith.constant 0 : i32
      %dma_wait3A_180 = arith.constant 0 : i32
      %dma_wait3A_181 = tpu.memref_slice %arg7[%dma_wait3A_179, %dma_wait3A_180] : memref<10240x16xf32, #tpu.memory_space<vmem_shared>> -> memref<10240x16xf32, #tpu.memory_space<vmem_shared>>
      tpu.wait_indirect_dma semaphore(%arg8 : memref<!tpu.dma_semaphore, #tpu.memory_space<semaphore_mem>>) src(%arg6 : memref<128x16xf32, #tpu.memory_space<vmem>>) dst(%dma_wait3A_181 : memref<10240x16xf32, #tpu.memory_space<vmem_shared>>)
      %dma_wait3A_182 = arith.constant 0 : i32
      %dma_wait3A_183 = arith.constant 0 : i32
      %dma_wait3A_184 = tpu.memref_slice %arg5[%dma_wait3A_182, %dma_wait3A_183] : memref<82x128xi32, #tpu.memory_space<vmem>> -> memref<1x128xi32, #tpu.memory_space<vmem>>
      %dma_wait3A_185 = tpu.memref_squeeze %dma_wait3A_184 : memref<1x128xi32, #tpu.memory_space<vmem>> -> memref<128xi32, #tpu.memory_space<vmem>>
      %dma_wait3A_186 = arith.constant 0 : i32
      %dma_wait3A_187 = arith.constant 0 : i32
      %dma_wait3A_188 = tpu.memref_slice %arg7[%dma_wait3A_186, %dma_wait3A_187] : memref<10240x16xf32, #tpu.memory_space<vmem_shared>> -> memref<10240x16xf32, #tpu.memory_space<vmem_shared>>
      tpu.wait_indirect_dma semaphore(%arg8 : memref<!tpu.dma_semaphore, #tpu.memory_space<semaphore_mem>>) src(%arg6 : memref<128x16xf32, #tpu.memory_space<vmem>>) dst(%dma_wait3A_188 : memref<10240x16xf32, #tpu.memory_space<vmem_shared>>)
      %dma_wait3A_189 = arith.constant 0 : i32
      %dma_wait3A_190 = arith.constant 0 : i32
      %dma_wait3A_191 = tpu.memref_slice %arg5[%dma_wait3A_189, %dma_wait3A_190] : memref<82x128xi32, #tpu.memory_space<vmem>> -> memref<1x128xi32, #tpu.memory_space<vmem>>
      %dma_wait3A_192 = tpu.memref_squeeze %dma_wait3A_191 : memref<1x128xi32, #tpu.memory_space<vmem>> -> memref<128xi32, #tpu.memory_space<vmem>>
      %dma_wait3A_193 = arith.constant 0 : i32
      %dma_wait3A_194 = arith.constant 0 : i32
      %dma_wait3A_195 = tpu.memref_slice %arg7[%dma_wait3A_193, %dma_wait3A_194] : memref<10240x16xf32, #tpu.memory_space<vmem_shared>> -> memref<10240x16xf32, #tpu.memory_space<vmem_shared>>
      tpu.wait_indirect_dma semaphore(%arg8 : memref<!tpu.dma_semaphore, #tpu.memory_space<semaphore_mem>>) src(%arg6 : memref<128x16xf32, #tpu.memory_space<vmem>>) dst(%dma_wait3A_195 : memref<10240x16xf32, #tpu.memory_space<vmem_shared>>)
      %dma_wait3A_196 = arith.constant 0 : i32
      %dma_wait3A_197 = arith.constant 0 : i32
      %dma_wait3A_198 = tpu.memref_slice %arg5[%dma_wait3A_196, %dma_wait3A_197] : memref<82x128xi32, #tpu.memory_space<vmem>> -> memref<1x128xi32, #tpu.memory_space<vmem>>
      %dma_wait3A_199 = tpu.memref_squeeze %dma_wait3A_198 : memref<1x128xi32, #tpu.memory_space<vmem>> -> memref<128xi32, #tpu.memory_space<vmem>>
      %dma_wait3A_200 = arith.constant 0 : i32
      %dma_wait3A_201 = arith.constant 0 : i32
      %dma_wait3A_202 = tpu.memref_slice %arg7[%dma_wait3A_200, %dma_wait3A_201] : memref<10240x16xf32, #tpu.memory_space<vmem_shared>> -> memref<10240x16xf32, #tpu.memory_space<vmem_shared>>
      tpu.wait_indirect_dma semaphore(%arg8 : memref<!tpu.dma_semaphore, #tpu.memory_space<semaphore_mem>>) src(%arg6 : memref<128x16xf32, #tpu.memory_space<vmem>>) dst(%dma_wait3A_202 : memref<10240x16xf32, #tpu.memory_space<vmem_shared>>)
      %dma_wait3A_203 = arith.constant 0 : i32
      %dma_wait3A_204 = arith.constant 0 : i32
      %dma_wait3A_205 = tpu.memref_slice %arg5[%dma_wait3A_203, %dma_wait3A_204] : memref<82x128xi32, #tpu.memory_space<vmem>> -> memref<1x128xi32, #tpu.memory_space<vmem>>
      %dma_wait3A_206 = tpu.memref_squeeze %dma_wait3A_205 : memref<1x128xi32, #tpu.memory_space<vmem>> -> memref<128xi32, #tpu.memory_space<vmem>>
      %dma_wait3A_207 = arith.constant 0 : i32
      %dma_wait3A_208 = arith.constant 0 : i32
      %dma_wait3A_209 = tpu.memref_slice %arg7[%dma_wait3A_207, %dma_wait3A_208] : memref<10240x16xf32, #tpu.memory_space<vmem_shared>> -> memref<10240x16xf32, #tpu.memory_space<vmem_shared>>
      tpu.wait_indirect_dma semaphore(%arg8 : memref<!tpu.dma_semaphore, #tpu.memory_space<semaphore_mem>>) src(%arg6 : memref<128x16xf32, #tpu.memory_space<vmem>>) dst(%dma_wait3A_209 : memref<10240x16xf32, #tpu.memory_space<vmem_shared>>)
      %dma_wait3A_210 = arith.constant 0 : i32
      %dma_wait3A_211 = arith.constant 0 : i32
      %dma_wait3A_212 = tpu.memref_slice %arg5[%dma_wait3A_210, %dma_wait3A_211] : memref<82x128xi32, #tpu.memory_space<vmem>> -> memref<1x128xi32, #tpu.memory_space<vmem>>
      %dma_wait3A_213 = tpu.memref_squeeze %dma_wait3A_212 : memref<1x128xi32, #tpu.memory_space<vmem>> -> memref<128xi32, #tpu.memory_space<vmem>>
      %dma_wait3A_214 = arith.constant 0 : i32
      %dma_wait3A_215 = arith.constant 0 : i32
      %dma_wait3A_216 = tpu.memref_slice %arg7[%dma_wait3A_214, %dma_wait3A_215] : memref<10240x16xf32, #tpu.memory_space<vmem_shared>> -> memref<10240x16xf32, #tpu.memory_space<vmem_shared>>
      tpu.wait_indirect_dma semaphore(%arg8 : memref<!tpu.dma_semaphore, #tpu.memory_space<semaphore_mem>>) src(%arg6 : memref<128x16xf32, #tpu.memory_space<vmem>>) dst(%dma_wait3A_216 : memref<10240x16xf32, #tpu.memory_space<vmem_shared>>)
      %dma_wait3A_217 = arith.constant 0 : i32
      %dma_wait3A_218 = arith.constant 0 : i32
      %dma_wait3A_219 = tpu.memref_slice %arg5[%dma_wait3A_217, %dma_wait3A_218] : memref<82x128xi32, #tpu.memory_space<vmem>> -> memref<1x128xi32, #tpu.memory_space<vmem>>
      %dma_wait3A_220 = tpu.memref_squeeze %dma_wait3A_219 : memref<1x128xi32, #tpu.memory_space<vmem>> -> memref<128xi32, #tpu.memory_space<vmem>>
      %dma_wait3A_221 = arith.constant 0 : i32
      %dma_wait3A_222 = arith.constant 0 : i32
      %dma_wait3A_223 = tpu.memref_slice %arg7[%dma_wait3A_221, %dma_wait3A_222] : memref<10240x16xf32, #tpu.memory_space<vmem_shared>> -> memref<10240x16xf32, #tpu.memory_space<vmem_shared>>
      tpu.wait_indirect_dma semaphore(%arg8 : memref<!tpu.dma_semaphore, #tpu.memory_space<semaphore_mem>>) src(%arg6 : memref<128x16xf32, #tpu.memory_space<vmem>>) dst(%dma_wait3A_223 : memref<10240x16xf32, #tpu.memory_space<vmem_shared>>)
      %dma_wait3A_224 = arith.constant 0 : i32
      %dma_wait3A_225 = arith.constant 0 : i32
      %dma_wait3A_226 = tpu.memref_slice %arg5[%dma_wait3A_224, %dma_wait3A_225] : memref<82x128xi32, #tpu.memory_space<vmem>> -> memref<1x128xi32, #tpu.memory_space<vmem>>
      %dma_wait3A_227 = tpu.memref_squeeze %dma_wait3A_226 : memref<1x128xi32, #tpu.memory_space<vmem>> -> memref<128xi32, #tpu.memory_space<vmem>>
      %dma_wait3A_228 = arith.constant 0 : i32
      %dma_wait3A_229 = arith.constant 0 : i32
      %dma_wait3A_230 = tpu.memref_slice %arg7[%dma_wait3A_228, %dma_wait3A_229] : memref<10240x16xf32, #tpu.memory_space<vmem_shared>> -> memref<10240x16xf32, #tpu.memory_space<vmem_shared>>
      tpu.wait_indirect_dma semaphore(%arg8 : memref<!tpu.dma_semaphore, #tpu.memory_space<semaphore_mem>>) src(%arg6 : memref<128x16xf32, #tpu.memory_space<vmem>>) dst(%dma_wait3A_230 : memref<10240x16xf32, #tpu.memory_space<vmem_shared>>)
      %dma_wait3A_231 = arith.constant 0 : i32
      %dma_wait3A_232 = arith.constant 0 : i32
      %dma_wait3A_233 = tpu.memref_slice %arg5[%dma_wait3A_231, %dma_wait3A_232] : memref<82x128xi32, #tpu.memory_space<vmem>> -> memref<1x128xi32, #tpu.memory_space<vmem>>
      %dma_wait3A_234 = tpu.memref_squeeze %dma_wait3A_233 : memref<1x128xi32, #tpu.memory_space<vmem>> -> memref<128xi32, #tpu.memory_space<vmem>>
      %dma_wait3A_235 = arith.constant 0 : i32
      %dma_wait3A_236 = arith.constant 0 : i32
      %dma_wait3A_237 = tpu.memref_slice %arg7[%dma_wait3A_235, %dma_wait3A_236] : memref<10240x16xf32, #tpu.memory_space<vmem_shared>> -> memref<10240x16xf32, #tpu.memory_space<vmem_shared>>
      tpu.wait_indirect_dma semaphore(%arg8 : memref<!tpu.dma_semaphore, #tpu.memory_space<semaphore_mem>>) src(%arg6 : memref<128x16xf32, #tpu.memory_space<vmem>>) dst(%dma_wait3A_237 : memref<10240x16xf32, #tpu.memory_space<vmem_shared>>)
      %dma_wait3A_238 = arith.constant 0 : i32
      %dma_wait3A_239 = arith.constant 0 : i32
      %dma_wait3A_240 = tpu.memref_slice %arg5[%dma_wait3A_238, %dma_wait3A_239] : memref<82x128xi32, #tpu.memory_space<vmem>> -> memref<1x128xi32, #tpu.memory_space<vmem>>
      %dma_wait3A_241 = tpu.memref_squeeze %dma_wait3A_240 : memref<1x128xi32, #tpu.memory_space<vmem>> -> memref<128xi32, #tpu.memory_space<vmem>>
      %dma_wait3A_242 = arith.constant 0 : i32
      %dma_wait3A_243 = arith.constant 0 : i32
      %dma_wait3A_244 = tpu.memref_slice %arg7[%dma_wait3A_242, %dma_wait3A_243] : memref<10240x16xf32, #tpu.memory_space<vmem_shared>> -> memref<10240x16xf32, #tpu.memory_space<vmem_shared>>
      tpu.wait_indirect_dma semaphore(%arg8 : memref<!tpu.dma_semaphore, #tpu.memory_space<semaphore_mem>>) src(%arg6 : memref<128x16xf32, #tpu.memory_space<vmem>>) dst(%dma_wait3A_244 : memref<10240x16xf32, #tpu.memory_space<vmem_shared>>)
      %dma_wait3A_245 = arith.constant 0 : i32
      %dma_wait3A_246 = arith.constant 0 : i32
      %dma_wait3A_247 = tpu.memref_slice %arg5[%dma_wait3A_245, %dma_wait3A_246] : memref<82x128xi32, #tpu.memory_space<vmem>> -> memref<1x128xi32, #tpu.memory_space<vmem>>
      %dma_wait3A_248 = tpu.memref_squeeze %dma_wait3A_247 : memref<1x128xi32, #tpu.memory_space<vmem>> -> memref<128xi32, #tpu.memory_space<vmem>>
      %dma_wait3A_249 = arith.constant 0 : i32
      %dma_wait3A_250 = arith.constant 0 : i32
      %dma_wait3A_251 = tpu.memref_slice %arg7[%dma_wait3A_249, %dma_wait3A_250] : memref<10240x16xf32, #tpu.memory_space<vmem_shared>> -> memref<10240x16xf32, #tpu.memory_space<vmem_shared>>
      tpu.wait_indirect_dma semaphore(%arg8 : memref<!tpu.dma_semaphore, #tpu.memory_space<semaphore_mem>>) src(%arg6 : memref<128x16xf32, #tpu.memory_space<vmem>>) dst(%dma_wait3A_251 : memref<10240x16xf32, #tpu.memory_space<vmem_shared>>)
      %dma_wait3A_252 = arith.constant 0 : i32
      %dma_wait3A_253 = arith.constant 0 : i32
      %dma_wait3A_254 = tpu.memref_slice %arg5[%dma_wait3A_252, %dma_wait3A_253] : memref<82x128xi32, #tpu.memory_space<vmem>> -> memref<1x128xi32, #tpu.memory_space<vmem>>
      %dma_wait3A_255 = tpu.memref_squeeze %dma_wait3A_254 : memref<1x128xi32, #tpu.memory_space<vmem>> -> memref<128xi32, #tpu.memory_space<vmem>>
      %dma_wait3A_256 = arith.constant 0 : i32
      %dma_wait3A_257 = arith.constant 0 : i32
      %dma_wait3A_258 = tpu.memref_slice %arg7[%dma_wait3A_256, %dma_wait3A_257] : memref<10240x16xf32, #tpu.memory_space<vmem_shared>> -> memref<10240x16xf32, #tpu.memory_space<vmem_shared>>
      tpu.wait_indirect_dma semaphore(%arg8 : memref<!tpu.dma_semaphore, #tpu.memory_space<semaphore_mem>>) src(%arg6 : memref<128x16xf32, #tpu.memory_space<vmem>>) dst(%dma_wait3A_258 : memref<10240x16xf32, #tpu.memory_space<vmem_shared>>)
      %dma_wait3A_259 = arith.constant 0 : i32
      %dma_wait3A_260 = arith.constant 0 : i32
      %dma_wait3A_261 = tpu.memref_slice %arg5[%dma_wait3A_259, %dma_wait3A_260] : memref<82x128xi32, #tpu.memory_space<vmem>> -> memref<1x128xi32, #tpu.memory_space<vmem>>
      %dma_wait3A_262 = tpu.memref_squeeze %dma_wait3A_261 : memref<1x128xi32, #tpu.memory_space<vmem>> -> memref<128xi32, #tpu.memory_space<vmem>>
      %dma_wait3A_263 = arith.constant 0 : i32
      %dma_wait3A_264 = arith.constant 0 : i32
      %dma_wait3A_265 = tpu.memref_slice %arg7[%dma_wait3A_263, %dma_wait3A_264] : memref<10240x16xf32, #tpu.memory_space<vmem_shared>> -> memref<10240x16xf32, #tpu.memory_space<vmem_shared>>
      tpu.wait_indirect_dma semaphore(%arg8 : memref<!tpu.dma_semaphore, #tpu.memory_space<semaphore_mem>>) src(%arg6 : memref<128x16xf32, #tpu.memory_space<vmem>>) dst(%dma_wait3A_265 : memref<10240x16xf32, #tpu.memory_space<vmem_shared>>)
      %dma_wait3A_266 = arith.constant 0 : i32
      %dma_wait3A_267 = arith.constant 0 : i32
      %dma_wait3A_268 = tpu.memref_slice %arg5[%dma_wait3A_266, %dma_wait3A_267] : memref<82x128xi32, #tpu.memory_space<vmem>> -> memref<1x128xi32, #tpu.memory_space<vmem>>
      %dma_wait3A_269 = tpu.memref_squeeze %dma_wait3A_268 : memref<1x128xi32, #tpu.memory_space<vmem>> -> memref<128xi32, #tpu.memory_space<vmem>>
      %dma_wait3A_270 = arith.constant 0 : i32
      %dma_wait3A_271 = arith.constant 0 : i32
      %dma_wait3A_272 = tpu.memref_slice %arg7[%dma_wait3A_270, %dma_wait3A_271] : memref<10240x16xf32, #tpu.memory_space<vmem_shared>> -> memref<10240x16xf32, #tpu.memory_space<vmem_shared>>
      tpu.wait_indirect_dma semaphore(%arg8 : memref<!tpu.dma_semaphore, #tpu.memory_space<semaphore_mem>>) src(%arg6 : memref<128x16xf32, #tpu.memory_space<vmem>>) dst(%dma_wait3A_272 : memref<10240x16xf32, #tpu.memory_space<vmem_shared>>)
      %dma_wait3A_273 = arith.constant 0 : i32
      %dma_wait3A_274 = arith.constant 0 : i32
      %dma_wait3A_275 = tpu.memref_slice %arg5[%dma_wait3A_273, %dma_wait3A_274] : memref<82x128xi32, #tpu.memory_space<vmem>> -> memref<1x128xi32, #tpu.memory_space<vmem>>
      %dma_wait3A_276 = tpu.memref_squeeze %dma_wait3A_275 : memref<1x128xi32, #tpu.memory_space<vmem>> -> memref<128xi32, #tpu.memory_space<vmem>>
      %dma_wait3A_277 = arith.constant 0 : i32
      %dma_wait3A_278 = arith.constant 0 : i32
      %dma_wait3A_279 = tpu.memref_slice %arg7[%dma_wait3A_277, %dma_wait3A_278] : memref<10240x16xf32, #tpu.memory_space<vmem_shared>> -> memref<10240x16xf32, #tpu.memory_space<vmem_shared>>
      tpu.wait_indirect_dma semaphore(%arg8 : memref<!tpu.dma_semaphore, #tpu.memory_space<semaphore_mem>>) src(%arg6 : memref<128x16xf32, #tpu.memory_space<vmem>>) dst(%dma_wait3A_279 : memref<10240x16xf32, #tpu.memory_space<vmem_shared>>)
    }
    %scan3A_7 = arith.constant 5 : i32
    %barrier3A_8 = arith.constant 0 : index
    tpu.barrier barrier_id(%barrier3A_8)
    "tpu.region"() ({
      %run_scoped3A = tpu.sem_alloc : memref<!tpu.dma_semaphore, #tpu.memory_space<semaphore_mem>>
      %dma_start3A = arith.constant 0 : i32
      %dma_start3A_9 = tpu.memref_slice %arg4[%arg0, %mul3A_2, %dma_start3A] : memref<2x10240x16xf32, #tpu.memory_space<hbm>> -> memref<1x640x16xf32, #tpu.memory_space<hbm>>
      %dma_start3A_10 = tpu.memref_squeeze %dma_start3A_9 : memref<1x640x16xf32, #tpu.memory_space<hbm>> -> memref<640x16xf32, #tpu.memory_space<hbm>>
      %dma_start3A_11 = arith.constant 0 : i32
      %dma_start3A_12 = tpu.memref_slice %arg7[%mul3A_2, %dma_start3A_11] : memref<10240x16xf32, #tpu.memory_space<vmem_shared>> -> memref<640x16xf32, #tpu.memory_space<vmem_shared>>
      tpu.enqueue_dma source(%dma_start3A_12 : memref<640x16xf32, #tpu.memory_space<vmem_shared>>) target(%dma_start3A_10 : memref<640x16xf32, #tpu.memory_space<hbm>>) target_semaphore(%run_scoped3A : memref<!tpu.dma_semaphore, #tpu.memory_space<semaphore_mem>>)
      %dma_wait3A = arith.constant 0 : i32
      %dma_wait3A_13 = tpu.memref_slice %arg4[%arg0, %mul3A_2, %dma_wait3A] : memref<2x10240x16xf32, #tpu.memory_space<hbm>> -> memref<1x640x16xf32, #tpu.memory_space<hbm>>
      %dma_wait3A_14 = tpu.memref_squeeze %dma_wait3A_13 : memref<1x640x16xf32, #tpu.memory_space<hbm>> -> memref<640x16xf32, #tpu.memory_space<hbm>>
      %dma_wait3A_15 = arith.constant 0 : i32
      %dma_wait3A_16 = tpu.memref_slice %arg7[%mul3A_2, %dma_wait3A_15] : memref<10240x16xf32, #tpu.memory_space<vmem_shared>> -> memref<640x16xf32, #tpu.memory_space<vmem_shared>>
      tpu.wait_dma2 semaphore(%run_scoped3A : memref<!tpu.dma_semaphore, #tpu.memory_space<semaphore_mem>>) src(%dma_wait3A_16 : memref<640x16xf32, #tpu.memory_space<vmem_shared>>) dst(%dma_wait3A_14 : memref<640x16xf32, #tpu.memory_space<hbm>>)
      tpu.yield
    }) : () -> ()
    return
  }
}

#map = affine_map<(d0, d1) -> (0, 0)>
#map1 = affine_map<(d0, d1) -> (0, 0, 0)>
module attributes {stable_mosaic.version = 14 : i64} {
  func.func @prop(%arg0: i32, %arg1: i32, %arg2: memref<10240x48xf32, #tpu.memory_space<hbm>>, %arg3: memref<32x82x128xi32, #tpu.memory_space<hbm>>, %arg4: memref<32x82x128xi32, #tpu.memory_space<hbm>>, %arg5: memref<2x10240x48xf32, #tpu.memory_space<hbm>>, %arg6: memref<82x128xi32, #tpu.memory_space<vmem>>, %arg7: memref<82x128xi32, #tpu.memory_space<vmem>>, %arg8: memref<128x48xf32, #tpu.memory_space<vmem>>, %arg9: memref<128x48xf32, #tpu.memory_space<vmem>>, %arg10: memref<128x48xf32, #tpu.memory_space<vmem>>, %arg11: memref<128x48xf32, #tpu.memory_space<vmem>>, %arg12: memref<10240x48xf32, #tpu.memory_space<vmem_shared>>, %arg13: memref<10240x48xf32, #tpu.memory_space<vmem_shared>>, %arg14: memref<!tpu.dma_semaphore, #tpu.memory_space<semaphore_mem>>, %arg15: memref<!tpu.dma_semaphore, #tpu.memory_space<semaphore_mem>>) attributes {dimension_semantics = [#tpu.dimension_semantics<core_parallel>, #tpu.dimension_semantics<subcore_parallel>], iteration_bounds = array<i64: 2, 16>, scalar_prefetch = 0 : i64, scratch_operands = 10 : i64, tpu.core_type = #tpu.core_type<sc_vector_subcore>, window_params = [{transform_indices = #map}, {transform_indices = #map1}, {transform_indices = #map1}, {transform_indices = #map1}]} {
    %mul3A = arith.constant 16 : i32
    %mul3A_0 = arith.muli %arg0, %mul3A : i32
    %add3A = arith.addi %mul3A_0, %arg1 : i32
    %mul3A_1 = arith.constant 640 : i32
    %mul3A_2 = arith.muli %arg1, %mul3A_1 : i32
    "tpu.region"() ({
      %run_scoped3A = tpu.sem_alloc : memref<!tpu.dma_semaphore, #tpu.memory_space<semaphore_mem>>
      %dma_start3A_35 = arith.constant 0 : i32
      %dma_start3A_36 = tpu.memref_slice %arg12[%mul3A_2, %dma_start3A_35] : memref<10240x48xf32, #tpu.memory_space<vmem_shared>> -> memref<640x48xf32, #tpu.memory_space<vmem_shared>>
      %dma_start3A_37 = arith.constant 0 : i32
      %dma_start3A_38 = tpu.memref_slice %arg2[%mul3A_2, %dma_start3A_37] : memref<10240x48xf32, #tpu.memory_space<hbm>> -> memref<640x48xf32, #tpu.memory_space<hbm>>
      tpu.enqueue_dma source(%dma_start3A_38 : memref<640x48xf32, #tpu.memory_space<hbm>>) target(%dma_start3A_36 : memref<640x48xf32, #tpu.memory_space<vmem_shared>>) target_semaphore(%run_scoped3A : memref<!tpu.dma_semaphore, #tpu.memory_space<semaphore_mem>>)
      %dma_wait3A_39 = arith.constant 0 : i32
      %dma_wait3A_40 = tpu.memref_slice %arg12[%mul3A_2, %dma_wait3A_39] : memref<10240x48xf32, #tpu.memory_space<vmem_shared>> -> memref<640x48xf32, #tpu.memory_space<vmem_shared>>
      %dma_wait3A_41 = arith.constant 0 : i32
      %dma_wait3A_42 = tpu.memref_slice %arg2[%mul3A_2, %dma_wait3A_41] : memref<10240x48xf32, #tpu.memory_space<hbm>> -> memref<640x48xf32, #tpu.memory_space<hbm>>
      tpu.wait_dma2 semaphore(%run_scoped3A : memref<!tpu.dma_semaphore, #tpu.memory_space<semaphore_mem>>) src(%dma_wait3A_42 : memref<640x48xf32, #tpu.memory_space<hbm>>) dst(%dma_wait3A_40 : memref<640x48xf32, #tpu.memory_space<vmem_shared>>)
      tpu.yield
    }) : () -> ()
    "tpu.region"() ({
      %run_scoped3A = tpu.sem_alloc : memref<!tpu.dma_semaphore, #tpu.memory_space<semaphore_mem>>
      %dma_start3A_35 = arith.constant 0 : i32
      %dma_start3A_36 = tpu.memref_slice %arg13[%mul3A_2, %dma_start3A_35] : memref<10240x48xf32, #tpu.memory_space<vmem_shared>> -> memref<640x48xf32, #tpu.memory_space<vmem_shared>>
      %dma_start3A_37 = arith.constant 0 : i32
      %dma_start3A_38 = tpu.memref_slice %arg2[%mul3A_2, %dma_start3A_37] : memref<10240x48xf32, #tpu.memory_space<hbm>> -> memref<640x48xf32, #tpu.memory_space<hbm>>
      tpu.enqueue_dma source(%dma_start3A_38 : memref<640x48xf32, #tpu.memory_space<hbm>>) target(%dma_start3A_36 : memref<640x48xf32, #tpu.memory_space<vmem_shared>>) target_semaphore(%run_scoped3A : memref<!tpu.dma_semaphore, #tpu.memory_space<semaphore_mem>>)
      %dma_wait3A_39 = arith.constant 0 : i32
      %dma_wait3A_40 = tpu.memref_slice %arg13[%mul3A_2, %dma_wait3A_39] : memref<10240x48xf32, #tpu.memory_space<vmem_shared>> -> memref<640x48xf32, #tpu.memory_space<vmem_shared>>
      %dma_wait3A_41 = arith.constant 0 : i32
      %dma_wait3A_42 = tpu.memref_slice %arg2[%mul3A_2, %dma_wait3A_41] : memref<10240x48xf32, #tpu.memory_space<hbm>> -> memref<640x48xf32, #tpu.memory_space<hbm>>
      tpu.wait_dma2 semaphore(%run_scoped3A : memref<!tpu.dma_semaphore, #tpu.memory_space<semaphore_mem>>) src(%dma_wait3A_42 : memref<640x48xf32, #tpu.memory_space<hbm>>) dst(%dma_wait3A_40 : memref<640x48xf32, #tpu.memory_space<vmem_shared>>)
      tpu.yield
    }) : () -> ()
    "tpu.region"() ({
      %run_scoped3A = tpu.sem_alloc : memref<!tpu.dma_semaphore, #tpu.memory_space<semaphore_mem>>
      %dma_start3A_35 = arith.constant 0 : i32
      %dma_start3A_36 = arith.constant 0 : i32
      %dma_start3A_37 = tpu.memref_slice %arg3[%add3A, %dma_start3A_35, %dma_start3A_36] : memref<32x82x128xi32, #tpu.memory_space<hbm>> -> memref<1x82x128xi32, #tpu.memory_space<hbm>>
      %dma_start3A_38 = tpu.memref_squeeze %dma_start3A_37 : memref<1x82x128xi32, #tpu.memory_space<hbm>> -> memref<82x128xi32, #tpu.memory_space<hbm>>
      %dma_start3A_39 = arith.constant 0 : i32
      %dma_start3A_40 = arith.constant 0 : i32
      %dma_start3A_41 = tpu.memref_slice %arg3[%add3A, %dma_start3A_39, %dma_start3A_40] : memref<32x82x128xi32, #tpu.memory_space<hbm>> -> memref<1x82x128xi32, #tpu.memory_space<hbm>>
      %dma_start3A_42 = tpu.memref_squeeze %dma_start3A_41 : memref<1x82x128xi32, #tpu.memory_space<hbm>> -> memref<82x128xi32, #tpu.memory_space<hbm>>
      tpu.enqueue_dma source(%dma_start3A_42 : memref<82x128xi32, #tpu.memory_space<hbm>>) target(%arg6 : memref<82x128xi32, #tpu.memory_space<vmem>>) target_semaphore(%run_scoped3A : memref<!tpu.dma_semaphore, #tpu.memory_space<semaphore_mem>>)
      %dma_wait3A_43 = arith.constant 0 : i32
      %dma_wait3A_44 = arith.constant 0 : i32
      %dma_wait3A_45 = tpu.memref_slice %arg3[%add3A, %dma_wait3A_43, %dma_wait3A_44] : memref<32x82x128xi32, #tpu.memory_space<hbm>> -> memref<1x82x128xi32, #tpu.memory_space<hbm>>
      %dma_wait3A_46 = tpu.memref_squeeze %dma_wait3A_45 : memref<1x82x128xi32, #tpu.memory_space<hbm>> -> memref<82x128xi32, #tpu.memory_space<hbm>>
      %dma_wait3A_47 = arith.constant 0 : i32
      %dma_wait3A_48 = arith.constant 0 : i32
      %dma_wait3A_49 = tpu.memref_slice %arg3[%add3A, %dma_wait3A_47, %dma_wait3A_48] : memref<32x82x128xi32, #tpu.memory_space<hbm>> -> memref<1x82x128xi32, #tpu.memory_space<hbm>>
      %dma_wait3A_50 = tpu.memref_squeeze %dma_wait3A_49 : memref<1x82x128xi32, #tpu.memory_space<hbm>> -> memref<82x128xi32, #tpu.memory_space<hbm>>
      tpu.wait_dma2 semaphore(%run_scoped3A : memref<!tpu.dma_semaphore, #tpu.memory_space<semaphore_mem>>) src(%dma_wait3A_50 : memref<82x128xi32, #tpu.memory_space<hbm>>) dst(%arg6 : memref<82x128xi32, #tpu.memory_space<vmem>>)
      tpu.yield
    }) : () -> ()
    "tpu.region"() ({
      %run_scoped3A = tpu.sem_alloc : memref<!tpu.dma_semaphore, #tpu.memory_space<semaphore_mem>>
      %dma_start3A_35 = arith.constant 0 : i32
      %dma_start3A_36 = arith.constant 0 : i32
      %dma_start3A_37 = tpu.memref_slice %arg4[%add3A, %dma_start3A_35, %dma_start3A_36] : memref<32x82x128xi32, #tpu.memory_space<hbm>> -> memref<1x82x128xi32, #tpu.memory_space<hbm>>
      %dma_start3A_38 = tpu.memref_squeeze %dma_start3A_37 : memref<1x82x128xi32, #tpu.memory_space<hbm>> -> memref<82x128xi32, #tpu.memory_space<hbm>>
      %dma_start3A_39 = arith.constant 0 : i32
      %dma_start3A_40 = arith.constant 0 : i32
      %dma_start3A_41 = tpu.memref_slice %arg4[%add3A, %dma_start3A_39, %dma_start3A_40] : memref<32x82x128xi32, #tpu.memory_space<hbm>> -> memref<1x82x128xi32, #tpu.memory_space<hbm>>
      %dma_start3A_42 = tpu.memref_squeeze %dma_start3A_41 : memref<1x82x128xi32, #tpu.memory_space<hbm>> -> memref<82x128xi32, #tpu.memory_space<hbm>>
      tpu.enqueue_dma source(%dma_start3A_42 : memref<82x128xi32, #tpu.memory_space<hbm>>) target(%arg7 : memref<82x128xi32, #tpu.memory_space<vmem>>) target_semaphore(%run_scoped3A : memref<!tpu.dma_semaphore, #tpu.memory_space<semaphore_mem>>)
      %dma_wait3A_43 = arith.constant 0 : i32
      %dma_wait3A_44 = arith.constant 0 : i32
      %dma_wait3A_45 = tpu.memref_slice %arg4[%add3A, %dma_wait3A_43, %dma_wait3A_44] : memref<32x82x128xi32, #tpu.memory_space<hbm>> -> memref<1x82x128xi32, #tpu.memory_space<hbm>>
      %dma_wait3A_46 = tpu.memref_squeeze %dma_wait3A_45 : memref<1x82x128xi32, #tpu.memory_space<hbm>> -> memref<82x128xi32, #tpu.memory_space<hbm>>
      %dma_wait3A_47 = arith.constant 0 : i32
      %dma_wait3A_48 = arith.constant 0 : i32
      %dma_wait3A_49 = tpu.memref_slice %arg4[%add3A, %dma_wait3A_47, %dma_wait3A_48] : memref<32x82x128xi32, #tpu.memory_space<hbm>> -> memref<1x82x128xi32, #tpu.memory_space<hbm>>
      %dma_wait3A_50 = tpu.memref_squeeze %dma_wait3A_49 : memref<1x82x128xi32, #tpu.memory_space<hbm>> -> memref<82x128xi32, #tpu.memory_space<hbm>>
      tpu.wait_dma2 semaphore(%run_scoped3A : memref<!tpu.dma_semaphore, #tpu.memory_space<semaphore_mem>>) src(%dma_wait3A_50 : memref<82x128xi32, #tpu.memory_space<hbm>>) dst(%arg7 : memref<82x128xi32, #tpu.memory_space<vmem>>)
      tpu.yield
    }) : () -> ()
    %barrier3A = arith.constant 0 : index
    tpu.barrier barrier_id(%barrier3A)
    %dma_start3A = arith.constant 0 : i32
    %dma_start3A_3 = arith.constant 0 : i32
    %dma_start3A_4 = tpu.memref_slice %arg6[%dma_start3A, %dma_start3A_3] : memref<82x128xi32, #tpu.memory_space<vmem>> -> memref<1x128xi32, #tpu.memory_space<vmem>>
    %dma_start3A_5 = tpu.memref_squeeze %dma_start3A_4 : memref<1x128xi32, #tpu.memory_space<vmem>> -> memref<128xi32, #tpu.memory_space<vmem>>
    %dma_start3A_6 = arith.constant 0 : i32
    %dma_start3A_7 = arith.constant 0 : i32
    %dma_start3A_8 = tpu.memref_slice %arg12[%dma_start3A_6, %dma_start3A_7] : memref<10240x48xf32, #tpu.memory_space<vmem_shared>> -> memref<10240x48xf32, #tpu.memory_space<vmem_shared>>
    tpu.enqueue_indirect_dma source(%dma_start3A_8 : memref<10240x48xf32, #tpu.memory_space<vmem_shared>>) target(%arg8 : memref<128x48xf32, #tpu.memory_space<vmem>>) offsets(%dma_start3A_5 : memref<128xi32, #tpu.memory_space<vmem>>) semaphore(%arg14 : memref<!tpu.dma_semaphore, #tpu.memory_space<semaphore_mem>>)
    %dma_start3A_9 = arith.constant 1 : i32
    %dma_start3A_10 = arith.constant 0 : i32
    %dma_start3A_11 = tpu.memref_slice %arg6[%dma_start3A_9, %dma_start3A_10] : memref<82x128xi32, #tpu.memory_space<vmem>> -> memref<1x128xi32, #tpu.memory_space<vmem>>
    %dma_start3A_12 = tpu.memref_squeeze %dma_start3A_11 : memref<1x128xi32, #tpu.memory_space<vmem>> -> memref<128xi32, #tpu.memory_space<vmem>>
    %dma_start3A_13 = arith.constant 0 : i32
    %dma_start3A_14 = arith.constant 0 : i32
    %dma_start3A_15 = tpu.memref_slice %arg12[%dma_start3A_13, %dma_start3A_14] : memref<10240x48xf32, #tpu.memory_space<vmem_shared>> -> memref<10240x48xf32, #tpu.memory_space<vmem_shared>>
    tpu.enqueue_indirect_dma source(%dma_start3A_15 : memref<10240x48xf32, #tpu.memory_space<vmem_shared>>) target(%arg9 : memref<128x48xf32, #tpu.memory_space<vmem>>) offsets(%dma_start3A_12 : memref<128xi32, #tpu.memory_space<vmem>>) semaphore(%arg14 : memref<!tpu.dma_semaphore, #tpu.memory_space<semaphore_mem>>)
    %scan3A = arith.constant 0 : i32
    %scan3A_16 = arith.constant 0 : i32
    %scan3A_17 = arith.constant 20 : i32
    %scan3A_18 = arith.addi %scan3A_16, %scan3A_17 : i32
    %scan3A_19 = arith.constant 1 : i32
    scf.for %scan3A_35 = %scan3A_16 to %scan3A_18 step %scan3A_19  : i32 {
      %mul3A_36 = arith.constant 4 : i32
      %mul3A_37 = arith.muli %mul3A_36, %scan3A_35 : i32
      %dma_wait3A_38 = arith.constant 0 : i32
      %dma_wait3A_39 = tpu.memref_slice %arg6[%mul3A_37, %dma_wait3A_38] : memref<82x128xi32, #tpu.memory_space<vmem>> -> memref<1x128xi32, #tpu.memory_space<vmem>>
      %dma_wait3A_40 = tpu.memref_squeeze %dma_wait3A_39 : memref<1x128xi32, #tpu.memory_space<vmem>> -> memref<128xi32, #tpu.memory_space<vmem>>
      %dma_wait3A_41 = arith.constant 0 : i32
      %dma_wait3A_42 = arith.constant 0 : i32
      %dma_wait3A_43 = tpu.memref_slice %arg12[%dma_wait3A_41, %dma_wait3A_42] : memref<10240x48xf32, #tpu.memory_space<vmem_shared>> -> memref<10240x48xf32, #tpu.memory_space<vmem_shared>>
      tpu.wait_indirect_dma semaphore(%arg14 : memref<!tpu.dma_semaphore, #tpu.memory_space<semaphore_mem>>) src(%dma_wait3A_43 : memref<10240x48xf32, #tpu.memory_space<vmem_shared>>) dst(%arg8 : memref<128x48xf32, #tpu.memory_space<vmem>>)
      %dma_start3A_44 = arith.constant 0 : i32
      %dma_start3A_45 = tpu.memref_slice %arg7[%mul3A_37, %dma_start3A_44] : memref<82x128xi32, #tpu.memory_space<vmem>> -> memref<1x128xi32, #tpu.memory_space<vmem>>
      %dma_start3A_46 = tpu.memref_squeeze %dma_start3A_45 : memref<1x128xi32, #tpu.memory_space<vmem>> -> memref<128xi32, #tpu.memory_space<vmem>>
      %dma_start3A_47 = arith.constant 0 : i32
      %dma_start3A_48 = arith.constant 0 : i32
      %dma_start3A_49 = tpu.memref_slice %arg13[%dma_start3A_47, %dma_start3A_48] : memref<10240x48xf32, #tpu.memory_space<vmem_shared>> -> memref<10240x48xf32, #tpu.memory_space<vmem_shared>>
      tpu.enqueue_indirect_dma source(%arg8 : memref<128x48xf32, #tpu.memory_space<vmem>>) target(%dma_start3A_49 : memref<10240x48xf32, #tpu.memory_space<vmem_shared>>) offsets(%dma_start3A_46 : memref<128xi32, #tpu.memory_space<vmem>>) semaphore(%arg15 : memref<!tpu.dma_semaphore, #tpu.memory_space<semaphore_mem>>) {add = true}
      %add3A_50 = arith.constant 2 : i32
      %add3A_51 = arith.addi %mul3A_37, %add3A_50 : i32
      %dma_start3A_52 = arith.constant 0 : i32
      %dma_start3A_53 = tpu.memref_slice %arg6[%add3A_51, %dma_start3A_52] : memref<82x128xi32, #tpu.memory_space<vmem>> -> memref<1x128xi32, #tpu.memory_space<vmem>>
      %dma_start3A_54 = tpu.memref_squeeze %dma_start3A_53 : memref<1x128xi32, #tpu.memory_space<vmem>> -> memref<128xi32, #tpu.memory_space<vmem>>
      %dma_start3A_55 = arith.constant 0 : i32
      %dma_start3A_56 = arith.constant 0 : i32
      %dma_start3A_57 = tpu.memref_slice %arg12[%dma_start3A_55, %dma_start3A_56] : memref<10240x48xf32, #tpu.memory_space<vmem_shared>> -> memref<10240x48xf32, #tpu.memory_space<vmem_shared>>
      tpu.enqueue_indirect_dma source(%dma_start3A_57 : memref<10240x48xf32, #tpu.memory_space<vmem_shared>>) target(%arg10 : memref<128x48xf32, #tpu.memory_space<vmem>>) offsets(%dma_start3A_54 : memref<128xi32, #tpu.memory_space<vmem>>) semaphore(%arg14 : memref<!tpu.dma_semaphore, #tpu.memory_space<semaphore_mem>>)
      %add3A_58 = arith.constant 1 : i32
      %add3A_59 = arith.addi %mul3A_37, %add3A_58 : i32
      %dma_wait3A_60 = arith.constant 0 : i32
      %dma_wait3A_61 = tpu.memref_slice %arg6[%add3A_59, %dma_wait3A_60] : memref<82x128xi32, #tpu.memory_space<vmem>> -> memref<1x128xi32, #tpu.memory_space<vmem>>
      %dma_wait3A_62 = tpu.memref_squeeze %dma_wait3A_61 : memref<1x128xi32, #tpu.memory_space<vmem>> -> memref<128xi32, #tpu.memory_space<vmem>>
      %dma_wait3A_63 = arith.constant 0 : i32
      %dma_wait3A_64 = arith.constant 0 : i32
      %dma_wait3A_65 = tpu.memref_slice %arg12[%dma_wait3A_63, %dma_wait3A_64] : memref<10240x48xf32, #tpu.memory_space<vmem_shared>> -> memref<10240x48xf32, #tpu.memory_space<vmem_shared>>
      tpu.wait_indirect_dma semaphore(%arg14 : memref<!tpu.dma_semaphore, #tpu.memory_space<semaphore_mem>>) src(%dma_wait3A_65 : memref<10240x48xf32, #tpu.memory_space<vmem_shared>>) dst(%arg9 : memref<128x48xf32, #tpu.memory_space<vmem>>)
      %add3A_66 = arith.constant 1 : i32
      %add3A_67 = arith.addi %mul3A_37, %add3A_66 : i32
      %dma_start3A_68 = arith.constant 0 : i32
      %dma_start3A_69 = tpu.memref_slice %arg7[%add3A_67, %dma_start3A_68] : memref<82x128xi32, #tpu.memory_space<vmem>> -> memref<1x128xi32, #tpu.memory_space<vmem>>
      %dma_start3A_70 = tpu.memref_squeeze %dma_start3A_69 : memref<1x128xi32, #tpu.memory_space<vmem>> -> memref<128xi32, #tpu.memory_space<vmem>>
      %dma_start3A_71 = arith.constant 0 : i32
      %dma_start3A_72 = arith.constant 0 : i32
      %dma_start3A_73 = tpu.memref_slice %arg13[%dma_start3A_71, %dma_start3A_72] : memref<10240x48xf32, #tpu.memory_space<vmem_shared>> -> memref<10240x48xf32, #tpu.memory_space<vmem_shared>>
      tpu.enqueue_indirect_dma source(%arg9 : memref<128x48xf32, #tpu.memory_space<vmem>>) target(%dma_start3A_73 : memref<10240x48xf32, #tpu.memory_space<vmem_shared>>) offsets(%dma_start3A_70 : memref<128xi32, #tpu.memory_space<vmem>>) semaphore(%arg15 : memref<!tpu.dma_semaphore, #tpu.memory_space<semaphore_mem>>) {add = true}
      %add3A_74 = arith.constant 3 : i32
      %add3A_75 = arith.addi %mul3A_37, %add3A_74 : i32
      %dma_start3A_76 = arith.constant 0 : i32
      %dma_start3A_77 = tpu.memref_slice %arg6[%add3A_75, %dma_start3A_76] : memref<82x128xi32, #tpu.memory_space<vmem>> -> memref<1x128xi32, #tpu.memory_space<vmem>>
      %dma_start3A_78 = tpu.memref_squeeze %dma_start3A_77 : memref<1x128xi32, #tpu.memory_space<vmem>> -> memref<128xi32, #tpu.memory_space<vmem>>
      %dma_start3A_79 = arith.constant 0 : i32
      %dma_start3A_80 = arith.constant 0 : i32
      %dma_start3A_81 = tpu.memref_slice %arg12[%dma_start3A_79, %dma_start3A_80] : memref<10240x48xf32, #tpu.memory_space<vmem_shared>> -> memref<10240x48xf32, #tpu.memory_space<vmem_shared>>
      tpu.enqueue_indirect_dma source(%dma_start3A_81 : memref<10240x48xf32, #tpu.memory_space<vmem_shared>>) target(%arg11 : memref<128x48xf32, #tpu.memory_space<vmem>>) offsets(%dma_start3A_78 : memref<128xi32, #tpu.memory_space<vmem>>) semaphore(%arg14 : memref<!tpu.dma_semaphore, #tpu.memory_space<semaphore_mem>>)
      %add3A_82 = arith.constant 2 : i32
      %add3A_83 = arith.addi %mul3A_37, %add3A_82 : i32
      %dma_wait3A_84 = arith.constant 0 : i32
      %dma_wait3A_85 = tpu.memref_slice %arg6[%add3A_83, %dma_wait3A_84] : memref<82x128xi32, #tpu.memory_space<vmem>> -> memref<1x128xi32, #tpu.memory_space<vmem>>
      %dma_wait3A_86 = tpu.memref_squeeze %dma_wait3A_85 : memref<1x128xi32, #tpu.memory_space<vmem>> -> memref<128xi32, #tpu.memory_space<vmem>>
      %dma_wait3A_87 = arith.constant 0 : i32
      %dma_wait3A_88 = arith.constant 0 : i32
      %dma_wait3A_89 = tpu.memref_slice %arg12[%dma_wait3A_87, %dma_wait3A_88] : memref<10240x48xf32, #tpu.memory_space<vmem_shared>> -> memref<10240x48xf32, #tpu.memory_space<vmem_shared>>
      tpu.wait_indirect_dma semaphore(%arg14 : memref<!tpu.dma_semaphore, #tpu.memory_space<semaphore_mem>>) src(%dma_wait3A_89 : memref<10240x48xf32, #tpu.memory_space<vmem_shared>>) dst(%arg10 : memref<128x48xf32, #tpu.memory_space<vmem>>)
      %add3A_90 = arith.constant 2 : i32
      %add3A_91 = arith.addi %mul3A_37, %add3A_90 : i32
      %dma_start3A_92 = arith.constant 0 : i32
      %dma_start3A_93 = tpu.memref_slice %arg7[%add3A_91, %dma_start3A_92] : memref<82x128xi32, #tpu.memory_space<vmem>> -> memref<1x128xi32, #tpu.memory_space<vmem>>
      %dma_start3A_94 = tpu.memref_squeeze %dma_start3A_93 : memref<1x128xi32, #tpu.memory_space<vmem>> -> memref<128xi32, #tpu.memory_space<vmem>>
      %dma_start3A_95 = arith.constant 0 : i32
      %dma_start3A_96 = arith.constant 0 : i32
      %dma_start3A_97 = tpu.memref_slice %arg13[%dma_start3A_95, %dma_start3A_96] : memref<10240x48xf32, #tpu.memory_space<vmem_shared>> -> memref<10240x48xf32, #tpu.memory_space<vmem_shared>>
      tpu.enqueue_indirect_dma source(%arg10 : memref<128x48xf32, #tpu.memory_space<vmem>>) target(%dma_start3A_97 : memref<10240x48xf32, #tpu.memory_space<vmem_shared>>) offsets(%dma_start3A_94 : memref<128xi32, #tpu.memory_space<vmem>>) semaphore(%arg15 : memref<!tpu.dma_semaphore, #tpu.memory_space<semaphore_mem>>) {add = true}
      %dma_wait3A_98 = arith.constant 0 : i32
      %dma_wait3A_99 = tpu.memref_slice %arg7[%mul3A_37, %dma_wait3A_98] : memref<82x128xi32, #tpu.memory_space<vmem>> -> memref<1x128xi32, #tpu.memory_space<vmem>>
      %dma_wait3A_100 = tpu.memref_squeeze %dma_wait3A_99 : memref<1x128xi32, #tpu.memory_space<vmem>> -> memref<128xi32, #tpu.memory_space<vmem>>
      %dma_wait3A_101 = arith.constant 0 : i32
      %dma_wait3A_102 = arith.constant 0 : i32
      %dma_wait3A_103 = tpu.memref_slice %arg13[%dma_wait3A_101, %dma_wait3A_102] : memref<10240x48xf32, #tpu.memory_space<vmem_shared>> -> memref<10240x48xf32, #tpu.memory_space<vmem_shared>>
      tpu.wait_indirect_dma semaphore(%arg15 : memref<!tpu.dma_semaphore, #tpu.memory_space<semaphore_mem>>) src(%arg8 : memref<128x48xf32, #tpu.memory_space<vmem>>) dst(%dma_wait3A_103 : memref<10240x48xf32, #tpu.memory_space<vmem_shared>>)
      %add3A_104 = arith.constant 4 : i32
      %add3A_105 = arith.addi %mul3A_37, %add3A_104 : i32
      %dma_start3A_106 = arith.constant 0 : i32
      %dma_start3A_107 = tpu.memref_slice %arg6[%add3A_105, %dma_start3A_106] : memref<82x128xi32, #tpu.memory_space<vmem>> -> memref<1x128xi32, #tpu.memory_space<vmem>>
      %dma_start3A_108 = tpu.memref_squeeze %dma_start3A_107 : memref<1x128xi32, #tpu.memory_space<vmem>> -> memref<128xi32, #tpu.memory_space<vmem>>
      %dma_start3A_109 = arith.constant 0 : i32
      %dma_start3A_110 = arith.constant 0 : i32
      %dma_start3A_111 = tpu.memref_slice %arg12[%dma_start3A_109, %dma_start3A_110] : memref<10240x48xf32, #tpu.memory_space<vmem_shared>> -> memref<10240x48xf32, #tpu.memory_space<vmem_shared>>
      tpu.enqueue_indirect_dma source(%dma_start3A_111 : memref<10240x48xf32, #tpu.memory_space<vmem_shared>>) target(%arg8 : memref<128x48xf32, #tpu.memory_space<vmem>>) offsets(%dma_start3A_108 : memref<128xi32, #tpu.memory_space<vmem>>) semaphore(%arg14 : memref<!tpu.dma_semaphore, #tpu.memory_space<semaphore_mem>>)
      %add3A_112 = arith.constant 3 : i32
      %add3A_113 = arith.addi %mul3A_37, %add3A_112 : i32
      %dma_wait3A_114 = arith.constant 0 : i32
      %dma_wait3A_115 = tpu.memref_slice %arg6[%add3A_113, %dma_wait3A_114] : memref<82x128xi32, #tpu.memory_space<vmem>> -> memref<1x128xi32, #tpu.memory_space<vmem>>
      %dma_wait3A_116 = tpu.memref_squeeze %dma_wait3A_115 : memref<1x128xi32, #tpu.memory_space<vmem>> -> memref<128xi32, #tpu.memory_space<vmem>>
      %dma_wait3A_117 = arith.constant 0 : i32
      %dma_wait3A_118 = arith.constant 0 : i32
      %dma_wait3A_119 = tpu.memref_slice %arg12[%dma_wait3A_117, %dma_wait3A_118] : memref<10240x48xf32, #tpu.memory_space<vmem_shared>> -> memref<10240x48xf32, #tpu.memory_space<vmem_shared>>
      tpu.wait_indirect_dma semaphore(%arg14 : memref<!tpu.dma_semaphore, #tpu.memory_space<semaphore_mem>>) src(%dma_wait3A_119 : memref<10240x48xf32, #tpu.memory_space<vmem_shared>>) dst(%arg11 : memref<128x48xf32, #tpu.memory_space<vmem>>)
      %add3A_120 = arith.constant 3 : i32
      %add3A_121 = arith.addi %mul3A_37, %add3A_120 : i32
      %dma_start3A_122 = arith.constant 0 : i32
      %dma_start3A_123 = tpu.memref_slice %arg7[%add3A_121, %dma_start3A_122] : memref<82x128xi32, #tpu.memory_space<vmem>> -> memref<1x128xi32, #tpu.memory_space<vmem>>
      %dma_start3A_124 = tpu.memref_squeeze %dma_start3A_123 : memref<1x128xi32, #tpu.memory_space<vmem>> -> memref<128xi32, #tpu.memory_space<vmem>>
      %dma_start3A_125 = arith.constant 0 : i32
      %dma_start3A_126 = arith.constant 0 : i32
      %dma_start3A_127 = tpu.memref_slice %arg13[%dma_start3A_125, %dma_start3A_126] : memref<10240x48xf32, #tpu.memory_space<vmem_shared>> -> memref<10240x48xf32, #tpu.memory_space<vmem_shared>>
      tpu.enqueue_indirect_dma source(%arg11 : memref<128x48xf32, #tpu.memory_space<vmem>>) target(%dma_start3A_127 : memref<10240x48xf32, #tpu.memory_space<vmem_shared>>) offsets(%dma_start3A_124 : memref<128xi32, #tpu.memory_space<vmem>>) semaphore(%arg15 : memref<!tpu.dma_semaphore, #tpu.memory_space<semaphore_mem>>) {add = true}
      %dma_wait3A_128 = arith.constant 0 : i32
      %dma_wait3A_129 = tpu.memref_slice %arg7[%add3A_67, %dma_wait3A_128] : memref<82x128xi32, #tpu.memory_space<vmem>> -> memref<1x128xi32, #tpu.memory_space<vmem>>
      %dma_wait3A_130 = tpu.memref_squeeze %dma_wait3A_129 : memref<1x128xi32, #tpu.memory_space<vmem>> -> memref<128xi32, #tpu.memory_space<vmem>>
      %dma_wait3A_131 = arith.constant 0 : i32
      %dma_wait3A_132 = arith.constant 0 : i32
      %dma_wait3A_133 = tpu.memref_slice %arg13[%dma_wait3A_131, %dma_wait3A_132] : memref<10240x48xf32, #tpu.memory_space<vmem_shared>> -> memref<10240x48xf32, #tpu.memory_space<vmem_shared>>
      tpu.wait_indirect_dma semaphore(%arg15 : memref<!tpu.dma_semaphore, #tpu.memory_space<semaphore_mem>>) src(%arg9 : memref<128x48xf32, #tpu.memory_space<vmem>>) dst(%dma_wait3A_133 : memref<10240x48xf32, #tpu.memory_space<vmem_shared>>)
      %add3A_134 = arith.constant 5 : i32
      %add3A_135 = arith.addi %mul3A_37, %add3A_134 : i32
      %dma_start3A_136 = arith.constant 0 : i32
      %dma_start3A_137 = tpu.memref_slice %arg6[%add3A_135, %dma_start3A_136] : memref<82x128xi32, #tpu.memory_space<vmem>> -> memref<1x128xi32, #tpu.memory_space<vmem>>
      %dma_start3A_138 = tpu.memref_squeeze %dma_start3A_137 : memref<1x128xi32, #tpu.memory_space<vmem>> -> memref<128xi32, #tpu.memory_space<vmem>>
      %dma_start3A_139 = arith.constant 0 : i32
      %dma_start3A_140 = arith.constant 0 : i32
      %dma_start3A_141 = tpu.memref_slice %arg12[%dma_start3A_139, %dma_start3A_140] : memref<10240x48xf32, #tpu.memory_space<vmem_shared>> -> memref<10240x48xf32, #tpu.memory_space<vmem_shared>>
      tpu.enqueue_indirect_dma source(%dma_start3A_141 : memref<10240x48xf32, #tpu.memory_space<vmem_shared>>) target(%arg9 : memref<128x48xf32, #tpu.memory_space<vmem>>) offsets(%dma_start3A_138 : memref<128xi32, #tpu.memory_space<vmem>>) semaphore(%arg14 : memref<!tpu.dma_semaphore, #tpu.memory_space<semaphore_mem>>)
      %dma_wait3A_142 = arith.constant 0 : i32
      %dma_wait3A_143 = tpu.memref_slice %arg7[%add3A_91, %dma_wait3A_142] : memref<82x128xi32, #tpu.memory_space<vmem>> -> memref<1x128xi32, #tpu.memory_space<vmem>>
      %dma_wait3A_144 = tpu.memref_squeeze %dma_wait3A_143 : memref<1x128xi32, #tpu.memory_space<vmem>> -> memref<128xi32, #tpu.memory_space<vmem>>
      %dma_wait3A_145 = arith.constant 0 : i32
      %dma_wait3A_146 = arith.constant 0 : i32
      %dma_wait3A_147 = tpu.memref_slice %arg13[%dma_wait3A_145, %dma_wait3A_146] : memref<10240x48xf32, #tpu.memory_space<vmem_shared>> -> memref<10240x48xf32, #tpu.memory_space<vmem_shared>>
      tpu.wait_indirect_dma semaphore(%arg15 : memref<!tpu.dma_semaphore, #tpu.memory_space<semaphore_mem>>) src(%arg10 : memref<128x48xf32, #tpu.memory_space<vmem>>) dst(%dma_wait3A_147 : memref<10240x48xf32, #tpu.memory_space<vmem_shared>>)
      %dma_wait3A_148 = arith.constant 0 : i32
      %dma_wait3A_149 = tpu.memref_slice %arg7[%add3A_121, %dma_wait3A_148] : memref<82x128xi32, #tpu.memory_space<vmem>> -> memref<1x128xi32, #tpu.memory_space<vmem>>
      %dma_wait3A_150 = tpu.memref_squeeze %dma_wait3A_149 : memref<1x128xi32, #tpu.memory_space<vmem>> -> memref<128xi32, #tpu.memory_space<vmem>>
      %dma_wait3A_151 = arith.constant 0 : i32
      %dma_wait3A_152 = arith.constant 0 : i32
      %dma_wait3A_153 = tpu.memref_slice %arg13[%dma_wait3A_151, %dma_wait3A_152] : memref<10240x48xf32, #tpu.memory_space<vmem_shared>> -> memref<10240x48xf32, #tpu.memory_space<vmem_shared>>
      tpu.wait_indirect_dma semaphore(%arg15 : memref<!tpu.dma_semaphore, #tpu.memory_space<semaphore_mem>>) src(%arg11 : memref<128x48xf32, #tpu.memory_space<vmem>>) dst(%dma_wait3A_153 : memref<10240x48xf32, #tpu.memory_space<vmem_shared>>)
    }
    %scan3A_20 = arith.constant 20 : i32
    %dma_wait3A = arith.constant 80 : i32
    %dma_wait3A_21 = arith.constant 0 : i32
    %dma_wait3A_22 = tpu.memref_slice %arg6[%dma_wait3A, %dma_wait3A_21] : memref<82x128xi32, #tpu.memory_space<vmem>> -> memref<1x128xi32, #tpu.memory_space<vmem>>
    %dma_wait3A_23 = tpu.memref_squeeze %dma_wait3A_22 : memref<1x128xi32, #tpu.memory_space<vmem>> -> memref<128xi32, #tpu.memory_space<vmem>>
    %dma_wait3A_24 = arith.constant 0 : i32
    %dma_wait3A_25 = arith.constant 0 : i32
    %dma_wait3A_26 = tpu.memref_slice %arg12[%dma_wait3A_24, %dma_wait3A_25] : memref<10240x48xf32, #tpu.memory_space<vmem_shared>> -> memref<10240x48xf32, #tpu.memory_space<vmem_shared>>
    tpu.wait_indirect_dma semaphore(%arg14 : memref<!tpu.dma_semaphore, #tpu.memory_space<semaphore_mem>>) src(%dma_wait3A_26 : memref<10240x48xf32, #tpu.memory_space<vmem_shared>>) dst(%arg8 : memref<128x48xf32, #tpu.memory_space<vmem>>)
    %dma_wait3A_27 = arith.constant 81 : i32
    %dma_wait3A_28 = arith.constant 0 : i32
    %dma_wait3A_29 = tpu.memref_slice %arg6[%dma_wait3A_27, %dma_wait3A_28] : memref<82x128xi32, #tpu.memory_space<vmem>> -> memref<1x128xi32, #tpu.memory_space<vmem>>
    %dma_wait3A_30 = tpu.memref_squeeze %dma_wait3A_29 : memref<1x128xi32, #tpu.memory_space<vmem>> -> memref<128xi32, #tpu.memory_space<vmem>>
    %dma_wait3A_31 = arith.constant 0 : i32
    %dma_wait3A_32 = arith.constant 0 : i32
    %dma_wait3A_33 = tpu.memref_slice %arg12[%dma_wait3A_31, %dma_wait3A_32] : memref<10240x48xf32, #tpu.memory_space<vmem_shared>> -> memref<10240x48xf32, #tpu.memory_space<vmem_shared>>
    tpu.wait_indirect_dma semaphore(%arg14 : memref<!tpu.dma_semaphore, #tpu.memory_space<semaphore_mem>>) src(%dma_wait3A_33 : memref<10240x48xf32, #tpu.memory_space<vmem_shared>>) dst(%arg9 : memref<128x48xf32, #tpu.memory_space<vmem>>)
    %barrier3A_34 = arith.constant 0 : index
    tpu.barrier barrier_id(%barrier3A_34)
    "tpu.region"() ({
      %run_scoped3A = tpu.sem_alloc : memref<!tpu.dma_semaphore, #tpu.memory_space<semaphore_mem>>
      %dma_start3A_35 = arith.constant 0 : i32
      %dma_start3A_36 = tpu.memref_slice %arg5[%arg0, %mul3A_2, %dma_start3A_35] : memref<2x10240x48xf32, #tpu.memory_space<hbm>> -> memref<1x640x48xf32, #tpu.memory_space<hbm>>
      %dma_start3A_37 = tpu.memref_squeeze %dma_start3A_36 : memref<1x640x48xf32, #tpu.memory_space<hbm>> -> memref<640x48xf32, #tpu.memory_space<hbm>>
      %dma_start3A_38 = arith.constant 0 : i32
      %dma_start3A_39 = tpu.memref_slice %arg13[%mul3A_2, %dma_start3A_38] : memref<10240x48xf32, #tpu.memory_space<vmem_shared>> -> memref<640x48xf32, #tpu.memory_space<vmem_shared>>
      tpu.enqueue_dma source(%dma_start3A_39 : memref<640x48xf32, #tpu.memory_space<vmem_shared>>) target(%dma_start3A_37 : memref<640x48xf32, #tpu.memory_space<hbm>>) target_semaphore(%run_scoped3A : memref<!tpu.dma_semaphore, #tpu.memory_space<semaphore_mem>>)
      %dma_wait3A_40 = arith.constant 0 : i32
      %dma_wait3A_41 = tpu.memref_slice %arg5[%arg0, %mul3A_2, %dma_wait3A_40] : memref<2x10240x48xf32, #tpu.memory_space<hbm>> -> memref<1x640x48xf32, #tpu.memory_space<hbm>>
      %dma_wait3A_42 = tpu.memref_squeeze %dma_wait3A_41 : memref<1x640x48xf32, #tpu.memory_space<hbm>> -> memref<640x48xf32, #tpu.memory_space<hbm>>
      %dma_wait3A_43 = arith.constant 0 : i32
      %dma_wait3A_44 = tpu.memref_slice %arg13[%mul3A_2, %dma_wait3A_43] : memref<10240x48xf32, #tpu.memory_space<vmem_shared>> -> memref<640x48xf32, #tpu.memory_space<vmem_shared>>
      tpu.wait_dma2 semaphore(%run_scoped3A : memref<!tpu.dma_semaphore, #tpu.memory_space<semaphore_mem>>) src(%dma_wait3A_44 : memref<640x48xf32, #tpu.memory_space<vmem_shared>>) dst(%dma_wait3A_42 : memref<640x48xf32, #tpu.memory_space<hbm>>)
      tpu.yield
    }) : () -> ()
    return
  }
}

module attributes {stable_mosaic.version = 14 : i64} {
  func.func @_tc0_body(%arg0: i32, %arg1: memref<1000x128xf32, #tpu.memory_space<vmem>>, %arg2: memref<128x16xf32, #tpu.memory_space<vmem>>, %arg3: memref<1000x16xf32, #tpu.memory_space<vmem>>) attributes {dimension_semantics = [#tpu.dimension_semantics<arbitrary>], iteration_bounds = array<i64: 10>, scalar_prefetch = 0 : i64, scratch_operands = 0 : i64, tpu.core_type = #tpu.core_type<tc>, window_params = [{transform_indices = @transform_0, window_bounds = array<i64: 1000, 128>}, {pipeline_mode = #tpu.pipeline_mode<synchronous>, transform_indices = @transform_1, window_bounds = array<i64: 128, 16>}, {transform_indices = @transform_2, window_bounds = array<i64: 1000, 16>}]} {
    %get3A = arith.constant 0 : index
    %get3A_0 = arith.constant 0 : index
    %get3A_1 = vector.load %arg1[%get3A, %get3A_0] : memref<1000x128xf32, #tpu.memory_space<vmem>>, vector<1000x128xf32>
    %get3A_2 = arith.constant 0 : index
    %get3A_3 = arith.constant 0 : index
    %get3A_4 = vector.load %arg2[%get3A_2, %get3A_3] : memref<128x16xf32, #tpu.memory_space<vmem>>, vector<128x16xf32>
    %dot_general3A = arith.constant dense<0.000000e+00> : vector<1000x16xf32>
    %dot_general3A_5 = tpu.matmul %get3A_1, %get3A_4, %dot_general3A {dimension_numbers = #tpu.dot_dimension_numbers<[1], [0], [0], [1], [0, 0, 1, 1], [], []>, transpose_lhs_hint = false} : vector<1000x128xf32>, vector<128x16xf32>, vector<1000x16xf32> -> vector<1000x16xf32>
    %swap3A = arith.constant 0 : index
    %swap3A_6 = arith.constant 0 : index
    %swap3A_7 = vector.load %arg3[%swap3A, %swap3A_6] : memref<1000x16xf32, #tpu.memory_space<vmem>>, vector<1000x16xf32>
    tpu.vector_store %arg3[%swap3A, %swap3A_6], %dot_general3A_5 {strides = array<i32>} : memref<1000x16xf32, #tpu.memory_space<vmem>>, vector<1000x16xf32>,
    return
  }
  func.func @transform_0(%arg0: i32) -> (i32, i32) {
    %c0_i32 = arith.constant 0 : i32
    %c0_i32_0 = arith.constant 0 : i32
    return %arg0, %c0_i32 : i32, i32
  }
  func.func @transform_1(%arg0: i32) -> (i32, i32) {
    %c0_i32 = arith.constant 0 : i32
    %c0_i32_0 = arith.constant 0 : i32
    %c0_i32_1 = arith.constant 0 : i32
    return %c0_i32, %c0_i32_0 : i32, i32
  }
  func.func @transform_2(%arg0: i32) -> (i32, i32) {
    %c0_i32 = arith.constant 0 : i32
    %c0_i32_0 = arith.constant 0 : i32
    return %arg0, %c0_i32 : i32, i32
  }
}

module attributes {stable_mosaic.version = 14 : i64} {
  func.func @_tc2_body(%arg0: i32, %arg1: memref<2x1024x16xf32, #tpu.memory_space<vmem>>, %arg2: memref<1024x16xf32, #tpu.memory_space<vmem>>, %arg3: memref<2x1024x16xf32, #tpu.memory_space<vmem>>, %arg4: memref<1x16xf32, #tpu.memory_space<vmem>>, %arg5: memref<16x48xf32, #tpu.memory_space<vmem>>, %arg6: memref<1024x48xf32, #tpu.memory_space<vmem>>) attributes {dimension_semantics = [#tpu.dimension_semantics<arbitrary>], iteration_bounds = array<i64: 10>, scalar_prefetch = 0 : i64, scratch_operands = 0 : i64, tpu.core_type = #tpu.core_type<tc>, window_params = [{transform_indices = @transform_0, window_bounds = array<i64: 2, 1024, 16>}, {transform_indices = @transform_1, window_bounds = array<i64: 1024, 16>}, {transform_indices = @transform_2, window_bounds = array<i64: 2, 1024, 16>}, {pipeline_mode = #tpu.pipeline_mode<synchronous>, transform_indices = @transform_3, window_bounds = array<i64: 1, 16>}, {pipeline_mode = #tpu.pipeline_mode<synchronous>, transform_indices = @transform_4, window_bounds = array<i64: 16, 48>}, {transform_indices = @transform_5, window_bounds = array<i64: 1024, 48>}]} {
    %get3A = arith.constant 0 : index
    %get3A_0 = arith.constant 0 : index
    %get3A_1 = arith.constant 0 : index
    %get3A_2 = vector.load %arg3[%get3A, %get3A_0, %get3A_1] : memref<2x1024x16xf32, #tpu.memory_space<vmem>>, vector<2x1024x16xf32>
    %slice3A = vector.extract_strided_slice %get3A_2 {offsets = [0, 0, 0], sizes = [1, 1024, 1], strides = [1, 1, 1]} : vector<2x1024x16xf32> to vector<1x1024x1xf32>
    %squeeze3A = vector.shape_cast %slice3A : vector<1x1024x1xf32> to vector<1024x1xf32>
    %slice3A_3 = vector.extract_strided_slice %get3A_2 {offsets = [1, 0, 0], sizes = [1, 1024, 1], strides = [1, 1, 1]} : vector<2x1024x16xf32> to vector<1x1024x1xf32>
    %squeeze3A_4 = vector.shape_cast %slice3A_3 : vector<1x1024x1xf32> to vector<1024x1xf32>
    %add3A = arith.addf %squeeze3A, %squeeze3A_4 : vector<1024x1xf32>
    %sub3A = arith.constant 1.000000e+00 : f32
    %sub3A_5 = vector.broadcast %sub3A : f32 to vector<1024x1xf32>
    %sub3A_6 = arith.subf %add3A, %sub3A_5 : vector<1024x1xf32>
    %max3A = arith.constant 1.000000e+00 : f32
    %max3A_7 = vector.broadcast %max3A : f32 to vector<1024x1xf32>
    %max3A_8 = arith.maximumf %sub3A_6, %max3A_7 : vector<1024x1xf32>
    %rsqrt3A = math.rsqrt %max3A_8 : vector<1024x1xf32>
    %get3A_9 = arith.constant 0 : index
    %get3A_10 = arith.constant 0 : index
    %get3A_11 = vector.load %arg2[%get3A_9, %get3A_10] : memref<1024x16xf32, #tpu.memory_space<vmem>>, vector<1024x16xf32>
    %mul3A = vector.broadcast %rsqrt3A : vector<1024x1xf32> to vector<1024x16xf32>
    %mul3A_12 = arith.mulf %get3A_11, %mul3A : vector<1024x16xf32>
    %get3A_13 = arith.constant 0 : index
    %get3A_14 = arith.constant 0 : index
    %get3A_15 = arith.constant 0 : index
    %get3A_16 = vector.load %arg1[%get3A_13, %get3A_14, %get3A_15] : memref<2x1024x16xf32, #tpu.memory_space<vmem>>, vector<1x1024x16xf32>
    %get3A_17 = vector.shape_cast %get3A_16 : vector<1x1024x16xf32> to vector<1024x16xf32>
    %get3A_18 = arith.constant 1 : index
    %get3A_19 = arith.constant 0 : index
    %get3A_20 = arith.constant 0 : index
    %get3A_21 = vector.load %arg1[%get3A_18, %get3A_19, %get3A_20] : memref<2x1024x16xf32, #tpu.memory_space<vmem>>, vector<1x1024x16xf32>
    %get3A_22 = vector.shape_cast %get3A_21 : vector<1x1024x16xf32> to vector<1024x16xf32>
    %add3A_23 = arith.addf %get3A_17, %get3A_22 : vector<1024x16xf32>
    %sub3A_24 = arith.subf %add3A_23, %mul3A_12 : vector<1024x16xf32>
    %mul3A_25 = vector.broadcast %rsqrt3A : vector<1024x1xf32> to vector<1024x16xf32>
    %mul3A_26 = arith.mulf %sub3A_24, %mul3A_25 : vector<1024x16xf32>
    %get3A_27 = arith.constant 0 : index
    %get3A_28 = arith.constant 0 : index
    %get3A_29 = vector.load %arg4[%get3A_27, %get3A_28] : memref<1x16xf32, #tpu.memory_space<vmem>>, vector<1x16xf32>
    %add3A_30 = vector.broadcast %get3A_29 : vector<1x16xf32> to vector<1024x16xf32>
    %add3A_31 = arith.addf %mul3A_26, %add3A_30 : vector<1024x16xf32>
    %max3A_32 = arith.constant 0.000000e+00 : f32
    %max3A_33 = vector.broadcast %max3A_32 : f32 to vector<1024x16xf32>
    %max3A_34 = arith.maximumf %add3A_31, %max3A_33 : vector<1024x16xf32>
    %get3A_35 = arith.constant 0 : index
    %get3A_36 = arith.constant 0 : index
    %get3A_37 = vector.load %arg5[%get3A_35, %get3A_36] : memref<16x48xf32, #tpu.memory_space<vmem>>, vector<16x48xf32>
    %dot_general3A = arith.constant dense<0.000000e+00> : vector<1024x48xf32>
    %dot_general3A_38 = tpu.matmul %max3A_34, %get3A_37, %dot_general3A {dimension_numbers = #tpu.dot_dimension_numbers<[1], [0], [0], [1], [0, 0, 1, 1], [], []>, transpose_lhs_hint = false} : vector<1024x16xf32>, vector<16x48xf32>, vector<1024x48xf32> -> vector<1024x48xf32>
    %mul3A_39 = vector.broadcast %rsqrt3A : vector<1024x1xf32> to vector<1024x48xf32>
    %mul3A_40 = arith.mulf %dot_general3A_38, %mul3A_39 : vector<1024x48xf32>
    %swap3A = arith.constant 0 : index
    %swap3A_41 = arith.constant 0 : index
    %swap3A_42 = vector.load %arg6[%swap3A, %swap3A_41] : memref<1024x48xf32, #tpu.memory_space<vmem>>, vector<1024x48xf32>
    tpu.vector_store %arg6[%swap3A, %swap3A_41], %mul3A_40 {strides = array<i32>} : memref<1024x48xf32, #tpu.memory_space<vmem>>, vector<1024x48xf32>,
    return
  }
  func.func @transform_0(%arg0: i32) -> (i32, i32, i32) {
    %c0_i32 = arith.constant 0 : i32
    %c0_i32_0 = arith.constant 0 : i32
    %c0_i32_1 = arith.constant 0 : i32
    return %c0_i32, %arg0, %c0_i32_0 : i32, i32, i32
  }
  func.func @transform_1(%arg0: i32) -> (i32, i32) {
    %c0_i32 = arith.constant 0 : i32
    %c0_i32_0 = arith.constant 0 : i32
    return %arg0, %c0_i32 : i32, i32
  }
  func.func @transform_2(%arg0: i32) -> (i32, i32, i32) {
    %c0_i32 = arith.constant 0 : i32
    %c0_i32_0 = arith.constant 0 : i32
    %c0_i32_1 = arith.constant 0 : i32
    return %c0_i32, %arg0, %c0_i32_0 : i32, i32, i32
  }
  func.func @transform_3(%arg0: i32) -> (i32, i32) {
    %c0_i32 = arith.constant 0 : i32
    %c0_i32_0 = arith.constant 0 : i32
    %c0_i32_1 = arith.constant 0 : i32
    return %c0_i32, %c0_i32_0 : i32, i32
  }
  func.func @transform_4(%arg0: i32) -> (i32, i32) {
    %c0_i32 = arith.constant 0 : i32
    %c0_i32_0 = arith.constant 0 : i32
    %c0_i32_1 = arith.constant 0 : i32
    return %c0_i32, %c0_i32_0 : i32, i32
  }
  func.func @transform_5(%arg0: i32) -> (i32, i32) {
    %c0_i32 = arith.constant 0 : i32
    %c0_i32_0 = arith.constant 0 : i32
    return %arg0, %c0_i32 : i32, i32
  }
}

module attributes {stable_mosaic.version = 14 : i64} {
  func.func @_tc3_body(%arg0: i32, %arg1: memref<2x1000x48xf32, #tpu.memory_space<vmem>>, %arg2: memref<1000x48xf32, #tpu.memory_space<vmem>>, %arg3: memref<2x1000x16xf32, #tpu.memory_space<vmem>>, %arg4: memref<1x48xf32, #tpu.memory_space<vmem>>, %arg5: memref<1000x40xf32, #tpu.memory_space<vmem>>) attributes {dimension_semantics = [#tpu.dimension_semantics<arbitrary>], iteration_bounds = array<i64: 10>, scalar_prefetch = 0 : i64, scratch_operands = 0 : i64, tpu.core_type = #tpu.core_type<tc>, window_params = [{transform_indices = @transform_0, window_bounds = array<i64: 2, 1000, 48>}, {transform_indices = @transform_1, window_bounds = array<i64: 1000, 48>}, {transform_indices = @transform_2, window_bounds = array<i64: 2, 1000, 16>}, {pipeline_mode = #tpu.pipeline_mode<synchronous>, transform_indices = @transform_3, window_bounds = array<i64: 1, 48>}, {transform_indices = @transform_4, window_bounds = array<i64: 1000, 40>}]} {
    %get3A = arith.constant 0 : index
    %get3A_0 = arith.constant 0 : index
    %get3A_1 = arith.constant 0 : index
    %get3A_2 = vector.load %arg3[%get3A, %get3A_0, %get3A_1] : memref<2x1000x16xf32, #tpu.memory_space<vmem>>, vector<2x1000x16xf32>
    %slice3A = vector.extract_strided_slice %get3A_2 {offsets = [0, 0, 0], sizes = [1, 1000, 1], strides = [1, 1, 1]} : vector<2x1000x16xf32> to vector<1x1000x1xf32>
    %squeeze3A = vector.shape_cast %slice3A : vector<1x1000x1xf32> to vector<1000x1xf32>
    %slice3A_3 = vector.extract_strided_slice %get3A_2 {offsets = [1, 0, 0], sizes = [1, 1000, 1], strides = [1, 1, 1]} : vector<2x1000x16xf32> to vector<1x1000x1xf32>
    %squeeze3A_4 = vector.shape_cast %slice3A_3 : vector<1x1000x1xf32> to vector<1000x1xf32>
    %add3A = arith.addf %squeeze3A, %squeeze3A_4 : vector<1000x1xf32>
    %sub3A = arith.constant 1.000000e+00 : f32
    %sub3A_5 = vector.broadcast %sub3A : f32 to vector<1000x1xf32>
    %sub3A_6 = arith.subf %add3A, %sub3A_5 : vector<1000x1xf32>
    %max3A = arith.constant 1.000000e+00 : f32
    %max3A_7 = vector.broadcast %max3A : f32 to vector<1000x1xf32>
    %max3A_8 = arith.maximumf %sub3A_6, %max3A_7 : vector<1000x1xf32>
    %rsqrt3A = math.rsqrt %max3A_8 : vector<1000x1xf32>
    %get3A_9 = arith.constant 0 : index
    %get3A_10 = arith.constant 0 : index
    %get3A_11 = arith.constant 0 : index
    %get3A_12 = vector.load %arg1[%get3A_9, %get3A_10, %get3A_11] : memref<2x1000x48xf32, #tpu.memory_space<vmem>>, vector<1x1000x48xf32>
    %get3A_13 = vector.shape_cast %get3A_12 : vector<1x1000x48xf32> to vector<1000x48xf32>
    %get3A_14 = arith.constant 1 : index
    %get3A_15 = arith.constant 0 : index
    %get3A_16 = arith.constant 0 : index
    %get3A_17 = vector.load %arg1[%get3A_14, %get3A_15, %get3A_16] : memref<2x1000x48xf32, #tpu.memory_space<vmem>>, vector<1x1000x48xf32>
    %get3A_18 = vector.shape_cast %get3A_17 : vector<1x1000x48xf32> to vector<1000x48xf32>
    %add3A_19 = arith.addf %get3A_13, %get3A_18 : vector<1000x48xf32>
    %get3A_20 = arith.constant 0 : index
    %get3A_21 = arith.constant 0 : index
    %get3A_22 = vector.load %arg2[%get3A_20, %get3A_21] : memref<1000x48xf32, #tpu.memory_space<vmem>>, vector<1000x48xf32>
    %sub3A_23 = arith.subf %add3A_19, %get3A_22 : vector<1000x48xf32>
    %mul3A = vector.broadcast %rsqrt3A : vector<1000x1xf32> to vector<1000x48xf32>
    %mul3A_24 = arith.mulf %sub3A_23, %mul3A : vector<1000x48xf32>
    %get3A_25 = arith.constant 0 : index
    %get3A_26 = arith.constant 0 : index
    %get3A_27 = vector.load %arg4[%get3A_25, %get3A_26] : memref<1x48xf32, #tpu.memory_space<vmem>>, vector<1x48xf32>
    %add3A_28 = vector.broadcast %get3A_27 : vector<1x48xf32> to vector<1000x48xf32>
    %add3A_29 = arith.addf %mul3A_24, %add3A_28 : vector<1000x48xf32>
    %slice3A_30 = vector.extract_strided_slice %add3A_29 {offsets = [0, 0], sizes = [1000, 40], strides = [1, 1]} : vector<1000x48xf32> to vector<1000x40xf32>
    %reduce_max3A = arith.constant dense<0xFF800000> : vector<1000xf32>
    %reduce_max3A_31 = vector.multi_reduction <maximumf>, %slice3A_30, %reduce_max3A [1] : vector<1000x40xf32> to vector<1000xf32>
    %broadcast_in_dim3A = vector.shape_cast %reduce_max3A_31 : vector<1000xf32> to vector<1000x1xf32>
    %sub3A_32 = vector.broadcast %broadcast_in_dim3A : vector<1000x1xf32> to vector<1000x40xf32>
    %sub3A_33 = arith.subf %slice3A_30, %sub3A_32 : vector<1000x40xf32>
    %exp3A = math.exp %sub3A_33 : vector<1000x40xf32>
    %reduce_sum3A = arith.constant dense<0.000000e+00> : vector<1000xf32>
    %reduce_sum3A_34 = vector.multi_reduction <add>, %exp3A, %reduce_sum3A [1] : vector<1000x40xf32> to vector<1000xf32>
    %broadcast_in_dim3A_35 = vector.shape_cast %reduce_sum3A_34 : vector<1000xf32> to vector<1000x1xf32>
    %log3A = math.log %broadcast_in_dim3A_35 : vector<1000x1xf32>
    %sub3A_36 = vector.broadcast %broadcast_in_dim3A : vector<1000x1xf32> to vector<1000x40xf32>
    %sub3A_37 = arith.subf %slice3A_30, %sub3A_36 : vector<1000x40xf32>
    %sub3A_38 = vector.broadcast %log3A : vector<1000x1xf32> to vector<1000x40xf32>
    %sub3A_39 = arith.subf %sub3A_37, %sub3A_38 : vector<1000x40xf32>
    %swap3A = arith.constant 0 : index
    %swap3A_40 = arith.constant 0 : index
    %swap3A_41 = vector.load %arg5[%swap3A, %swap3A_40] : memref<1000x40xf32, #tpu.memory_space<vmem>>, vector<1000x40xf32>
    tpu.vector_store %arg5[%swap3A, %swap3A_40], %sub3A_39 {strides = array<i32>} : memref<1000x40xf32, #tpu.memory_space<vmem>>, vector<1000x40xf32>,
    return
  }
  func.func @transform_0(%arg0: i32) -> (i32, i32, i32) {
    %c0_i32 = arith.constant 0 : i32
    %c0_i32_0 = arith.constant 0 : i32
    %c0_i32_1 = arith.constant 0 : i32
    return %c0_i32, %arg0, %c0_i32_0 : i32, i32, i32
  }
  func.func @transform_1(%arg0: i32) -> (i32, i32) {
    %c0_i32 = arith.constant 0 : i32
    %c0_i32_0 = arith.constant 0 : i32
    return %arg0, %c0_i32 : i32, i32
  }
  func.func @transform_2(%arg0: i32) -> (i32, i32, i32) {
    %c0_i32 = arith.constant 0 : i32
    %c0_i32_0 = arith.constant 0 : i32
    %c0_i32_1 = arith.constant 0 : i32
    return %c0_i32, %arg0, %c0_i32_0 : i32, i32, i32
  }
  func.func @transform_3(%arg0: i32) -> (i32, i32) {
    %c0_i32 = arith.constant 0 : i32
    %c0_i32_0 = arith.constant 0 : i32
    %c0_i32_1 = arith.constant 0 : i32
    return %c0_i32, %c0_i32_0 : i32, i32
  }
  func.func @transform_4(%arg0: i32) -> (i32, i32) {
    %c0_i32 = arith.constant 0 : i32
    %c0_i32_0 = arith.constant 0 : i32
    return %arg0, %c0_i32 : i32, i32
  }
}

</mosaic_0001>

<sc_bundles>
// kernel: kernel.11.cloned.1.call-start
scs
__scs_entry_jumppad:
0x0: {  	(pc) =	sbr.rel $0x88, $3  }
0x1: {  	(tag) =	ssettag $0x0;
	lr =	simm.s32 $0x1  }
0x2: {  	[smem:$0x3F9B] =	sst lr;
	_ =	strace $0xD0000000  }
0x3: {  	_ = 	snop  }
0x4: {  	_ = 	snop  }
0x5: {  	_ = 	snop  }
0x6: {  	_ = 	snop  }
0x7: {  	_ = 	snop  }
__scs_overlays_trampoline_lowered:
0x8: {  	[smem:$0x3FAA] =	sst s0  }
0x9: {  	[smem:$0x3FAB] =	sst s1  }
0xa: {  	[smem:$0x3FAC] =	sst s2  }
0xb: {  	[smem:$0x3FAD] =	sst s3  }
0xc: {  	[smem:$0x3FAE] =	sst s4  }
0xd: {  	[smem:$0x3FAF] =	sst s5  }
0xe: {  	[smem:$0x3FB0] =	sst s6  }
0xf: {  	[smem:$0x3FB1] =	sst s7  }
0x10: {  	[smem:$0x3FB2] =	sst s8  }
0x11: {  	[smem:$0x3FB3] =	sst s9;
	s0 =	simm.s32 @!p0 $0x0  }
0x12: {  	s1 =	sld [smem:$0x3F99];
	s0 =	simm.s32 @p0 $0x1  }
0x13: {  	[smem:$0x3FB4] =	sst s0;
	s0 =	simm.s32 @!p1 $0x0  }
0x14: {  	s2 =	sld [smem:$0x3F98];
	s0 =	simm.s32 @p1 $0x1  }
0x15: {  	[smem:$0x3FB5] =	sst s0;
	s0 =	simm.s32 @!p2 $0x0  }
0x16: {  	s3 =	sld [smem:$0x3FDB];
	s0 =	simm.s32 @p2 $0x1  }
0x17: {  	s4 =	simm.s32 $0x1BF5;
	[smem:$0x3FB7] =	sst s0  }
0x18: {  	s0 =	sld [smem:$0x3F9A];
	_ =	swait.ge [sflag:s4], $0x0  }
0x19: {  	s7 =	sld [smem:$0x3F9B]  }
0x1a: {  	s8 =	sadd.s32 $0xFFFFE003, lr  }
0x1b: {  	s9 =	sadd.s32 $0xFFFFFEF7, lr;
	s5 =	simm.s32 $0xFFFFFFFF;
	p2 =	slt.u32 s8, $0xFFFFF086  }
0x1c: {  	p1 =	slt.u32 s9, $0xF7A;
	s5 =	simm.s32 @!p2 $0x0  }
0x1d: {  	s5 =	simm.s32 @p1 $0x1;
	p0 =	seq.s32 s7, s2  }
0x1e: {  	s7 =	smul.u32 @!p0 $0xF7A, s2;
	p2 =	seq.s32 @!p0 s5, $0x0  }
0x1f: {  	s9 =	smul.u32 $0xF7A, s1;
	s8 =	simm.s32 @!p0 $0x1BF5;
	p2 =	por !p2, p0  }
0x20: {  	[sflag:s8] =	ssyncset.s32 @!p0 $0xFFFFF086;
	s6 =	sadd.s32 @!p0 s3, s7;
	s7 =	simm.s32 @!p0 $0x108  }
0x21: {  	s3 =	sadd.s32 s3, s9;
	s6 =	sadd.s32 @!p0 $0x88, s6;
	s7 =	simm.s32 @p2 $0x1082  }
0x22: {  	[simem:s7], [sflag:s8] =	dma.local @!p0 [hbm:s6], $0xF7A  }
0x23: {  	s9 =	sor.u32 $0xD0000000, s2;
	s6 =	simm.s32 $0x108;
	_ =	swait.ge @!p0 [sflag:s8], $0x0  }
0x24: {  	s3 =	sadd.s32 $0x88, s3;
	s6 =	simm.s32 @!p1 $0x1082;
	[sflag:s4] =	ssyncset.s32 $0xFFFFF086  }
0x25: {  	[simem:s6], [sflag:s4] =	dma.local [hbm:s3], $0xF7A  }
0x26: {  	[smem:$0x3F9B] =	sst s1;
	(tag) =	ssettag s2;
	_ =	strace s9  }
0x27: {  	s1 =	sld [smem:$0x3FAB]  }
0x28: {  	s2 =	sld [smem:$0x3FAC]  }
0x29: {  	s4 =	sld [smem:$0x3FAE]  }
0x2a: {  	p0 =	seq.s32 s5, $0x0;
	s5 =	sld [smem:$0x3FAF]  }
0x2b: {  	s6 =	sld [smem:$0x3FB0]  }
0x2c: {  	s7 =	sld [smem:$0x3FB1]  }
0x2d: {  	s3 =	simm.s32 $0x108;
	s8 =	sld [smem:$0x3FB2]  }
0x2e: {  	s3 =	simm.s32 @!p0 $0x1082;
	s9 =	sld [smem:$0x3FB3]  }
0x2f: {  	lr =	sadd.s32 s0, s3;
	s0 =	sld [smem:$0x3FAA]  }
0x30: {  	s3 =	sld [smem:$0x3FAD]  }
0x31: {  	[smem:$0x3FB6] =	sst s10  }
0x32: {  	s10 =	sld [smem:$0x3FB4];
	_ =	sdelay $0x3  }
0x33: {  	p0 =	seq.s32 s10, $0x1;
	s10 =	sld [smem:$0x3FB6];
	_ =	sdelay $0x3  }
0x34: {  	[smem:$0x3FB6] =	sst s10  }
0x35: {  	s10 =	sld [smem:$0x3FB5];
	_ =	sdelay $0x3  }
0x36: {  	p1 =	seq.s32 s10, $0x1;
	s10 =	sld [smem:$0x3FB6];
	_ =	sdelay $0x3  }
0x37: {  	[smem:$0x3FB6] =	sst s10  }
0x38: {  	s10 =	sld [smem:$0x3FB7]  }
0x39: {  	_ = 	snop;
	(pc) =	sbr.ind lr, $3  }
0x3a: {  	_ = 	snop  }
0x3b: {  	_ = 	snop  }
0x3c: {  	p2 =	seq.s32 s10, $0x1;
	s10 =	sld [smem:$0x3FB6]  }
0x3d: {  	_ =	shalt  }
0x3e: {  	_ =	shalt  }
0x3f: {  	_ =	shalt  }
0x40: {  	_ =	shalt  }
0x41: {  	_ =	shalt  }
0x42: {  	_ =	shalt  }
0x43: {  	_ =	shalt  }
0x44: {  	_ =	shalt  }
0x45: {  	_ =	shalt  }
0x46: {  	_ =	shalt  }
0x47: {  	_ =	shalt  }
0x48: {  	_ =	shalt  }
0x49: {  	_ =	shalt  }
0x4a: {  	_ =	shalt  }
0x4b: {  	_ =	shalt  }
0x4c: {  	_ =	shalt  }
0x4d: {  	_ =	shalt  }
0x4e: {  	_ =	shalt  }
0x4f: {  	_ =	shalt  }
0x50: {  	_ =	shalt  }
0x51: {  	_ =	shalt  }
0x52: {  	_ =	shalt  }
0x53: {  	_ =	shalt  }
0x54: {  	_ =	shalt  }
0x55: {  	_ =	shalt  }
0x56: {  	_ =	shalt  }
0x57: {  	_ =	shalt  }
0x58: {  	_ =	shalt  }
0x59: {  	_ =	shalt  }
0x5a: {  	_ =	shalt  }
0x5b: {  	_ =	shalt  }
0x5c: {  	_ =	shalt  }
0x5d: {  	_ =	shalt  }
0x5e: {  	_ =	shalt  }
0x5f: {  	_ =	shalt  }
0x60: {  	_ =	shalt  }
0x61: {  	_ =	shalt  }
0x62: {  	_ =	shalt  }
0x63: {  	_ =	shalt  }
0x64: {  	_ =	shalt  }
0x65: {  	_ =	shalt  }
0x66: {  	_ =	shalt  }
0x67: {  	_ =	shalt  }
0x68: {  	_ =	shalt  }
0x69: {  	_ =	shalt  }
0x6a: {  	_ =	shalt  }
0x6b: {  	_ =	shalt  }
0x6c: {  	_ =	shalt  }
0x6d: {  	_ =	shalt  }
0x6e: {  	_ =	shalt  }
0x6f: {  	_ =	shalt  }
0x70: {  	_ =	shalt  }
0x71: {  	_ =	shalt  }
0x72: {  	_ =	shalt  }
0x73: {  	_ =	shalt  }
0x74: {  	_ =	shalt  }
0x75: {  	_ =	shalt  }
0x76: {  	_ =	shalt  }
0x77: {  	_ =	shalt  }
0x78: {  	_ =	shalt  }
0x79: {  	_ =	shalt  }
0x7a: {  	_ =	shalt  }
0x7b: {  	_ =	shalt  }
0x7c: {  	_ =	shalt  }
0x7d: {  	_ =	shalt  }
0x7e: {  	_ =	shalt  }
0x7f: {  	_ =	shalt  }
0x80: {  	_ =	shalt  }
0x81: {  	_ =	shalt  }
0x82: {  	_ =	shalt  }
0x83: {  	_ =	shalt  }
0x84: {  	_ =	shalt  }
0x85: {  	_ =	shalt  }
0x86: {  	_ =	shalt  }
0x87: {  	_ =	shalt  }
.Lfunc_end0:
.L_simem_size_0:
called_computation.1_lowered:
.L_overlay_start_0:
0x88: {  	s2 =	sld [smem:$0x3FD9]  }
0x89: {  	s3 =	sld [smem:$0x3FFE];
	_ =	sdelay $0x1  }
0x8a: {  	s1 =	srdreg.scid  }
0x8b: {  	s0 =	sand.u32 $0x1, s1  }
0x8c: {  	s17 =	sshll.u32 s0, $0xA;
	s2 =	sadd.s32 s3, s2  }
0x8d: {  	s2 =	sadd.s32 s2, s17  }
0x8e: {  	[smem:$0x3FC2] =	sst s2  }
0x8f: {  	_ = 	snop  }
0x90: {  	s2 =	sld [smem:$0x3FD0];
	(tm) =	ssettm $0x1  }
0x91: {  	s18 =	sld [smem:$0x3FFB];
	_ =	sdelay $0x3  }
0x92: {  	_ =	strace s18  }
0x93: {  	s3 =	sld [smem:$0x3FFC];
	_ =	sdelay $0x3  }
0x94: {  	_ =	strace s3  }
0x95: {  	s3 =	sld [smem:$0x3FFD];
	_ =	sdelay $0x3  }
0x96: {  	_ =	strace s3  }
0x97: {  	_ =	strace $0x8FFFFFFF  }
0x98: {  	s19 =	sld [smem:$0x3FDB];
	_ =	sdelay $0x1  }
0x99: {  	s4 =	simm.s32 $_scs_section_size  }
0x9a: {  	s5 =	simm.s32 $_size__tile_overlayer_lowered;
	s6 =	simm.s32 $_tile_overlayer_lowered  }
0x9b: {  	s22 =	simm.s32 $0x1BFF;
	s21 =	sshll.u32 s6, $0x1;
	s3 =	sadd.s32 s4, s19  }
0x9c: {  	s7 =	simm.s32 $0x0;
	s20 =	sshll.u32 s5, $0x1;
	s5 =	sadd.s32 s21, s3  }
0x9d: {  	[timem:s7], [sflag:s22] =	dma.local [hbm:s5], s20  }
0x9e: {  	_ =	swait.ge [sflag:s22], s20  }
0x9f: {  	s4 =	ssub.s32 $0x0, s20;
	[sflag:s22] =	ssyncset.done $0x0  }
0xa0: {  	[sflag:s22] =	ssyncadd.s32 s4;
	_ =	sdelay $0x1  }
0xa1: {  	s23 =	simm.s32 $0x1B8B  }
0xa2: {  	_ =	swait.ge [sflag:s23], $0x1  }
0xa3: {  	[sflag:s23] =	ssyncset.done $0x0  }
0xa4: {  	s25 =	simm.s32 $0x1B8E;
	s24 =	sld [smem:$0x3FFE];
	[sflag:s23] =	ssyncadd.s32 $0xFFFFFFFF  }
0xa5: {  	s26 =	simm.s32 $execute0_lowered;
	[smem:$0x3FD2] =	sst s25  }
0xa6: {  	s5 =	sshll.u32 s26, $0x1;
	_ =	strace $0x80000049;
	[dreg:$0x1] =	wrdreg $0xFFFFFFFF  }
0xa7: {  	s28 =	simm.s32 $_size_execute0_lowered;
	s3 =	sadd.s32 s3, s5;
	[dreg:$0x0] =	wrdreg $0x0  }
0xa8: {  	s5 =	sshll.u32 s28, $0x1;
	[dreg:$0x2] =	wrdreg s3  }
0xa9: {  	[dreg:$0x3] =	wrdreg s5  }
0xaa: {  	[dreg:$0x4] =	wrdreg $0xC0  }
0xab: {  	_ =	task [dreg:s7], $0x5FFFF  }
0xac: {  	[dreg:$0x1] =	wrdreg $0xFFFFFFFF  }
0xad: {  	[dreg:$0x0] =	wrdreg $0x60  }
0xae: {  	[dreg:$0x2] =	wrdreg s24  }
0xaf: {  	[dreg:$0x3] =	wrdreg s2  }
0xb0: {  	[dreg:$0x4] =	wrdreg $0xEA000  }
0xb1: {  	[dreg:$0x5] =	wrdreg $0x112000  }
0xb2: {  	[dreg:$0x6] =	wrdreg $0x9  }
0xb3: {  	_ =	task.clear_ibuf [dreg:s7], $0x7FFFF;
	_ =	strace $0x90000049  }
0xb4: {  	s29 =	simm.s32 $0x9;
	_ =	strace $0x8000004B  }
0xb5: {  	_ =	swait.ge [sflag:s29], $0x1  }
0xb6: {  	[sflag:s29] =	ssyncadd.s32 $0xFFFFFFFF  }
0xb7: {  	_ =	strace $0x9000004B  }
0xb8: {  	_ =	sfence  }
0xb9: {  	s30 =	sld [smem:$0x0];
	_ =	sdelay $0x2  }
0xba: {  	s31 =	sshll.u32 s1, $0xD;
	s1 =	sshrl.u32 s1, $0x2  }
0xbb: {  	s3 =	sand.u32 $0x4000, s31;
	s1 =	sadd.s32 s1, s30  }
0xbc: {  	s0 =	sor.u32 s3, s0;
	s1 =	sshll.u32 s1, $0x11  }
0xbd: {  	s0 =	sor.u32 s1, s0  }
0xbe: {  	s0 =	sadd.s32 $0x8F2B, s0  }
0xbf: {  	[sflag:s0] =	ssyncadd.remote.s32 $0x1  }
0xc0: {  	_ =	sfence.sel $0xFFFF  }
0xc1: {  	[dreg:$0x0] =	wrdreg $0xFFFFFFFF;
	(pc) =	sbr.abs _section_cstart, $3  }
0xc2: {  	[dreg:$0x1] =	wrdreg $0xFFFFFFFF  }
0xc3: {  	_ =	task.clear_ibuf [dreg:s7], $0x2FFFF;
	_ =	strace $0x9FFFFFFF  }
0xc4: {  	(tm) =	ssettm $0x7FFFFFFF  }
0xc5: {  	_ =	shalt  }
tec
execute0_lowered:
.L_overlay_start_1:
0x0: {  	(tag) =	ssettag $0x1  }
0x1: {  	s0 =	rddreg [dreg:$0x0]  }
0x2: {  	s9 =	rddreg [dreg:$0x1]  }
0x3: {  	s2 =	rddreg [dreg:$0x2]  }
0x4: {  	s3 =	rddreg [dreg:$0x3]  }
0x5: {  	s4 =	srdreg.scid;
	s1 =	stileid.u32;
	s14 =	simm.s32 $0x7200  }
0x6: {  	s15 =	simm.s32 $0x3;
	s16 =	simm.s32 $0x9A00;
	s17 =	simm.s32 $0xC200  }
0x7: {  	s18 =	simm.s32 $0x2900;
	s19 =	simm.s32 $0x80;
	s20 =	simm.s32 $0x5200  }
0x8: {  	s21 =	simm.s32 $0x5A00;
	s22 =	simm.s32 $0x1;
	s23 =	simm.s32 $0x6200  }
0x9: {  	s24 =	simm.s32 $0x6A00;
	s25 =	simm.s32 $0x2;
	s26 =	simm.s32 $0x0  }
0xa: {  	s5 =	sand.u32 $0x1, s4;
	s4 =	simm.s32 $0x0;
	s11 =	smul.u32 $0x2800, s1  }
0xb: {  	s6 =	sshll.u32 s5, $0x4;
	[smem:$0x7FF] =	sst s4;
	s7 =	smul.u32 $0x28000, s5  }
0xc: {  	s5 =	ssub.s32 $0x2, s5;
	s6 =	sor.u32 s1, s6;
	_ =	strace $0x8000004A  }
0xd: {  	s8 =	sshrl.u32 s11, $0x3;
	s31 =	sshrl.u32 s5, $0x1;
	s10 =	smul.u32 $0x520, s6  }
0xe: {  	s8 =	sadd.s32 s8, s0;
	s30 =	sadd.s32 s11, s7;
	s13 =	ssub.s32 s5, s31  }
0xf: {  	s6 =	sshrl.u32 s30, $0x3;
	s5 =	sadd.s32 $0x1AA00, s8;
	s7 =	sadd.s32 $0xB600, s8  }
0x10: {  	s13 =	smax.u32 s13, $0x1;
	s12 =	sadd.s32 s10, s0;
	s0 =	sadd.s32 s6, s0  }
0x11: {  	s6 =	sadd.s32 $0x6600, s8;
	s9 =	sadd.s32 s9, s10;
	s10 =	sadd.s32 s11, s2  }
0x12: {  	s11 =	sadd.s32 s11, s3;
	s8 =	sadd.s32 $0x10600, s12;
	s12 =	sadd.s32 $0x1FA00, s0  }
.LBB2_1:
0x13: {  	[tilespmem:s14], [sflag:$0x3] =	stream.linear.gather [hbm4b:s5+s4], $0x2800, $0x38;
	[tilespmem:$0x13A00] =	vst v63  }
0x14: {  	_ =	swait.ge [sflag:s15], $0x2800  }
0x15: {  	[sflag:s15] =	ssyncset.done $0x0  }
0x16: {  	[sflag:s15] =	ssyncadd.s32 $0xFFFFD800  }
0x17: {  	[tilespmem:s16], [sflag:$0x3] =	stream.linear.gather [hbm4b:s6+s4], $0x2800, $0x38;
	[tilespmem:$0x13A00] =	vst v63  }
0x18: {  	_ =	swait.ge [sflag:s15], $0x2800  }
0x19: {  	[sflag:s15] =	ssyncset.done $0x0  }
0x1a: {  	[sflag:s15] =	ssyncadd.s32 $0xFFFFD800  }
0x1b: {  	[tilespmem:s17], [sflag:$0x3] =	stream.linear.gather [hbm4b:s7+s4], $0x2800, $0x38;
	[tilespmem:$0x13A00] =	vst v63  }
0x1c: {  	_ =	swait.ge [sflag:s15], $0x2800  }
0x1d: {  	[sflag:s15] =	ssyncset.done $0x0  }
0x1e: {  	[sflag:s15] =	ssyncadd.s32 $0xFFFFD800  }
0x1f: {  	[tilespmem:s4], [sflag:$0x3] =	stream.linear.gather [hbm4b:s8+s4], $0x2900, $0x38;
	[tilespmem:$0x13A00] =	vst v63  }
0x20: {  	_ =	swait.ge [sflag:s15], $0x2900  }
0x21: {  	[sflag:s15] =	ssyncset.done $0x0  }
0x22: {  	[sflag:s15] =	ssyncadd.s32 $0xFFFFD700  }
0x23: {  	[tilespmem:s18], [sflag:$0x3] =	stream.linear.gather [hbm4b:s9+s4], $0x2900, $0x38;
	[tilespmem:$0x13A00] =	vst v63  }
0x24: {  	_ =	swait.ge [sflag:s15], $0x2900  }
0x25: {  	[sflag:s15] =	ssyncset.done $0x0  }
0x26: {  	s31 =	simm.s32 $0x0;
	[sflag:s15] =	ssyncadd.s32 $0xFFFFD700  }
0x27: {  	v0 =	vld [tilespmem:s31+$0x9A00]  }
0x28: {  	v1 =	vld [tilespmem:s31+$0xC200];
	_ =	sdelay $0x4  }
0x29: {  	v0 =	vadd.f32 v1, v0  }
0x2a: {  	s29 =	simm.s32 $0x10  }
0x2b: {  	v2 =	vld [tilespmem:s29+$0xC200];
	v0 =	vadd.f32 $-1.000000000e+00, v0  }
0x2c: {  	v1 =	vld [tilespmem:s29+$0x9A00]  }
0x2d: {  	v3 =	vshra.s32 v0, $0x1;
	v4 =	vmul.f32 $5.000000000e-01, v0  }
0x2e: {  	v3 =	vsub.s32 $0x5F3759DF, v3  }
0x2f: {  	v0 =	vmul.f32 v3, v4  }
0x30: {  	s28 =	simm.s32 $0x20  }
0x31: {  	v5 =	vld [tilespmem:s28+$0x9A00];
	v1 =	vadd.f32 v2, v1;
	v0 =	vmul.f32 v3, v0  }
0x32: {  	v6 =	vld [tilespmem:s28+$0xC200]  }
0x33: {  	v1 =	vadd.f32 $-1.000000000e+00, v1;
	v2 =	vsub.f32 $1.500000000e+00, v0;
	_ =	sdelay $0x1  }
0x34: {  	v7 =	vshra.s32 v1, $0x1;
	v0 =	vmul.f32 $5.000000000e-01, v1;
	v1 =	vmul.f32 v3, v2  }
0x35: {  	v2 =	vsub.s32 $0x5F3759DF, v7  }
0x36: {  	v5 =	vadd.f32 v6, v5;
	v7 =	vmul.f32 v2, v0;
	v4 =	vmul.f32 v1, v4;
	_ =	sdelay $0x1  }
0x37: {  	s30 =	simm.s32 $0x30;
	v6 =	vadd.f32 $-1.000000000e+00, v5;
	v5 =	vld [tilespmem:s31+$0x7200];
	v7 =	vmul.f32 v2, v7;
	v8 =	vmul.f32 v4, v1  }
0x38: {  	v3 =	vld [tilespmem:s30+$0x9A00]  }
0x39: {  	s0 =	simm.s32 $0x100;
	v4 =	vld [tilespmem:s30+$0xC200];
	v7 =	vsub.f32 $1.500000000e+00, v7;
	v8 =	vsub.f32 $1.500000000e+00, v8  }
.LBB2_2:
0x3a: {  	p0 =	sne.s32 s0, $0x9FC0;
	v9 =	vshra.s32 v6, $0x1;
	v6 =	vmul.f32 $5.000000000e-01, v6  }
0x3b: {  	v8 =	vmul.f32 v8, v1;
	v1 =	vmul.f32 v2, v7;
	v2 =	vsub.s32 $0x5F3759DF, v9  }
0x3c: {  	v7 =	vmul.f32 v2, v6  }
.Ltmp0:
0x3d: {  	v9 =	vmul.f32 v1, v0;
	v5 =	vmul.f32 v8, v5;
	v0 =	vmov v6;
	(pc) =	sbr.rel @p0 .LBB2_2-.Ltmp0, $4  }
0x3e: {  	s1 =	sshra.s32 s0, $0x2;
	v4 =	vadd.f32 v4, v3  }
0x3f: {  	v7 =	vmul.f32 v2, v7;
	v3 =	vld [tilespmem:s1+$0x9A00];
	v8 =	vmul.f32 v9, v1;
	[tilespmem:s31+$0x7200] =	vst v5;
	s31 =	smov.u32 s29;
	s29 =	smov.u32 s28;
	s28 =	smov.u32 s30  }
0x40: {  	s30 =	smov.u32 s1;
	v6 =	vadd.f32 $-1.000000000e+00, v4;
	v5 =	vld [tilespmem:s31+$0x7200]  }
0x41: {  	s0 =	sadd.s32 $0x40, s0;
	v7 =	vsub.f32 $1.500000000e+00, v7;
	v4 =	vld [tilespmem:s30+$0xC200];
	v8 =	vsub.f32 $1.500000000e+00, v8  }
0x42: {  	v9 =	vshra.s32 v6, $0x1;
	v56 =	vmul.f32 $5.000000000e-01, v6  }
0x43: {  	v9 =	vsub.s32 $0x5F3759DF, v9;
	v2 =	vmul.f32 v2, v7;
	v1 =	vmul.f32 v8, v1  }
0x44: {  	v57 =	vmul.f32 v9, v56  }
0x45: {  	v0 =	vmul.f32 v2, v0;
	v1 =	vmul.f32 v1, v5  }
0x46: {  	v3 =	vadd.f32 v4, v3  }
0x47: {  	v58 =	vmul.f32 v9, v57;
	v0 =	vmul.f32 v0, v2;
	[tilespmem:s31+$0x7200] =	vst v1  }
0x48: {  	v59 =	vadd.f32 $-1.000000000e+00, v3;
	v60 =	vld [tilespmem:s29+$0x7200]  }
0x49: {  	v4 =	vsub.f32 $1.500000000e+00, v58;
	v0 =	vsub.f32 $1.500000000e+00, v0  }
0x4a: {  	v61 =	vshra.s32 v59, $0x1;
	v1 =	vmul.f32 $5.000000000e-01, v59  }
0x4b: {  	v4 =	vmul.f32 v9, v4;
	v5 =	vsub.s32 $0x5F3759DF, v61;
	v0 =	vmul.f32 v0, v2  }
0x4c: {  	v62 =	vmul.f32 v5, v1  }
0x4d: {  	v6 =	vmul.f32 v4, v56;
	v0 =	vmul.f32 v0, v60;
	_ =	sdelay $0x1  }
0x4e: {  	v2 =	vmul.f32 v5, v62;
	v63 =	vmul.f32 v6, v4;
	[tilespmem:s29+$0x7200] =	vst v0  }
0x4f: {  	v0 =	vld [tilespmem:s28+$0x7200]  }
0x50: {  	v2 =	vsub.f32 $1.500000000e+00, v2;
	v3 =	vsub.f32 $1.500000000e+00, v63;
	_ =	sdelay $0x1  }
0x51: {  	v2 =	vmul.f32 v5, v2;
	v3 =	vmul.f32 v3, v4;
	_ =	sdelay $0x1  }
0x52: {  	v1 =	vmul.f32 v2, v1;
	v0 =	vmul.f32 v3, v0;
	_ =	sdelay $0x1  }
0x53: {  	v1 =	vmul.f32 v1, v2;
	[tilespmem:s28+$0x7200] =	vst v0  }
0x54: {  	v0 =	vld [tilespmem:s30+$0x7200]  }
0x55: {  	v1 =	vsub.f32 $1.500000000e+00, v1;
	_ =	sdelay $0x1  }
0x56: {  	v1 =	vmul.f32 v1, v2;
	_ =	sdelay $0x1  }
0x57: {  	v0 =	vmul.f32 v1, v0;
	_ =	sdelay $0x1  }
0x58: {  	[tilespmem:s30+$0x7200] =	vst v0  }
0x59: {  	[spmem:s10] =	stream.linear.scatter [tilespmem:s14], [sflag:$0x3], $0x2800, $0x38;
	[tilespmem:$0x13A00] =	vst v63  }
0x5a: {  	_ =	swait.ge [sflag:s15], $0x2800  }
0x5b: {  	[sflag:s15] =	ssyncset.done $0x0  }
0x5c: {  	[sflag:s15] =	ssyncadd.s32 $0xFFFFD800  }
0x5d: {  	[spmem:s11] =	stream.linear.scatter [tilespmem:s14], [sflag:$0x3], $0x2800, $0x38;
	[tilespmem:$0x13A00] =	vst v63  }
0x5e: {  	_ =	swait.ge [sflag:s15], $0x2800  }
0x5f: {  	[sflag:s15] =	ssyncset.done $0x0  }
0x60: {  	[sflag:s15] =	ssyncadd.s32 $0xFFFFD800  }
0x61: {  	s0 =	simm.s32 $0x0;
	[bflag:$0x0] =	sbarrier.arrive $0xFFFF  }
0x62: {  	[tilespmem:s20], [sflag:$0x1] =	stream.indirect.gather [spmem:s2], $0x10, s0, s19, $0xb8;
	[tilespmem:$0x13A00] =	vst v63  }
0x63: {  	_ = 	snop  }
0x64: {  	[tilespmem:s21], [sflag:$0x1] =	stream.indirect.gather [spmem:s2], $0x10, s19, s19, $0xb8;
	[tilespmem:$0x13A00] =	vst v63  }
0x65: {  	_ =	swait.ge [sflag:s22], $0x800  }
0x66: {  	[sflag:s22] =	ssyncset.done $0x0  }
0x67: {  	s1 =	simm.s32 $0x2900;
	[sflag:s22] =	ssyncadd.s32 $0xFFFFF800  }
0x68: {  	[spmem:s3] =	stream.indirect.scatter.add.f32 [tilespmem:s20], [sflag:$0x2], $0x10, s1, s19, $0xb8;
	[tilespmem:$0x13A00] =	vst v63  }
0x69: {  	s29 =	simm.s32 $0x100  }
0x6a: {  	[tilespmem:s23], [sflag:$0x1] =	stream.indirect.gather [spmem:s2], $0x10, s29, s19, $0xb8;
	[tilespmem:$0x13A00] =	vst v63  }
0x6b: {  	_ =	swait.ge [sflag:s22], $0x800  }
0x6c: {  	[sflag:s22] =	ssyncset.done $0x0  }
0x6d: {  	s30 =	simm.s32 $0x2980;
	[sflag:s22] =	ssyncadd.s32 $0xFFFFF800  }
0x6e: {  	[spmem:s3] =	stream.indirect.scatter.add.f32 [tilespmem:s21], [sflag:$0x2], $0x10, s30, s19, $0xb8;
	[tilespmem:$0x13A00] =	vst v63  }
0x6f: {  	s31 =	simm.s32 $0x180  }
0x70: {  	[tilespmem:s24], [sflag:$0x1] =	stream.indirect.gather [spmem:s2], $0x10, s31, s19, $0xb8;
	[tilespmem:$0x13A00] =	vst v63  }
0x71: {  	_ =	swait.ge [sflag:s22], $0x800  }
0x72: {  	[sflag:s22] =	ssyncset.done $0x0  }
0x73: {  	s1 =	simm.s32 $0x2A00;
	[sflag:s22] =	ssyncadd.s32 $0xFFFFF800  }
0x74: {  	[spmem:s3] =	stream.indirect.scatter.add.f32 [tilespmem:s23], [sflag:$0x2], $0x10, s1, s19, $0xb8;
	[tilespmem:$0x13A00] =	vst v63  }
0x75: {  	_ =	swait.ge [sflag:s25], $0x800  }
0x76: {  	[sflag:s25] =	ssyncset.done $0x0  }
0x77: {  	s29 =	simm.s32 $0x200;
	[sflag:s25] =	ssyncadd.s32 $0xFFFFF800  }
0x78: {  	[tilespmem:s20], [sflag:$0x1] =	stream.indirect.gather [spmem:s2], $0x10, s29, s19, $0xb8;
	[tilespmem:$0x13A00] =	vst v63  }
0x79: {  	_ =	swait.ge [sflag:s22], $0x800  }
0x7a: {  	[sflag:s22] =	ssyncset.done $0x0  }
0x7b: {  	s30 =	simm.s32 $0x2A80;
	[sflag:s22] =	ssyncadd.s32 $0xFFFFF800  }
0x7c: {  	[spmem:s3] =	stream.indirect.scatter.add.f32 [tilespmem:s24], [sflag:$0x2], $0x10, s30, s19, $0xb8;
	[tilespmem:$0x13A00] =	vst v63  }
0x7d: {  	_ =	swait.ge [sflag:s25], $0x800  }
0x7e: {  	[sflag:s25] =	ssyncset.done $0x0  }
0x7f: {  	s31 =	simm.s32 $0x280;
	[sflag:s25] =	ssyncadd.s32 $0xFFFFF800  }
0x80: {  	[tilespmem:s21], [sflag:$0x1] =	stream.indirect.gather [spmem:s2], $0x10, s31, s19, $0xb8;
	[tilespmem:$0x13A00] =	vst v63  }
0x81: {  	_ =	swait.ge [sflag:s25], $0x800  }
0x82: {  	[sflag:s25] =	ssyncset.done $0x0  }
0x83: {  	[sflag:s25] =	ssyncadd.s32 $0xFFFFF800  }
0x84: {  	_ =	swait.ge [sflag:s25], $0x800  }
0x85: {  	s28 =	simm.s32 $0x800;
	[sflag:s25] =	ssyncset.done $0x0  }
.LBB2_4:
0x86: {  	p0 =	sne.s32 s28, $0x9800  }
0x87: {  	[sflag:s25] =	ssyncadd.s32 $0xFFFFF800;
	s0 =	smov.u32 s28;
	s28 =	sadd.s32 $0x800, s28  }
0x88: {  	_ =	swait.ge [sflag:s22], $0x800  }
0x89: {  	s0 =	sshra.s32 s0, $0x2;
	[sflag:s22] =	ssyncset.done $0x0  }
0x8a: {  	s1 =	sadd.s32 $0x2900, s0;
	[sflag:s22] =	ssyncadd.s32 $0xFFFFF800  }
0x8b: {  	[spmem:s3] =	stream.indirect.scatter.add.f32 [tilespmem:s20], [sflag:$0x2], $0x10, s1, s19, $0xb8;
	[tilespmem:$0x13A00] =	vst v63  }
0x8c: {  	s1 =	sadd.s32 $0x100, s0  }
0x8d: {  	[tilespmem:s23], [sflag:$0x1] =	stream.indirect.gather [spmem:s2], $0x10, s1, s19, $0xb8;
	[tilespmem:$0x13A00] =	vst v63  }
0x8e: {  	_ =	swait.ge [sflag:s22], $0x800  }
0x8f: {  	[sflag:s22] =	ssyncset.done $0x0  }
0x90: {  	s1 =	sadd.s32 $0x2980, s0;
	[sflag:s22] =	ssyncadd.s32 $0xFFFFF800  }
0x91: {  	[spmem:s3] =	stream.indirect.scatter.add.f32 [tilespmem:s21], [sflag:$0x2], $0x10, s1, s19, $0xb8;
	[tilespmem:$0x13A00] =	vst v63  }
0x92: {  	s1 =	sadd.s32 $0x180, s0  }
0x93: {  	[tilespmem:s24], [sflag:$0x1] =	stream.indirect.gather [spmem:s2], $0x10, s1, s19, $0xb8;
	[tilespmem:$0x13A00] =	vst v63  }
0x94: {  	_ =	swait.ge [sflag:s22], $0x800  }
0x95: {  	[sflag:s22] =	ssyncset.done $0x0  }
0x96: {  	s1 =	sadd.s32 $0x2A00, s0;
	[sflag:s22] =	ssyncadd.s32 $0xFFFFF800  }
0x97: {  	[spmem:s3] =	stream.indirect.scatter.add.f32 [tilespmem:s23], [sflag:$0x2], $0x10, s1, s19, $0xb8;
	[tilespmem:$0x13A00] =	vst v63  }
0x98: {  	_ =	swait.ge [sflag:s25], $0x800  }
0x99: {  	[sflag:s25] =	ssyncset.done $0x0  }
0x9a: {  	s1 =	sadd.s32 $0x200, s0;
	[sflag:s25] =	ssyncadd.s32 $0xFFFFF800  }
0x9b: {  	[tilespmem:s20], [sflag:$0x1] =	stream.indirect.gather [spmem:s2], $0x10, s1, s19, $0xb8;
	[tilespmem:$0x13A00] =	vst v63  }
0x9c: {  	_ =	swait.ge [sflag:s22], $0x800  }
0x9d: {  	[sflag:s22] =	ssyncset.done $0x0  }
0x9e: {  	s1 =	sadd.s32 $0x2A80, s0;
	[sflag:s22] =	ssyncadd.s32 $0xFFFFF800  }
0x9f: {  	[spmem:s3] =	stream.indirect.scatter.add.f32 [tilespmem:s24], [sflag:$0x2], $0x10, s1, s19, $0xb8;
	[tilespmem:$0x13A00] =	vst v63  }
0xa0: {  	_ =	swait.ge [sflag:s25], $0x800  }
0xa1: {  	[sflag:s25] =	ssyncset.done $0x0  }
0xa2: {  	s0 =	sadd.s32 $0x280, s0;
	[sflag:s25] =	ssyncadd.s32 $0xFFFFF800  }
0xa3: {  	[tilespmem:s21], [sflag:$0x1] =	stream.indirect.gather [spmem:s2], $0x10, s0, s19, $0xb8;
	[tilespmem:$0x13A00] =	vst v63  }
.Ltmp1:
0xa4: {  	_ =	swait.ge [sflag:s25], $0x800;
	(pc) =	sbr.rel @p0 .LBB2_4-.Ltmp1, $4  }
0xa5: {  	[sflag:s25] =	ssyncset.done $0x0  }
0xa6: {  	[sflag:s25] =	ssyncadd.s32 $0xFFFFF800  }
0xa7: {  	_ =	swait.ge [sflag:s25], $0x800  }
0xa8: {  	[sflag:s25] =	ssyncset.done $0x0  }
0xa9: {  	[sflag:s25] =	ssyncadd.s32 $0xFFFFF800  }
0xaa: {  	_ =	swait.ge [sflag:s22], $0x800  }
0xab: {  	[sflag:s22] =	ssyncset.done $0x0  }
0xac: {  	[sflag:s22] =	ssyncadd.s32 $0xFFFFF800  }
0xad: {  	s0 =	stileid.u32;
	_ =	swait.ge [sflag:s22], $0x800  }
0xae: {  	s1 =	sshrl.u32 s11, $0x3;
	s26 =	sadd.s32 $0x1, s26;
	[sflag:s22] =	ssyncset.done $0x0  }
0xaf: {  	s0 =	sshll.u32 s0, $0x6;
	p0 =	sne.s32 s26, s13;
	[sflag:s22] =	ssyncadd.s32 $0xFFFFF800  }
.Ltmp2:
0xb0: {  	s0 =	sor.u32 $0x1C03, s0;
	[bflag:$0x0] =	sbarrier.arrive $0xFFFF;
	(pc) =	sbr.rel @p0 .LBB2_1-.Ltmp2, $4  }
0xb1: {  	[hbm:s12], [sflag:s0] =	dma.local [spmem:s1], $0x500  }
0xb2: {  	_ =	swait.ge [sflag:s15], $0x500  }
0xb3: {  	[sflag:s15] =	ssyncset.done $0x0  }
0xb4: {  	[sflag:s15] =	ssyncadd.s32 $0xFFFFFB00  }
0xb5: {  	_ =	sfence.sel $0x180000  }
0xb6: {  	[bflag:$0x0] =	sbarrier.arrive $0xFFFF  }
0xb7: {  	_ =	strace $0x9000004A  }
0xb8: {  	s0 =	stileid.u32;
	[bflag:$0x2] =	sbarrier.arrive $0xFFFF  }
0xb9: {  	p0 =	sne.s32 s0, $0x0;
	s0 =	rddreg [dreg:$0x4]  }
0xba: {  	s0 =	sadd.s32 @!p0 $0x100000, s0  }
0xbb: {  	[sflag:s0] =	ssyncadd.tile.s32 @!p0 $0x1;
	_ =	shalt  }
.Lfunc_end2:
_tile_overlayer_lowered:
.L_overlay_start_2:
0xbc: {  	(tag) =	ssettag $0x2  }
0xbd: {  	s0 =	rddreg [dreg:$0x0];
	s2 =	stileid.u32  }
0xbe: {  	s1 =	rddreg [dreg:$0x1];
	p0 =	sne.s32 s2, $0x0  }
0xbf: {  	s3 =	rddreg [dreg:$0x2];
	[bflag:$0x3] =	sbarrier.arrive $0xFFFF;
	s2 =	simm.s32 @!p0 $0x1C03  }
0xc0: {  	[timem:s3], [sflag:s2] =	dma.local @!p0 [hbm:s0], s1  }
0xc1: {  	s0 =	simm.s32 @!p0 $0x3  }
0xc2: {  	_ =	swait.ge @!p0 [sflag:s0], s1  }
0xc3: {  	s1 =	ssub.s32 @!p0 $0x0, s1;
	[sflag:s0] =	ssyncset.done @!p0 $0x0  }
0xc4: {  	[sflag:s0] =	ssyncadd.s32 @!p0 s1  }
0xc5: {  	[bflag:$0x3] =	sbarrier.arrive $0xFFFF  }
0xc6: {  	_ =	shalt  }

// kernel: kernel.14.cloned.1.call-start
scs
__scs_entry_jumppad:
0x0: {  	(pc) =	sbr.rel $0x88, $3  }
0x1: {  	(tag) =	ssettag $0x0;
	lr =	simm.s32 $0x1  }
0x2: {  	[smem:$0x3F9B] =	sst lr;
	_ =	strace $0xD0000000  }
0x3: {  	_ = 	snop  }
0x4: {  	_ = 	snop  }
0x5: {  	_ = 	snop  }
0x6: {  	_ = 	snop  }
0x7: {  	_ = 	snop  }
__scs_overlays_trampoline_lowered:
0x8: {  	[smem:$0x3FAA] =	sst s0  }
0x9: {  	[smem:$0x3FAB] =	sst s1  }
0xa: {  	[smem:$0x3FAC] =	sst s2  }
0xb: {  	[smem:$0x3FAD] =	sst s3  }
0xc: {  	[smem:$0x3FAE] =	sst s4  }
0xd: {  	[smem:$0x3FAF] =	sst s5  }
0xe: {  	[smem:$0x3FB0] =	sst s6  }
0xf: {  	[smem:$0x3FB1] =	sst s7  }
0x10: {  	[smem:$0x3FB2] =	sst s8  }
0x11: {  	[smem:$0x3FB3] =	sst s9;
	s0 =	simm.s32 @!p0 $0x0  }
0x12: {  	s1 =	sld [smem:$0x3F99];
	s0 =	simm.s32 @p0 $0x1  }
0x13: {  	[smem:$0x3FB4] =	sst s0;
	s0 =	simm.s32 @!p1 $0x0  }
0x14: {  	s2 =	sld [smem:$0x3F98];
	s0 =	simm.s32 @p1 $0x1  }
0x15: {  	[smem:$0x3FB5] =	sst s0;
	s0 =	simm.s32 @!p2 $0x0  }
0x16: {  	s3 =	sld [smem:$0x3FDB];
	s0 =	simm.s32 @p2 $0x1  }
0x17: {  	s4 =	simm.s32 $0x1BF5;
	[smem:$0x3FB7] =	sst s0  }
0x18: {  	s0 =	sld [smem:$0x3F9A];
	_ =	swait.ge [sflag:s4], $0x0  }
0x19: {  	s7 =	sld [smem:$0x3F9B]  }
0x1a: {  	s8 =	sadd.s32 $0xFFFFE003, lr  }
0x1b: {  	s9 =	sadd.s32 $0xFFFFFEF7, lr;
	s5 =	simm.s32 $0xFFFFFFFF;
	p2 =	slt.u32 s8, $0xFFFFF086  }
0x1c: {  	p1 =	slt.u32 s9, $0xF7A;
	s5 =	simm.s32 @!p2 $0x0  }
0x1d: {  	s5 =	simm.s32 @p1 $0x1;
	p0 =	seq.s32 s7, s2  }
0x1e: {  	s7 =	smul.u32 @!p0 $0xF7A, s2;
	p2 =	seq.s32 @!p0 s5, $0x0  }
0x1f: {  	s9 =	smul.u32 $0xF7A, s1;
	s8 =	simm.s32 @!p0 $0x1BF5;
	p2 =	por !p2, p0  }
0x20: {  	[sflag:s8] =	ssyncset.s32 @!p0 $0xFFFFF086;
	s6 =	sadd.s32 @!p0 s3, s7;
	s7 =	simm.s32 @!p0 $0x108  }
0x21: {  	s3 =	sadd.s32 s3, s9;
	s6 =	sadd.s32 @!p0 $0x88, s6;
	s7 =	simm.s32 @p2 $0x1082  }
0x22: {  	[simem:s7], [sflag:s8] =	dma.local @!p0 [hbm:s6], $0xF7A  }
0x23: {  	s9 =	sor.u32 $0xD0000000, s2;
	s6 =	simm.s32 $0x108;
	_ =	swait.ge @!p0 [sflag:s8], $0x0  }
0x24: {  	s3 =	sadd.s32 $0x88, s3;
	s6 =	simm.s32 @!p1 $0x1082;
	[sflag:s4] =	ssyncset.s32 $0xFFFFF086  }
0x25: {  	[simem:s6], [sflag:s4] =	dma.local [hbm:s3], $0xF7A  }
0x26: {  	[smem:$0x3F9B] =	sst s1;
	(tag) =	ssettag s2;
	_ =	strace s9  }
0x27: {  	s1 =	sld [smem:$0x3FAB]  }
0x28: {  	s2 =	sld [smem:$0x3FAC]  }
0x29: {  	s4 =	sld [smem:$0x3FAE]  }
0x2a: {  	p0 =	seq.s32 s5, $0x0;
	s5 =	sld [smem:$0x3FAF]  }
0x2b: {  	s6 =	sld [smem:$0x3FB0]  }
0x2c: {  	s7 =	sld [smem:$0x3FB1]  }
0x2d: {  	s3 =	simm.s32 $0x108;
	s8 =	sld [smem:$0x3FB2]  }
0x2e: {  	s3 =	simm.s32 @!p0 $0x1082;
	s9 =	sld [smem:$0x3FB3]  }
0x2f: {  	lr =	sadd.s32 s0, s3;
	s0 =	sld [smem:$0x3FAA]  }
0x30: {  	s3 =	sld [smem:$0x3FAD]  }
0x31: {  	[smem:$0x3FB6] =	sst s10  }
0x32: {  	s10 =	sld [smem:$0x3FB4];
	_ =	sdelay $0x3  }
0x33: {  	p0 =	seq.s32 s10, $0x1;
	s10 =	sld [smem:$0x3FB6];
	_ =	sdelay $0x3  }
0x34: {  	[smem:$0x3FB6] =	sst s10  }
0x35: {  	s10 =	sld [smem:$0x3FB5];
	_ =	sdelay $0x3  }
0x36: {  	p1 =	seq.s32 s10, $0x1;
	s10 =	sld [smem:$0x3FB6];
	_ =	sdelay $0x3  }
0x37: {  	[smem:$0x3FB6] =	sst s10  }
0x38: {  	s10 =	sld [smem:$0x3FB7]  }
0x39: {  	_ = 	snop;
	(pc) =	sbr.ind lr, $3  }
0x3a: {  	_ = 	snop  }
0x3b: {  	_ = 	snop  }
0x3c: {  	p2 =	seq.s32 s10, $0x1;
	s10 =	sld [smem:$0x3FB6]  }
0x3d: {  	_ =	shalt  }
0x3e: {  	_ =	shalt  }
0x3f: {  	_ =	shalt  }
0x40: {  	_ =	shalt  }
0x41: {  	_ =	shalt  }
0x42: {  	_ =	shalt  }
0x43: {  	_ =	shalt  }
0x44: {  	_ =	shalt  }
0x45: {  	_ =	shalt  }
0x46: {  	_ =	shalt  }
0x47: {  	_ =	shalt  }
0x48: {  	_ =	shalt  }
0x49: {  	_ =	shalt  }
0x4a: {  	_ =	shalt  }
0x4b: {  	_ =	shalt  }
0x4c: {  	_ =	shalt  }
0x4d: {  	_ =	shalt  }
0x4e: {  	_ =	shalt  }
0x4f: {  	_ =	shalt  }
0x50: {  	_ =	shalt  }
0x51: {  	_ =	shalt  }
0x52: {  	_ =	shalt  }
0x53: {  	_ =	shalt  }
0x54: {  	_ =	shalt  }
0x55: {  	_ =	shalt  }
0x56: {  	_ =	shalt  }
0x57: {  	_ =	shalt  }
0x58: {  	_ =	shalt  }
0x59: {  	_ =	shalt  }
0x5a: {  	_ =	shalt  }
0x5b: {  	_ =	shalt  }
0x5c: {  	_ =	shalt  }
0x5d: {  	_ =	shalt  }
0x5e: {  	_ =	shalt  }
0x5f: {  	_ =	shalt  }
0x60: {  	_ =	shalt  }
0x61: {  	_ =	shalt  }
0x62: {  	_ =	shalt  }
0x63: {  	_ =	shalt  }
0x64: {  	_ =	shalt  }
0x65: {  	_ =	shalt  }
0x66: {  	_ =	shalt  }
0x67: {  	_ =	shalt  }
0x68: {  	_ =	shalt  }
0x69: {  	_ =	shalt  }
0x6a: {  	_ =	shalt  }
0x6b: {  	_ =	shalt  }
0x6c: {  	_ =	shalt  }
0x6d: {  	_ =	shalt  }
0x6e: {  	_ =	shalt  }
0x6f: {  	_ =	shalt  }
0x70: {  	_ =	shalt  }
0x71: {  	_ =	shalt  }
0x72: {  	_ =	shalt  }
0x73: {  	_ =	shalt  }
0x74: {  	_ =	shalt  }
0x75: {  	_ =	shalt  }
0x76: {  	_ =	shalt  }
0x77: {  	_ =	shalt  }
0x78: {  	_ =	shalt  }
0x79: {  	_ =	shalt  }
0x7a: {  	_ =	shalt  }
0x7b: {  	_ =	shalt  }
0x7c: {  	_ =	shalt  }
0x7d: {  	_ =	shalt  }
0x7e: {  	_ =	shalt  }
0x7f: {  	_ =	shalt  }
0x80: {  	_ =	shalt  }
0x81: {  	_ =	shalt  }
0x82: {  	_ =	shalt  }
0x83: {  	_ =	shalt  }
0x84: {  	_ =	shalt  }
0x85: {  	_ =	shalt  }
0x86: {  	_ =	shalt  }
0x87: {  	_ =	shalt  }
.Lfunc_end0:
.L_simem_size_0:
called_computation.2_lowered:
.L_overlay_start_0:
0x88: {  	s2 =	sld [smem:$0x3FD9]  }
0x89: {  	s3 =	sld [smem:$0x3FFE];
	_ =	sdelay $0x1  }
0x8a: {  	s1 =	srdreg.scid  }
0x8b: {  	s0 =	sand.u32 $0x1, s1  }
0x8c: {  	s17 =	sshll.u32 s0, $0xA;
	s2 =	sadd.s32 s3, s2  }
0x8d: {  	s2 =	sadd.s32 s2, s17  }
0x8e: {  	[smem:$0x3FC2] =	sst s2  }
0x8f: {  	_ = 	snop  }
0x90: {  	s2 =	sld [smem:$0x3FD0];
	(tm) =	ssettm $0x1  }
0x91: {  	s18 =	sld [smem:$0x3FFB];
	_ =	sdelay $0x3  }
0x92: {  	_ =	strace s18  }
0x93: {  	s3 =	sld [smem:$0x3FFC];
	_ =	sdelay $0x3  }
0x94: {  	_ =	strace s3  }
0x95: {  	s3 =	sld [smem:$0x3FFD];
	_ =	sdelay $0x3  }
0x96: {  	_ =	strace s3  }
0x97: {  	_ =	strace $0x8FFFFFFF  }
0x98: {  	s19 =	sld [smem:$0x3FDB];
	_ =	sdelay $0x1  }
0x99: {  	s4 =	simm.s32 $_scs_section_size  }
0x9a: {  	s5 =	simm.s32 $_size__tile_overlayer_lowered;
	s6 =	simm.s32 $_tile_overlayer_lowered  }
0x9b: {  	s22 =	simm.s32 $0x1BFF;
	s21 =	sshll.u32 s6, $0x1;
	s3 =	sadd.s32 s4, s19  }
0x9c: {  	s7 =	simm.s32 $0x0;
	s20 =	sshll.u32 s5, $0x1;
	s5 =	sadd.s32 s21, s3  }
0x9d: {  	[timem:s7], [sflag:s22] =	dma.local [hbm:s5], s20  }
0x9e: {  	_ =	swait.ge [sflag:s22], s20  }
0x9f: {  	s4 =	ssub.s32 $0x0, s20;
	[sflag:s22] =	ssyncset.done $0x0  }
0xa0: {  	[sflag:s22] =	ssyncadd.s32 s4;
	_ =	sdelay $0x1  }
0xa1: {  	s23 =	simm.s32 $0x1B8B  }
0xa2: {  	_ =	swait.ge [sflag:s23], $0x1  }
0xa3: {  	[sflag:s23] =	ssyncset.done $0x0  }
0xa4: {  	s25 =	simm.s32 $0x1B8E;
	s24 =	sld [smem:$0x3FFE];
	[sflag:s23] =	ssyncadd.s32 $0xFFFFFFFF  }
0xa5: {  	s26 =	simm.s32 $execute0_lowered;
	[smem:$0x3FD2] =	sst s25  }
0xa6: {  	s5 =	sshll.u32 s26, $0x1;
	_ =	strace $0x8000004C;
	[dreg:$0x1] =	wrdreg $0xFFFFFFFF  }
0xa7: {  	s28 =	simm.s32 $_size_execute0_lowered;
	s3 =	sadd.s32 s3, s5;
	[dreg:$0x0] =	wrdreg $0x0  }
0xa8: {  	s5 =	sshll.u32 s28, $0x1;
	[dreg:$0x2] =	wrdreg s3  }
0xa9: {  	[dreg:$0x3] =	wrdreg s5  }
0xaa: {  	[dreg:$0x4] =	wrdreg $0xC0  }
0xab: {  	_ =	task [dreg:s7], $0x5FFFF  }
0xac: {  	[dreg:$0x1] =	wrdreg $0xFFFFFFFF  }
0xad: {  	[dreg:$0x0] =	wrdreg $0x60  }
0xae: {  	[dreg:$0x2] =	wrdreg s24  }
0xaf: {  	[dreg:$0x3] =	wrdreg s2  }
0xb0: {  	[dreg:$0x4] =	wrdreg $0xB2000  }
0xb1: {  	[dreg:$0x5] =	wrdreg $0x12A000  }
0xb2: {  	[dreg:$0x6] =	wrdreg $0x9  }
0xb3: {  	_ =	task.clear_ibuf [dreg:s7], $0x7FFFF;
	_ =	strace $0x9000004C  }
0xb4: {  	s29 =	simm.s32 $0x9;
	_ =	strace $0x8000004E  }
0xb5: {  	_ =	swait.ge [sflag:s29], $0x1  }
0xb6: {  	[sflag:s29] =	ssyncadd.s32 $0xFFFFFFFF  }
0xb7: {  	_ =	strace $0x9000004E  }
0xb8: {  	_ =	sfence  }
0xb9: {  	s30 =	sld [smem:$0x0];
	_ =	sdelay $0x2  }
0xba: {  	s31 =	sshll.u32 s1, $0xD;
	s1 =	sshrl.u32 s1, $0x2  }
0xbb: {  	s3 =	sand.u32 $0x4000, s31;
	s1 =	sadd.s32 s1, s30  }
0xbc: {  	s0 =	sor.u32 s3, s0;
	s1 =	sshll.u32 s1, $0x11  }
0xbd: {  	s0 =	sor.u32 s1, s0  }
0xbe: {  	s0 =	sadd.s32 $0x8F2B, s0  }
0xbf: {  	[sflag:s0] =	ssyncadd.remote.s32 $0x1  }
0xc0: {  	_ =	sfence.sel $0xFFFF  }
0xc1: {  	[dreg:$0x0] =	wrdreg $0xFFFFFFFF;
	(pc) =	sbr.abs _section_cstart, $3  }
0xc2: {  	[dreg:$0x1] =	wrdreg $0xFFFFFFFF  }
0xc3: {  	_ =	task.clear_ibuf [dreg:s7], $0x2FFFF;
	_ =	strace $0x9FFFFFFF  }
0xc4: {  	(tm) =	ssettm $0x7FFFFFFF  }
0xc5: {  	_ =	shalt  }
tec
execute0_lowered:
.L_overlay_start_1:
0x0: {  	(tag) =	ssettag $0x1  }
0x1: {  	s5 =	rddreg [dreg:$0x0]  }
0x2: {  	s8 =	rddreg [dreg:$0x1]  }
0x3: {  	s2 =	rddreg [dreg:$0x2]  }
0x4: {  	s3 =	rddreg [dreg:$0x3]  }
0x5: {  	s0 =	rddreg [dreg:$0x4]  }
0x6: {  	s1 =	stileid.u32;
	s6 =	srdreg.scid  }
0x7: {  	s4 =	simm.s32 $0x0;
	s16 =	simm.s32 $0x5200;
	s17 =	simm.s32 $0x6A00  }
0x8: {  	s18 =	simm.s32 $0x1;
	s19 =	simm.s32 $0x8200;
	s20 =	simm.s32 $0x9A00  }
0x9: {  	s21 =	simm.s32 $0x2;
	s22 =	simm.s32 $0x0;
	s7 =	smul.u32 $0x7800, s1  }
0xa: {  	s6 =	sand.u32 $0x1, s6;
	[smem:$0x7FF] =	sst s4;
	s31 =	sshll.u32 s1, $0x6  }
0xb: {  	s9 =	sshll.u32 s6, $0x4;
	s10 =	smul.u32 $0x78000, s6;
	_ =	strace $0x8000004D  }
0xc: {  	s6 =	ssub.s32 $0x2, s6;
	s11 =	sshrl.u32 s7, $0x3;
	s9 =	sor.u32 s1, s9  }
0xd: {  	s12 =	sshrl.u32 s6, $0x1;
	s14 =	sadd.s32 s7, s2;
	s15 =	sadd.s32 s7, s3  }
0xe: {  	s9 =	smul.u32 $0x520, s9;
	s10 =	sadd.s32 s7, s10;
	s11 =	sadd.s32 s11, s5  }
0xf: {  	s12 =	ssub.s32 s6, s12;
	s6 =	sor.u32 $0x1C03, s31;
	s10 =	sshrl.u32 s10, $0x3  }
0x10: {  	s13 =	sadd.s32 s9, s5;
	s10 =	sadd.s32 s10, s5;
	s5 =	sadd.s32 $0x1600, s11  }
0x11: {  	s8 =	sadd.s32 s8, s9;
	s11 =	sshrl.u32 s14, $0x3;
	s14 =	simm.s32 $0x2900  }
0x12: {  	s7 =	sadd.s32 $0x10600, s13;
	s9 =	sadd.s32 $0x79A00, s10;
	s10 =	smax.u32 s12, $0x1  }
0x13: {  	s12 =	simm.s32 $0x3;
	s13 =	sshrl.u32 s15, $0x3;
	s15 =	simm.s32 $0x80  }
.LBB2_1:
0x14: {  	[spmem:s11], [sflag:s6] =	dma.local [hbm:s5], $0xF00  }
0x15: {  	_ =	swait.ge [sflag:s12], $0xF00  }
0x16: {  	[sflag:s12] =	ssyncset.done $0x0  }
0x17: {  	[sflag:s12] =	ssyncadd.s32 $0xFFFFF100  }
0x18: {  	[spmem:s13], [sflag:s6] =	dma.local [hbm:s5], $0xF00  }
0x19: {  	_ =	swait.ge [sflag:s12], $0xF00  }
0x1a: {  	[sflag:s12] =	ssyncset.done $0x0  }
0x1b: {  	[sflag:s12] =	ssyncadd.s32 $0xFFFFF100  }
0x1c: {  	[tilespmem:s4], [sflag:$0x3] =	stream.linear.gather [hbm4b:s7+s4], $0x2900, $0x38;
	[tilespmem:$0x1A200] =	vst v63  }
0x1d: {  	_ =	swait.ge [sflag:s12], $0x2900  }
0x1e: {  	[sflag:s12] =	ssyncset.done $0x0  }
0x1f: {  	[sflag:s12] =	ssyncadd.s32 $0xFFFFD700  }
0x20: {  	[tilespmem:s14], [sflag:$0x3] =	stream.linear.gather [hbm4b:s8+s4], $0x2900, $0x38;
	[tilespmem:$0x1A200] =	vst v63  }
0x21: {  	_ =	swait.ge [sflag:s12], $0x2900  }
0x22: {  	[sflag:s12] =	ssyncset.done $0x0  }
0x23: {  	[sflag:s12] =	ssyncadd.s32 $0xFFFFD700  }
0x24: {  	[bflag:$0x0] =	sbarrier.arrive $0xFFFF  }
0x25: {  	[tilespmem:s16], [sflag:$0x1] =	stream.indirect.gather [spmem:s2], $0x30, s4, s15, $0xb8;
	[tilespmem:$0x1A200] =	vst v63  }
0x26: {  	_ = 	snop  }
0x27: {  	[tilespmem:s17], [sflag:$0x1] =	stream.indirect.gather [spmem:s2], $0x30, s15, s15, $0xb8;
	[tilespmem:$0x1A200] =	vst v63  }
0x28: {  	_ =	swait.ge [sflag:s18], $0x1800  }
0x29: {  	[sflag:s18] =	ssyncset.done $0x0  }
0x2a: {  	s23 =	simm.s32 $0x2900;
	[sflag:s18] =	ssyncadd.s32 $0xFFFFE800  }
0x2b: {  	[spmem:s3] =	stream.indirect.scatter.add.f32 [tilespmem:s16], [sflag:$0x2], $0x30, s23, s15, $0xb8;
	[tilespmem:$0x1A200] =	vst v63  }
0x2c: {  	s24 =	simm.s32 $0x100  }
0x2d: {  	[tilespmem:s19], [sflag:$0x1] =	stream.indirect.gather [spmem:s2], $0x30, s24, s15, $0xb8;
	[tilespmem:$0x1A200] =	vst v63  }
0x2e: {  	_ =	swait.ge [sflag:s18], $0x1800  }
0x2f: {  	[sflag:s18] =	ssyncset.done $0x0  }
0x30: {  	s25 =	simm.s32 $0x2980;
	[sflag:s18] =	ssyncadd.s32 $0xFFFFE800  }
0x31: {  	[spmem:s3] =	stream.indirect.scatter.add.f32 [tilespmem:s17], [sflag:$0x2], $0x30, s25, s15, $0xb8;
	[tilespmem:$0x1A200] =	vst v63  }
0x32: {  	s26 =	simm.s32 $0x180  }
0x33: {  	[tilespmem:s20], [sflag:$0x1] =	stream.indirect.gather [spmem:s2], $0x30, s26, s15, $0xb8;
	[tilespmem:$0x1A200] =	vst v63  }
0x34: {  	_ =	swait.ge [sflag:s18], $0x1800  }
0x35: {  	[sflag:s18] =	ssyncset.done $0x0  }
0x36: {  	s28 =	simm.s32 $0x2A00;
	[sflag:s18] =	ssyncadd.s32 $0xFFFFE800  }
0x37: {  	[spmem:s3] =	stream.indirect.scatter.add.f32 [tilespmem:s19], [sflag:$0x2], $0x30, s28, s15, $0xb8;
	[tilespmem:$0x1A200] =	vst v63  }
0x38: {  	_ =	swait.ge [sflag:s21], $0x1800  }
0x39: {  	[sflag:s21] =	ssyncset.done $0x0  }
0x3a: {  	s29 =	simm.s32 $0x200;
	[sflag:s21] =	ssyncadd.s32 $0xFFFFE800  }
0x3b: {  	[tilespmem:s16], [sflag:$0x1] =	stream.indirect.gather [spmem:s2], $0x30, s29, s15, $0xb8;
	[tilespmem:$0x1A200] =	vst v63  }
0x3c: {  	_ =	swait.ge [sflag:s18], $0x1800  }
0x3d: {  	[sflag:s18] =	ssyncset.done $0x0  }
0x3e: {  	s30 =	simm.s32 $0x2A80;
	[sflag:s18] =	ssyncadd.s32 $0xFFFFE800  }
0x3f: {  	[spmem:s3] =	stream.indirect.scatter.add.f32 [tilespmem:s20], [sflag:$0x2], $0x30, s30, s15, $0xb8;
	[tilespmem:$0x1A200] =	vst v63  }
0x40: {  	_ =	swait.ge [sflag:s21], $0x1800  }
0x41: {  	[sflag:s21] =	ssyncset.done $0x0  }
0x42: {  	s31 =	simm.s32 $0x280;
	[sflag:s21] =	ssyncadd.s32 $0xFFFFE800  }
0x43: {  	[tilespmem:s17], [sflag:$0x1] =	stream.indirect.gather [spmem:s2], $0x30, s31, s15, $0xb8;
	[tilespmem:$0x1A200] =	vst v63  }
0x44: {  	_ =	swait.ge [sflag:s21], $0x1800  }
0x45: {  	[sflag:s21] =	ssyncset.done $0x0  }
0x46: {  	[sflag:s21] =	ssyncadd.s32 $0xFFFFE800  }
0x47: {  	_ =	swait.ge [sflag:s21], $0x1800  }
0x48: {  	s23 =	simm.s32 $0x800;
	[sflag:s21] =	ssyncset.done $0x0  }
.LBB2_2:
0x49: {  	p0 =	sne.s32 s23, $0x9800  }
0x4a: {  	[sflag:s21] =	ssyncadd.s32 $0xFFFFE800;
	s24 =	smov.u32 s23;
	s23 =	sadd.s32 $0x800, s23  }
0x4b: {  	_ =	swait.ge [sflag:s18], $0x1800  }
0x4c: {  	s24 =	sshra.s32 s24, $0x2;
	[sflag:s18] =	ssyncset.done $0x0  }
0x4d: {  	s25 =	sadd.s32 $0x2900, s24;
	[sflag:s18] =	ssyncadd.s32 $0xFFFFE800  }
0x4e: {  	[spmem:s3] =	stream.indirect.scatter.add.f32 [tilespmem:s16], [sflag:$0x2], $0x30, s25, s15, $0xb8;
	[tilespmem:$0x1A200] =	vst v63  }
0x4f: {  	s25 =	sadd.s32 $0x100, s24  }
0x50: {  	[tilespmem:s19], [sflag:$0x1] =	stream.indirect.gather [spmem:s2], $0x30, s25, s15, $0xb8;
	[tilespmem:$0x1A200] =	vst v63  }
0x51: {  	_ =	swait.ge [sflag:s18], $0x1800  }
0x52: {  	[sflag:s18] =	ssyncset.done $0x0  }
0x53: {  	s25 =	sadd.s32 $0x2980, s24;
	[sflag:s18] =	ssyncadd.s32 $0xFFFFE800  }
0x54: {  	[spmem:s3] =	stream.indirect.scatter.add.f32 [tilespmem:s17], [sflag:$0x2], $0x30, s25, s15, $0xb8;
	[tilespmem:$0x1A200] =	vst v63  }
0x55: {  	s25 =	sadd.s32 $0x180, s24  }
0x56: {  	[tilespmem:s20], [sflag:$0x1] =	stream.indirect.gather [spmem:s2], $0x30, s25, s15, $0xb8;
	[tilespmem:$0x1A200] =	vst v63  }
0x57: {  	_ =	swait.ge [sflag:s18], $0x1800  }
0x58: {  	[sflag:s18] =	ssyncset.done $0x0  }
0x59: {  	s25 =	sadd.s32 $0x2A00, s24;
	[sflag:s18] =	ssyncadd.s32 $0xFFFFE800  }
0x5a: {  	[spmem:s3] =	stream.indirect.scatter.add.f32 [tilespmem:s19], [sflag:$0x2], $0x30, s25, s15, $0xb8;
	[tilespmem:$0x1A200] =	vst v63  }
0x5b: {  	_ =	swait.ge [sflag:s21], $0x1800  }
0x5c: {  	[sflag:s21] =	ssyncset.done $0x0  }
0x5d: {  	s25 =	sadd.s32 $0x200, s24;
	[sflag:s21] =	ssyncadd.s32 $0xFFFFE800  }
0x5e: {  	[tilespmem:s16], [sflag:$0x1] =	stream.indirect.gather [spmem:s2], $0x30, s25, s15, $0xb8;
	[tilespmem:$0x1A200] =	vst v63  }
0x5f: {  	_ =	swait.ge [sflag:s18], $0x1800  }
0x60: {  	[sflag:s18] =	ssyncset.done $0x0  }
0x61: {  	s25 =	sadd.s32 $0x2A80, s24;
	[sflag:s18] =	ssyncadd.s32 $0xFFFFE800  }
0x62: {  	[spmem:s3] =	stream.indirect.scatter.add.f32 [tilespmem:s20], [sflag:$0x2], $0x30, s25, s15, $0xb8;
	[tilespmem:$0x1A200] =	vst v63  }
0x63: {  	_ =	swait.ge [sflag:s21], $0x1800  }
0x64: {  	[sflag:s21] =	ssyncset.done $0x0  }
0x65: {  	s24 =	sadd.s32 $0x280, s24;
	[sflag:s21] =	ssyncadd.s32 $0xFFFFE800  }
0x66: {  	[tilespmem:s17], [sflag:$0x1] =	stream.indirect.gather [spmem:s2], $0x30, s24, s15, $0xb8;
	[tilespmem:$0x1A200] =	vst v63  }
.Ltmp0:
0x67: {  	_ =	swait.ge [sflag:s21], $0x1800;
	(pc) =	sbr.rel @p0 .LBB2_2-.Ltmp0, $4  }
0x68: {  	[sflag:s21] =	ssyncset.done $0x0  }
0x69: {  	[sflag:s21] =	ssyncadd.s32 $0xFFFFE800  }
0x6a: {  	_ =	swait.ge [sflag:s21], $0x1800  }
0x6b: {  	[sflag:s21] =	ssyncset.done $0x0  }
0x6c: {  	[sflag:s21] =	ssyncadd.s32 $0xFFFFE800  }
0x6d: {  	_ =	swait.ge [sflag:s18], $0x1800  }
0x6e: {  	[sflag:s18] =	ssyncset.done $0x0  }
0x6f: {  	[sflag:s18] =	ssyncadd.s32 $0xFFFFE800  }
0x70: {  	_ =	swait.ge [sflag:s18], $0x1800  }
0x71: {  	s22 =	sadd.s32 $0x1, s22;
	[sflag:s18] =	ssyncset.done $0x0  }
0x72: {  	p0 =	sne.s32 s22, s10;
	[sflag:s18] =	ssyncadd.s32 $0xFFFFE800  }
.Ltmp1:
0x73: {  	[bflag:$0x0] =	sbarrier.arrive $0xFFFF;
	(pc) =	sbr.rel @p0 .LBB2_1-.Ltmp1, $4  }
0x74: {  	[hbm:s9], [sflag:s6] =	dma.local [spmem:s13], $0xF00  }
0x75: {  	_ =	swait.ge [sflag:s12], $0xF00  }
0x76: {  	[sflag:s12] =	ssyncset.done $0x0  }
0x77: {  	[sflag:s12] =	ssyncadd.s32 $0xFFFFF100  }
0x78: {  	_ =	sfence.sel $0x180000  }
0x79: {  	[bflag:$0x0] =	sbarrier.arrive $0xFFFF  }
0x7a: {  	p0 =	sne.s32 s1, $0x0;
	_ =	strace $0x9000004D  }
0x7b: {  	s0 =	sadd.s32 @!p0 $0x100000, s0;
	[bflag:$0x2] =	sbarrier.arrive $0xFFFF  }
0x7c: {  	[sflag:s0] =	ssyncadd.tile.s32 @!p0 $0x1;
	_ =	shalt  }
.Lfunc_end2:
_tile_overlayer_lowered:
.L_overlay_start_2:
0x7d: {  	(tag) =	ssettag $0x2  }
0x7e: {  	s0 =	rddreg [dreg:$0x0];
	s2 =	stileid.u32  }
0x7f: {  	s1 =	rddreg [dreg:$0x1];
	p0 =	sne.s32 s2, $0x0  }
0x80: {  	s3 =	rddreg [dreg:$0x2];
	[bflag:$0x3] =	sbarrier.arrive $0xFFFF;
	s2 =	simm.s32 @!p0 $0x1C03  }
0x81: {  	[timem:s3], [sflag:s2] =	dma.local @!p0 [hbm:s0], s1  }
0x82: {  	s0 =	simm.s32 @!p0 $0x3  }
0x83: {  	_ =	swait.ge @!p0 [sflag:s0], s1  }
0x84: {  	s1 =	ssub.s32 @!p0 $0x0, s1;
	[sflag:s0] =	ssyncset.done @!p0 $0x0  }
0x85: {  	[sflag:s0] =	ssyncadd.s32 @!p0 s1  }
0x86: {  	[bflag:$0x3] =	sbarrier.arrive $0xFFFF  }
0x87: {  	_ =	shalt  }

// kernel: kernel.8.cloned.1.call-start
scs
__scs_entry_jumppad:
0x0: {  	(pc) =	sbr.rel $0x88, $3  }
0x1: {  	(tag) =	ssettag $0x0;
	lr =	simm.s32 $0x1  }
0x2: {  	[smem:$0x3F9B] =	sst lr;
	_ =	strace $0xD0000000  }
0x3: {  	_ = 	snop  }
0x4: {  	_ = 	snop  }
0x5: {  	_ = 	snop  }
0x6: {  	_ = 	snop  }
0x7: {  	_ = 	snop  }
__scs_overlays_trampoline_lowered:
0x8: {  	[smem:$0x3FAA] =	sst s0  }
0x9: {  	[smem:$0x3FAB] =	sst s1  }
0xa: {  	[smem:$0x3FAC] =	sst s2  }
0xb: {  	[smem:$0x3FAD] =	sst s3  }
0xc: {  	[smem:$0x3FAE] =	sst s4  }
0xd: {  	[smem:$0x3FAF] =	sst s5  }
0xe: {  	[smem:$0x3FB0] =	sst s6  }
0xf: {  	[smem:$0x3FB1] =	sst s7  }
0x10: {  	[smem:$0x3FB2] =	sst s8  }
0x11: {  	[smem:$0x3FB3] =	sst s9;
	s0 =	simm.s32 @!p0 $0x0  }
0x12: {  	s1 =	sld [smem:$0x3F99];
	s0 =	simm.s32 @p0 $0x1  }
0x13: {  	[smem:$0x3FB4] =	sst s0;
	s0 =	simm.s32 @!p1 $0x0  }
0x14: {  	s2 =	sld [smem:$0x3F98];
	s0 =	simm.s32 @p1 $0x1  }
0x15: {  	[smem:$0x3FB5] =	sst s0;
	s0 =	simm.s32 @!p2 $0x0  }
0x16: {  	s3 =	sld [smem:$0x3FDB];
	s0 =	simm.s32 @p2 $0x1  }
0x17: {  	s4 =	simm.s32 $0x1BF5;
	[smem:$0x3FB7] =	sst s0  }
0x18: {  	s0 =	sld [smem:$0x3F9A];
	_ =	swait.ge [sflag:s4], $0x0  }
0x19: {  	s7 =	sld [smem:$0x3F9B]  }
0x1a: {  	s8 =	sadd.s32 $0xFFFFE003, lr  }
0x1b: {  	s9 =	sadd.s32 $0xFFFFFEF7, lr;
	s5 =	simm.s32 $0xFFFFFFFF;
	p2 =	slt.u32 s8, $0xFFFFF086  }
0x1c: {  	p1 =	slt.u32 s9, $0xF7A;
	s5 =	simm.s32 @!p2 $0x0  }
0x1d: {  	s5 =	simm.s32 @p1 $0x1;
	p0 =	seq.s32 s7, s2  }
0x1e: {  	s7 =	smul.u32 @!p0 $0xF7A, s2;
	p2 =	seq.s32 @!p0 s5, $0x0  }
0x1f: {  	s9 =	smul.u32 $0xF7A, s1;
	s8 =	simm.s32 @!p0 $0x1BF5;
	p2 =	por !p2, p0  }
0x20: {  	[sflag:s8] =	ssyncset.s32 @!p0 $0xFFFFF086;
	s6 =	sadd.s32 @!p0 s3, s7;
	s7 =	simm.s32 @!p0 $0x108  }
0x21: {  	s3 =	sadd.s32 s3, s9;
	s6 =	sadd.s32 @!p0 $0x88, s6;
	s7 =	simm.s32 @p2 $0x1082  }
0x22: {  	[simem:s7], [sflag:s8] =	dma.local @!p0 [hbm:s6], $0xF7A  }
0x23: {  	s9 =	sor.u32 $0xD0000000, s2;
	s6 =	simm.s32 $0x108;
	_ =	swait.ge @!p0 [sflag:s8], $0x0  }
0x24: {  	s3 =	sadd.s32 $0x88, s3;
	s6 =	simm.s32 @!p1 $0x1082;
	[sflag:s4] =	ssyncset.s32 $0xFFFFF086  }
0x25: {  	[simem:s6], [sflag:s4] =	dma.local [hbm:s3], $0xF7A  }
0x26: {  	[smem:$0x3F9B] =	sst s1;
	(tag) =	ssettag s2;
	_ =	strace s9  }
0x27: {  	s1 =	sld [smem:$0x3FAB]  }
0x28: {  	s2 =	sld [smem:$0x3FAC]  }
0x29: {  	s4 =	sld [smem:$0x3FAE]  }
0x2a: {  	p0 =	seq.s32 s5, $0x0;
	s5 =	sld [smem:$0x3FAF]  }
0x2b: {  	s6 =	sld [smem:$0x3FB0]  }
0x2c: {  	s7 =	sld [smem:$0x3FB1]  }
0x2d: {  	s3 =	simm.s32 $0x108;
	s8 =	sld [smem:$0x3FB2]  }
0x2e: {  	s3 =	simm.s32 @!p0 $0x1082;
	s9 =	sld [smem:$0x3FB3]  }
0x2f: {  	lr =	sadd.s32 s0, s3;
	s0 =	sld [smem:$0x3FAA]  }
0x30: {  	s3 =	sld [smem:$0x3FAD]  }
0x31: {  	[smem:$0x3FB6] =	sst s10  }
0x32: {  	s10 =	sld [smem:$0x3FB4];
	_ =	sdelay $0x3  }
0x33: {  	p0 =	seq.s32 s10, $0x1;
	s10 =	sld [smem:$0x3FB6];
	_ =	sdelay $0x3  }
0x34: {  	[smem:$0x3FB6] =	sst s10  }
0x35: {  	s10 =	sld [smem:$0x3FB5];
	_ =	sdelay $0x3  }
0x36: {  	p1 =	seq.s32 s10, $0x1;
	s10 =	sld [smem:$0x3FB6];
	_ =	sdelay $0x3  }
0x37: {  	[smem:$0x3FB6] =	sst s10  }
0x38: {  	s10 =	sld [smem:$0x3FB7]  }
0x39: {  	_ = 	snop;
	(pc) =	sbr.ind lr, $3  }
0x3a: {  	_ = 	snop  }
0x3b: {  	_ = 	snop  }
0x3c: {  	p2 =	seq.s32 s10, $0x1;
	s10 =	sld [smem:$0x3FB6]  }
0x3d: {  	_ =	shalt  }
0x3e: {  	_ =	shalt  }
0x3f: {  	_ =	shalt  }
0x40: {  	_ =	shalt  }
0x41: {  	_ =	shalt  }
0x42: {  	_ =	shalt  }
0x43: {  	_ =	shalt  }
0x44: {  	_ =	shalt  }
0x45: {  	_ =	shalt  }
0x46: {  	_ =	shalt  }
0x47: {  	_ =	shalt  }
0x48: {  	_ =	shalt  }
0x49: {  	_ =	shalt  }
0x4a: {  	_ =	shalt  }
0x4b: {  	_ =	shalt  }
0x4c: {  	_ =	shalt  }
0x4d: {  	_ =	shalt  }
0x4e: {  	_ =	shalt  }
0x4f: {  	_ =	shalt  }
0x50: {  	_ =	shalt  }
0x51: {  	_ =	shalt  }
0x52: {  	_ =	shalt  }
0x53: {  	_ =	shalt  }
0x54: {  	_ =	shalt  }
0x55: {  	_ =	shalt  }
0x56: {  	_ =	shalt  }
0x57: {  	_ =	shalt  }
0x58: {  	_ =	shalt  }
0x59: {  	_ =	shalt  }
0x5a: {  	_ =	shalt  }
0x5b: {  	_ =	shalt  }
0x5c: {  	_ =	shalt  }
0x5d: {  	_ =	shalt  }
0x5e: {  	_ =	shalt  }
0x5f: {  	_ =	shalt  }
0x60: {  	_ =	shalt  }
0x61: {  	_ =	shalt  }
0x62: {  	_ =	shalt  }
0x63: {  	_ =	shalt  }
0x64: {  	_ =	shalt  }
0x65: {  	_ =	shalt  }
0x66: {  	_ =	shalt  }
0x67: {  	_ =	shalt  }
0x68: {  	_ =	shalt  }
0x69: {  	_ =	shalt  }
0x6a: {  	_ =	shalt  }
0x6b: {  	_ =	shalt  }
0x6c: {  	_ =	shalt  }
0x6d: {  	_ =	shalt  }
0x6e: {  	_ =	shalt  }
0x6f: {  	_ =	shalt  }
0x70: {  	_ =	shalt  }
0x71: {  	_ =	shalt  }
0x72: {  	_ =	shalt  }
0x73: {  	_ =	shalt  }
0x74: {  	_ =	shalt  }
0x75: {  	_ =	shalt  }
0x76: {  	_ =	shalt  }
0x77: {  	_ =	shalt  }
0x78: {  	_ =	shalt  }
0x79: {  	_ =	shalt  }
0x7a: {  	_ =	shalt  }
0x7b: {  	_ =	shalt  }
0x7c: {  	_ =	shalt  }
0x7d: {  	_ =	shalt  }
0x7e: {  	_ =	shalt  }
0x7f: {  	_ =	shalt  }
0x80: {  	_ =	shalt  }
0x81: {  	_ =	shalt  }
0x82: {  	_ =	shalt  }
0x83: {  	_ =	shalt  }
0x84: {  	_ =	shalt  }
0x85: {  	_ =	shalt  }
0x86: {  	_ =	shalt  }
0x87: {  	_ =	shalt  }
.Lfunc_end0:
.L_simem_size_0:
called_computation_lowered:
.L_overlay_start_0:
0x88: {  	s2 =	sld [smem:$0x3FD9]  }
0x89: {  	s3 =	sld [smem:$0x3FFE];
	_ =	sdelay $0x1  }
0x8a: {  	s1 =	srdreg.scid  }
0x8b: {  	s0 =	sand.u32 $0x1, s1  }
0x8c: {  	s17 =	sshll.u32 s0, $0xA;
	s2 =	sadd.s32 s3, s2  }
0x8d: {  	s2 =	sadd.s32 s2, s17  }
0x8e: {  	[smem:$0x3FC2] =	sst s2  }
0x8f: {  	_ = 	snop  }
0x90: {  	s2 =	sld [smem:$0x3FD0];
	(tm) =	ssettm $0x1  }
0x91: {  	s18 =	sld [smem:$0x3FFB];
	_ =	sdelay $0x3  }
0x92: {  	_ =	strace s18  }
0x93: {  	s3 =	sld [smem:$0x3FFC];
	_ =	sdelay $0x3  }
0x94: {  	_ =	strace s3  }
0x95: {  	s3 =	sld [smem:$0x3FFD];
	_ =	sdelay $0x3  }
0x96: {  	_ =	strace s3  }
0x97: {  	_ =	strace $0x8FFFFFFF  }
0x98: {  	s19 =	sld [smem:$0x3FDB];
	_ =	sdelay $0x1  }
0x99: {  	s4 =	simm.s32 $_scs_section_size  }
0x9a: {  	s5 =	simm.s32 $_size__tile_overlayer_lowered;
	s6 =	simm.s32 $_tile_overlayer_lowered  }
0x9b: {  	s22 =	simm.s32 $0x1BFF;
	s21 =	sshll.u32 s6, $0x1;
	s3 =	sadd.s32 s4, s19  }
0x9c: {  	s7 =	simm.s32 $0x0;
	s20 =	sshll.u32 s5, $0x1;
	s5 =	sadd.s32 s21, s3  }
0x9d: {  	[timem:s7], [sflag:s22] =	dma.local [hbm:s5], s20  }
0x9e: {  	_ =	swait.ge [sflag:s22], s20  }
0x9f: {  	s4 =	ssub.s32 $0x0, s20;
	[sflag:s22] =	ssyncset.done $0x0  }
0xa0: {  	[sflag:s22] =	ssyncadd.s32 s4;
	_ =	sdelay $0x1  }
0xa1: {  	s23 =	simm.s32 $0x1B8B  }
0xa2: {  	_ =	swait.ge [sflag:s23], $0x1  }
0xa3: {  	[sflag:s23] =	ssyncset.done $0x0  }
0xa4: {  	s25 =	simm.s32 $0x1B8E;
	s24 =	sld [smem:$0x3FFE];
	[sflag:s23] =	ssyncadd.s32 $0xFFFFFFFF  }
0xa5: {  	s26 =	simm.s32 $execute0_lowered;
	[smem:$0x3FD2] =	sst s25  }
0xa6: {  	s5 =	sshll.u32 s26, $0x1;
	_ =	strace $0x80000046;
	[dreg:$0x1] =	wrdreg $0xFFFFFFFF  }
0xa7: {  	s28 =	simm.s32 $_size_execute0_lowered;
	s3 =	sadd.s32 s3, s5;
	[dreg:$0x0] =	wrdreg $0x0  }
0xa8: {  	s5 =	sshll.u32 s28, $0x1;
	[dreg:$0x2] =	wrdreg s3  }
0xa9: {  	[dreg:$0x3] =	wrdreg s5  }
0xaa: {  	[dreg:$0x4] =	wrdreg $0xC0  }
0xab: {  	_ =	task [dreg:s7], $0x5FFFF  }
0xac: {  	[dreg:$0x1] =	wrdreg $0xFFFFFFFF  }
0xad: {  	[dreg:$0x0] =	wrdreg $0x60  }
0xae: {  	[dreg:$0x2] =	wrdreg s24  }
0xaf: {  	[dreg:$0x3] =	wrdreg s2  }
0xb0: {  	[dreg:$0x4] =	wrdreg $0x31000  }
0xb1: {  	[dreg:$0x5] =	wrdreg $0x9  }
0xb2: {  	_ =	task.clear_ibuf [dreg:s7], $0x6FFFF;
	_ =	strace $0x90000046  }
0xb3: {  	s29 =	simm.s32 $0x9;
	_ =	strace $0x80000048  }
0xb4: {  	_ =	swait.ge [sflag:s29], $0x1  }
0xb5: {  	[sflag:s29] =	ssyncadd.s32 $0xFFFFFFFF  }
0xb6: {  	_ =	strace $0x90000048  }
0xb7: {  	_ =	sfence  }
0xb8: {  	s30 =	sld [smem:$0x0];
	_ =	sdelay $0x2  }
0xb9: {  	s31 =	sshll.u32 s1, $0xD;
	s1 =	sshrl.u32 s1, $0x2  }
0xba: {  	s3 =	sand.u32 $0x4000, s31;
	s1 =	sadd.s32 s1, s30  }
0xbb: {  	s0 =	sor.u32 s3, s0;
	s1 =	sshll.u32 s1, $0x11  }
0xbc: {  	s0 =	sor.u32 s1, s0  }
0xbd: {  	s0 =	sadd.s32 $0x8F2B, s0  }
0xbe: {  	[sflag:s0] =	ssyncadd.remote.s32 $0x1  }
0xbf: {  	_ =	sfence.sel $0xFFFF  }
0xc0: {  	[dreg:$0x0] =	wrdreg $0xFFFFFFFF;
	(pc) =	sbr.abs _section_cstart, $3  }
0xc1: {  	[dreg:$0x1] =	wrdreg $0xFFFFFFFF  }
0xc2: {  	_ =	task.clear_ibuf [dreg:s7], $0x2FFFF;
	_ =	strace $0x9FFFFFFF  }
0xc3: {  	(tm) =	ssettm $0x7FFFFFFF  }
tec
execute0_lowered:
.L_overlay_start_1:
0x0: {  	(tag) =	ssettag $0x1  }
0x1: {  	s5 =	rddreg [dreg:$0x0]  }
0x2: {  	s7 =	rddreg [dreg:$0x1]  }
0x3: {  	s2 =	rddreg [dreg:$0x2]  }
0x4: {  	s0 =	rddreg [dreg:$0x3]  }
0x5: {  	s4 =	srdreg.scid;
	s1 =	stileid.u32  }
0x6: {  	s3 =	simm.s32 $0x0;
	s14 =	simm.s32 $0x1;
	s15 =	simm.s32 $0x0  }
0x7: {  	s6 =	sand.u32 $0x1, s4;
	s8 =	smul.u32 $0x2800, s1;
	[smem:$0x7FF] =	sst s3  }
0x8: {  	s4 =	sadd.s32 $0x1600, s5;
	s31 =	sshll.u32 s1, $0x6;
	s9 =	smul.u32 $0x28000, s6  }
0x9: {  	_ =	strace $0x80000047;
	s10 =	ssub.s32 $0x2, s6;
	s6 =	sshll.u32 s6, $0x4  }
0xa: {  	s11 =	sshrl.u32 s10, $0x1;
	s29 =	sor.u32 s1, s6;
	s30 =	sshrl.u32 s8, $0x3  }
0xb: {  	s13 =	sadd.s32 s8, s2;
	s6 =	sor.u32 $0x1C02, s31;
	s9 =	sadd.s32 s8, s9  }
0xc: {  	s10 =	ssub.s32 s10, s11;
	s12 =	smul.u32 $0x520, s29;
	s9 =	sshrl.u32 s9, $0x3  }
0xd: {  	s11 =	simm.s32 $0x2;
	s9 =	sadd.s32 s9, s5;
	s5 =	sadd.s32 s4, s30  }
0xe: {  	s7 =	sadd.s32 s7, s12;
	s12 =	simm.s32 $0x2900;
	s8 =	sadd.s32 $0x6600, s9  }
0xf: {  	s9 =	smax.u32 s10, $0x1;
	s10 =	sshrl.u32 s13, $0x3;
	s13 =	simm.s32 $0x80  }
.LBB2_1:
0x10: {  	[spmem:s10], [sflag:s6] =	dma.local [hbm:s5], $0x500  }
0x11: {  	_ =	swait.ge [sflag:s11], $0x500  }
0x12: {  	[sflag:s11] =	ssyncset.done $0x0  }
0x13: {  	[sflag:s11] =	ssyncadd.s32 $0xFFFFFB00  }
0x14: {  	[tilespmem:s3], [sflag:$0x2] =	stream.linear.gather [hbm4b:s7+s3], $0x2900, $0x38;
	[tilespmem:$0x5900] =	vst v63  }
0x15: {  	_ =	swait.ge [sflag:s11], $0x2900  }
0x16: {  	[sflag:s11] =	ssyncset.done $0x0  }
0x17: {  	[sflag:s11] =	ssyncadd.s32 $0xFFFFD700  }
0x18: {  	[tilespmem:s12], [sflag:$0x2] =	stream.linear.gather [hbm4b:s4+s3], $0x800, $0x38;
	[tilespmem:$0x5900] =	vst v63  }
0x19: {  	_ =	swait.ge [sflag:s11], $0x800  }
0x1a: {  	[sflag:s11] =	ssyncset.done $0x0  }
0x1b: {  	[sflag:s11] =	ssyncadd.s32 $0xFFFFF800  }
0x1c: {  	s16 =	simm.s32 $0x0;
	[bflag:$0x0] =	sbarrier.arrive $0xFFFF  }
0x1d: {  	[spmem:s2] =	stream.indirect.scatter.add.f32 [tilespmem:s12], [sflag:$0x1], $0x10, s16, s13, $0xb8;
	[tilespmem:$0x5900] =	vst v63  }
0x1e: {  	s31 =	simm.s32 $0x80  }
0x1f: {  	[spmem:s2] =	stream.indirect.scatter.add.f32 [tilespmem:s12], [sflag:$0x1], $0x10, s31, s13, $0xb8;
	[tilespmem:$0x5900] =	vst v63  }
0x20: {  	s17 =	simm.s32 $0x100  }
0x21: {  	[spmem:s2] =	stream.indirect.scatter.add.f32 [tilespmem:s12], [sflag:$0x1], $0x10, s17, s13, $0xb8;
	[tilespmem:$0x5900] =	vst v63  }
0x22: {  	s18 =	simm.s32 $0x180  }
0x23: {  	[spmem:s2] =	stream.indirect.scatter.add.f32 [tilespmem:s12], [sflag:$0x1], $0x10, s18, s13, $0xb8;
	[tilespmem:$0x5900] =	vst v63  }
0x24: {  	s19 =	simm.s32 $0x200  }
0x25: {  	[spmem:s2] =	stream.indirect.scatter.add.f32 [tilespmem:s12], [sflag:$0x1], $0x10, s19, s13, $0xb8;
	[tilespmem:$0x5900] =	vst v63  }
0x26: {  	s20 =	simm.s32 $0x280  }
0x27: {  	[spmem:s2] =	stream.indirect.scatter.add.f32 [tilespmem:s12], [sflag:$0x1], $0x10, s20, s13, $0xb8;
	[tilespmem:$0x5900] =	vst v63  }
0x28: {  	s21 =	simm.s32 $0x300  }
0x29: {  	[spmem:s2] =	stream.indirect.scatter.add.f32 [tilespmem:s12], [sflag:$0x1], $0x10, s21, s13, $0xb8;
	[tilespmem:$0x5900] =	vst v63  }
0x2a: {  	s22 =	simm.s32 $0x380  }
0x2b: {  	[spmem:s2] =	stream.indirect.scatter.add.f32 [tilespmem:s12], [sflag:$0x1], $0x10, s22, s13, $0xb8;
	[tilespmem:$0x5900] =	vst v63  }
0x2c: {  	s23 =	simm.s32 $0x400  }
0x2d: {  	[spmem:s2] =	stream.indirect.scatter.add.f32 [tilespmem:s12], [sflag:$0x1], $0x10, s23, s13, $0xb8;
	[tilespmem:$0x5900] =	vst v63  }
0x2e: {  	s24 =	simm.s32 $0x480  }
0x2f: {  	[spmem:s2] =	stream.indirect.scatter.add.f32 [tilespmem:s12], [sflag:$0x1], $0x10, s24, s13, $0xb8;
	[tilespmem:$0x5900] =	vst v63  }
0x30: {  	s25 =	simm.s32 $0x500  }
0x31: {  	[spmem:s2] =	stream.indirect.scatter.add.f32 [tilespmem:s12], [sflag:$0x1], $0x10, s25, s13, $0xb8;
	[tilespmem:$0x5900] =	vst v63  }
0x32: {  	s26 =	simm.s32 $0x580  }
0x33: {  	[spmem:s2] =	stream.indirect.scatter.add.f32 [tilespmem:s12], [sflag:$0x1], $0x10, s26, s13, $0xb8;
	[tilespmem:$0x5900] =	vst v63  }
0x34: {  	s28 =	simm.s32 $0x600  }
0x35: {  	[spmem:s2] =	stream.indirect.scatter.add.f32 [tilespmem:s12], [sflag:$0x1], $0x10, s28, s13, $0xb8;
	[tilespmem:$0x5900] =	vst v63  }
0x36: {  	s29 =	simm.s32 $0x680  }
0x37: {  	[spmem:s2] =	stream.indirect.scatter.add.f32 [tilespmem:s12], [sflag:$0x1], $0x10, s29, s13, $0xb8;
	[tilespmem:$0x5900] =	vst v63  }
0x38: {  	s30 =	simm.s32 $0x700  }
0x39: {  	[spmem:s2] =	stream.indirect.scatter.add.f32 [tilespmem:s12], [sflag:$0x1], $0x10, s30, s13, $0xb8;
	[tilespmem:$0x5900] =	vst v63  }
0x3a: {  	s31 =	simm.s32 $0x780  }
0x3b: {  	[spmem:s2] =	stream.indirect.scatter.add.f32 [tilespmem:s12], [sflag:$0x1], $0x10, s31, s13, $0xb8;
	[tilespmem:$0x5900] =	vst v63  }
0x3c: {  	_ =	swait.ge [sflag:s14], $0x800  }
0x3d: {  	[sflag:s14] =	ssyncset.done $0x0  }
0x3e: {  	[sflag:s14] =	ssyncadd.s32 $0xFFFFF800  }
0x3f: {  	_ =	swait.ge [sflag:s14], $0x800  }
0x40: {  	[sflag:s14] =	ssyncset.done $0x0  }
0x41: {  	[sflag:s14] =	ssyncadd.s32 $0xFFFFF800  }
0x42: {  	_ =	swait.ge [sflag:s14], $0x800  }
0x43: {  	[sflag:s14] =	ssyncset.done $0x0  }
0x44: {  	[sflag:s14] =	ssyncadd.s32 $0xFFFFF800  }
0x45: {  	_ =	swait.ge [sflag:s14], $0x800  }
0x46: {  	[sflag:s14] =	ssyncset.done $0x0  }
0x47: {  	[sflag:s14] =	ssyncadd.s32 $0xFFFFF800  }
0x48: {  	_ =	swait.ge [sflag:s14], $0x800  }
0x49: {  	[sflag:s14] =	ssyncset.done $0x0  }
0x4a: {  	[sflag:s14] =	ssyncadd.s32 $0xFFFFF800  }
0x4b: {  	_ =	swait.ge [sflag:s14], $0x800  }
0x4c: {  	[sflag:s14] =	ssyncset.done $0x0  }
0x4d: {  	[sflag:s14] =	ssyncadd.s32 $0xFFFFF800  }
0x4e: {  	_ =	swait.ge [sflag:s14], $0x800  }
0x4f: {  	[sflag:s14] =	ssyncset.done $0x0  }
0x50: {  	[sflag:s14] =	ssyncadd.s32 $0xFFFFF800  }
0x51: {  	_ =	swait.ge [sflag:s14], $0x800  }
0x52: {  	[sflag:s14] =	ssyncset.done $0x0  }
0x53: {  	[sflag:s14] =	ssyncadd.s32 $0xFFFFF800  }
0x54: {  	_ =	swait.ge [sflag:s14], $0x800  }
0x55: {  	[sflag:s14] =	ssyncset.done $0x0  }
0x56: {  	[sflag:s14] =	ssyncadd.s32 $0xFFFFF800  }
0x57: {  	_ =	swait.ge [sflag:s14], $0x800  }
0x58: {  	[sflag:s14] =	ssyncset.done $0x0  }
0x59: {  	[sflag:s14] =	ssyncadd.s32 $0xFFFFF800  }
0x5a: {  	_ =	swait.ge [sflag:s14], $0x800  }
0x5b: {  	[sflag:s14] =	ssyncset.done $0x0  }
0x5c: {  	[sflag:s14] =	ssyncadd.s32 $0xFFFFF800  }
0x5d: {  	_ =	swait.ge [sflag:s14], $0x800  }
0x5e: {  	[sflag:s14] =	ssyncset.done $0x0  }
0x5f: {  	[sflag:s14] =	ssyncadd.s32 $0xFFFFF800  }
0x60: {  	_ =	swait.ge [sflag:s14], $0x800  }
0x61: {  	[sflag:s14] =	ssyncset.done $0x0  }
0x62: {  	[sflag:s14] =	ssyncadd.s32 $0xFFFFF800  }
0x63: {  	_ =	swait.ge [sflag:s14], $0x800  }
0x64: {  	[sflag:s14] =	ssyncset.done $0x0  }
0x65: {  	[sflag:s14] =	ssyncadd.s32 $0xFFFFF800  }
0x66: {  	_ =	swait.ge [sflag:s14], $0x800  }
0x67: {  	[sflag:s14] =	ssyncset.done $0x0  }
0x68: {  	[sflag:s14] =	ssyncadd.s32 $0xFFFFF800  }
0x69: {  	_ =	swait.ge [sflag:s14], $0x800  }
0x6a: {  	s16 =	simm.s32 $0x2000;
	s19 =	simm.s32 $0x4000;
	[sflag:s14] =	ssyncset.done $0x0  }
.LBB2_2:
0x6b: {  	s18 =	sshra.s32 s16, $0x2  }
0x6c: {  	[sflag:s14] =	ssyncadd.s32 $0xFFFFF800;
	s16 =	smov.u32 s19;
	s17 =	sadd.s32 $0x2000, s19  }
0x6d: {  	[spmem:s2] =	stream.indirect.scatter.add.f32 [tilespmem:s12], [sflag:$0x1], $0x10, s18, s13, $0xb8;
	[tilespmem:$0x5900] =	vst v63  }
0x6e: {  	p0 =	sne.s32 s19, $0x8000;
	s19 =	sadd.s32 $0x80, s18  }
0x6f: {  	[spmem:s2] =	stream.indirect.scatter.add.f32 [tilespmem:s12], [sflag:$0x1], $0x10, s19, s13, $0xb8;
	[tilespmem:$0x5900] =	vst v63  }
0x70: {  	s19 =	sadd.s32 $0x100, s18  }
0x71: {  	[spmem:s2] =	stream.indirect.scatter.add.f32 [tilespmem:s12], [sflag:$0x1], $0x10, s19, s13, $0xb8;
	[tilespmem:$0x5900] =	vst v63  }
0x72: {  	s19 =	sadd.s32 $0x180, s18  }
0x73: {  	[spmem:s2] =	stream.indirect.scatter.add.f32 [tilespmem:s12], [sflag:$0x1], $0x10, s19, s13, $0xb8;
	[tilespmem:$0x5900] =	vst v63  }
0x74: {  	s19 =	sadd.s32 $0x200, s18  }
0x75: {  	[spmem:s2] =	stream.indirect.scatter.add.f32 [tilespmem:s12], [sflag:$0x1], $0x10, s19, s13, $0xb8;
	[tilespmem:$0x5900] =	vst v63  }
0x76: {  	s19 =	sadd.s32 $0x280, s18  }
0x77: {  	[spmem:s2] =	stream.indirect.scatter.add.f32 [tilespmem:s12], [sflag:$0x1], $0x10, s19, s13, $0xb8;
	[tilespmem:$0x5900] =	vst v63  }
0x78: {  	s19 =	sadd.s32 $0x300, s18  }
0x79: {  	[spmem:s2] =	stream.indirect.scatter.add.f32 [tilespmem:s12], [sflag:$0x1], $0x10, s19, s13, $0xb8;
	[tilespmem:$0x5900] =	vst v63  }
0x7a: {  	s19 =	sadd.s32 $0x380, s18  }
0x7b: {  	[spmem:s2] =	stream.indirect.scatter.add.f32 [tilespmem:s12], [sflag:$0x1], $0x10, s19, s13, $0xb8;
	[tilespmem:$0x5900] =	vst v63  }
0x7c: {  	s19 =	sadd.s32 $0x400, s18  }
0x7d: {  	[spmem:s2] =	stream.indirect.scatter.add.f32 [tilespmem:s12], [sflag:$0x1], $0x10, s19, s13, $0xb8;
	[tilespmem:$0x5900] =	vst v63  }
0x7e: {  	s19 =	sadd.s32 $0x480, s18  }
0x7f: {  	[spmem:s2] =	stream.indirect.scatter.add.f32 [tilespmem:s12], [sflag:$0x1], $0x10, s19, s13, $0xb8;
	[tilespmem:$0x5900] =	vst v63  }
0x80: {  	s19 =	sadd.s32 $0x500, s18  }
0x81: {  	[spmem:s2] =	stream.indirect.scatter.add.f32 [tilespmem:s12], [sflag:$0x1], $0x10, s19, s13, $0xb8;
	[tilespmem:$0x5900] =	vst v63  }
0x82: {  	s19 =	sadd.s32 $0x580, s18  }
0x83: {  	[spmem:s2] =	stream.indirect.scatter.add.f32 [tilespmem:s12], [sflag:$0x1], $0x10, s19, s13, $0xb8;
	[tilespmem:$0x5900] =	vst v63  }
0x84: {  	s19 =	sadd.s32 $0x600, s18  }
0x85: {  	[spmem:s2] =	stream.indirect.scatter.add.f32 [tilespmem:s12], [sflag:$0x1], $0x10, s19, s13, $0xb8;
	[tilespmem:$0x5900] =	vst v63  }
0x86: {  	s19 =	sadd.s32 $0x680, s18  }
0x87: {  	[spmem:s2] =	stream.indirect.scatter.add.f32 [tilespmem:s12], [sflag:$0x1], $0x10, s19, s13, $0xb8;
	[tilespmem:$0x5900] =	vst v63  }
0x88: {  	s19 =	sadd.s32 $0x700, s18  }
0x89: {  	[spmem:s2] =	stream.indirect.scatter.add.f32 [tilespmem:s12], [sflag:$0x1], $0x10, s19, s13, $0xb8;
	[tilespmem:$0x5900] =	vst v63  }
0x8a: {  	s18 =	sadd.s32 $0x780, s18  }
0x8b: {  	[spmem:s2] =	stream.indirect.scatter.add.f32 [tilespmem:s12], [sflag:$0x1], $0x10, s18, s13, $0xb8;
	[tilespmem:$0x5900] =	vst v63  }
0x8c: {  	_ =	swait.ge [sflag:s14], $0x800  }
0x8d: {  	[sflag:s14] =	ssyncset.done $0x0  }
0x8e: {  	[sflag:s14] =	ssyncadd.s32 $0xFFFFF800  }
0x8f: {  	_ =	swait.ge [sflag:s14], $0x800  }
0x90: {  	[sflag:s14] =	ssyncset.done $0x0  }
0x91: {  	[sflag:s14] =	ssyncadd.s32 $0xFFFFF800  }
0x92: {  	_ =	swait.ge [sflag:s14], $0x800  }
0x93: {  	[sflag:s14] =	ssyncset.done $0x0  }
0x94: {  	[sflag:s14] =	ssyncadd.s32 $0xFFFFF800  }
0x95: {  	_ =	swait.ge [sflag:s14], $0x800  }
0x96: {  	[sflag:s14] =	ssyncset.done $0x0  }
0x97: {  	[sflag:s14] =	ssyncadd.s32 $0xFFFFF800  }
0x98: {  	_ =	swait.ge [sflag:s14], $0x800  }
0x99: {  	[sflag:s14] =	ssyncset.done $0x0  }
0x9a: {  	[sflag:s14] =	ssyncadd.s32 $0xFFFFF800  }
0x9b: {  	_ =	swait.ge [sflag:s14], $0x800  }
0x9c: {  	[sflag:s14] =	ssyncset.done $0x0  }
0x9d: {  	[sflag:s14] =	ssyncadd.s32 $0xFFFFF800  }
0x9e: {  	_ =	swait.ge [sflag:s14], $0x800  }
0x9f: {  	[sflag:s14] =	ssyncset.done $0x0  }
0xa0: {  	[sflag:s14] =	ssyncadd.s32 $0xFFFFF800  }
0xa1: {  	_ =	swait.ge [sflag:s14], $0x800  }
0xa2: {  	[sflag:s14] =	ssyncset.done $0x0  }
0xa3: {  	[sflag:s14] =	ssyncadd.s32 $0xFFFFF800  }
0xa4: {  	_ =	swait.ge [sflag:s14], $0x800  }
0xa5: {  	[sflag:s14] =	ssyncset.done $0x0  }
0xa6: {  	[sflag:s14] =	ssyncadd.s32 $0xFFFFF800  }
0xa7: {  	_ =	swait.ge [sflag:s14], $0x800  }
0xa8: {  	[sflag:s14] =	ssyncset.done $0x0  }
0xa9: {  	[sflag:s14] =	ssyncadd.s32 $0xFFFFF800  }
0xaa: {  	_ =	swait.ge [sflag:s14], $0x800  }
0xab: {  	[sflag:s14] =	ssyncset.done $0x0  }
0xac: {  	[sflag:s14] =	ssyncadd.s32 $0xFFFFF800  }
0xad: {  	_ =	swait.ge [sflag:s14], $0x800  }
0xae: {  	[sflag:s14] =	ssyncset.done $0x0  }
0xaf: {  	[sflag:s14] =	ssyncadd.s32 $0xFFFFF800  }
0xb0: {  	_ =	swait.ge [sflag:s14], $0x800  }
0xb1: {  	[sflag:s14] =	ssyncset.done $0x0  }
0xb2: {  	[sflag:s14] =	ssyncadd.s32 $0xFFFFF800  }
0xb3: {  	_ =	swait.ge [sflag:s14], $0x800  }
0xb4: {  	[sflag:s14] =	ssyncset.done $0x0  }
0xb5: {  	[sflag:s14] =	ssyncadd.s32 $0xFFFFF800  }
.Ltmp0:
0xb6: {  	_ =	swait.ge [sflag:s14], $0x800;
	(pc) =	sbr.rel @p0 .LBB2_2-.Ltmp0, $4  }
0xb7: {  	[sflag:s14] =	ssyncset.done $0x0  }
0xb8: {  	[sflag:s14] =	ssyncadd.s32 $0xFFFFF800  }
0xb9: {  	_ =	swait.ge [sflag:s14], $0x800  }
0xba: {  	s19 =	smov.u32 s17;
	[sflag:s14] =	ssyncset.done $0x0  }
0xbb: {  	s16 =	sshra.s32 s16, $0x2;
	[sflag:s14] =	ssyncadd.s32 $0xFFFFF800  }
0xbc: {  	[spmem:s2] =	stream.indirect.scatter.add.f32 [tilespmem:s12], [sflag:$0x1], $0x10, s16, s13, $0xb8;
	[tilespmem:$0x5900] =	vst v63  }
0xbd: {  	s17 =	sadd.s32 $0x80, s16  }
0xbe: {  	[spmem:s2] =	stream.indirect.scatter.add.f32 [tilespmem:s12], [sflag:$0x1], $0x10, s17, s13, $0xb8;
	[tilespmem:$0x5900] =	vst v63  }
0xbf: {  	s18 =	sadd.s32 $0x100, s16  }
0xc0: {  	[spmem:s2] =	stream.indirect.scatter.add.f32 [tilespmem:s12], [sflag:$0x1], $0x10, s18, s13, $0xb8;
	[tilespmem:$0x5900] =	vst v63  }
0xc1: {  	s19 =	sadd.s32 $0x180, s16  }
0xc2: {  	[spmem:s2] =	stream.indirect.scatter.add.f32 [tilespmem:s12], [sflag:$0x1], $0x10, s19, s13, $0xb8;
	[tilespmem:$0x5900] =	vst v63  }
0xc3: {  	s20 =	sadd.s32 $0x200, s16  }
0xc4: {  	[spmem:s2] =	stream.indirect.scatter.add.f32 [tilespmem:s12], [sflag:$0x1], $0x10, s20, s13, $0xb8;
	[tilespmem:$0x5900] =	vst v63  }
0xc5: {  	s21 =	sadd.s32 $0x280, s16  }
0xc6: {  	[spmem:s2] =	stream.indirect.scatter.add.f32 [tilespmem:s12], [sflag:$0x1], $0x10, s21, s13, $0xb8;
	[tilespmem:$0x5900] =	vst v63  }
0xc7: {  	s22 =	sadd.s32 $0x300, s16  }
0xc8: {  	[spmem:s2] =	stream.indirect.scatter.add.f32 [tilespmem:s12], [sflag:$0x1], $0x10, s22, s13, $0xb8;
	[tilespmem:$0x5900] =	vst v63  }
0xc9: {  	s23 =	sadd.s32 $0x380, s16  }
0xca: {  	[spmem:s2] =	stream.indirect.scatter.add.f32 [tilespmem:s12], [sflag:$0x1], $0x10, s23, s13, $0xb8;
	[tilespmem:$0x5900] =	vst v63  }
0xcb: {  	s24 =	sadd.s32 $0x400, s16  }
0xcc: {  	[spmem:s2] =	stream.indirect.scatter.add.f32 [tilespmem:s12], [sflag:$0x1], $0x10, s24, s13, $0xb8;
	[tilespmem:$0x5900] =	vst v63  }
0xcd: {  	s25 =	sadd.s32 $0x480, s16  }
0xce: {  	[spmem:s2] =	stream.indirect.scatter.add.f32 [tilespmem:s12], [sflag:$0x1], $0x10, s25, s13, $0xb8;
	[tilespmem:$0x5900] =	vst v63  }
0xcf: {  	s26 =	sadd.s32 $0x500, s16  }
0xd0: {  	[spmem:s2] =	stream.indirect.scatter.add.f32 [tilespmem:s12], [sflag:$0x1], $0x10, s26, s13, $0xb8;
	[tilespmem:$0x5900] =	vst v63  }
0xd1: {  	s28 =	sadd.s32 $0x580, s16  }
0xd2: {  	[spmem:s2] =	stream.indirect.scatter.add.f32 [tilespmem:s12], [sflag:$0x1], $0x10, s28, s13, $0xb8;
	[tilespmem:$0x5900] =	vst v63  }
0xd3: {  	s29 =	sadd.s32 $0x600, s16  }
0xd4: {  	[spmem:s2] =	stream.indirect.scatter.add.f32 [tilespmem:s12], [sflag:$0x1], $0x10, s29, s13, $0xb8;
	[tilespmem:$0x5900] =	vst v63  }
0xd5: {  	s30 =	sadd.s32 $0x680, s16  }
0xd6: {  	[spmem:s2] =	stream.indirect.scatter.add.f32 [tilespmem:s12], [sflag:$0x1], $0x10, s30, s13, $0xb8;
	[tilespmem:$0x5900] =	vst v63  }
0xd7: {  	s31 =	sadd.s32 $0x700, s16  }
0xd8: {  	[spmem:s2] =	stream.indirect.scatter.add.f32 [tilespmem:s12], [sflag:$0x1], $0x10, s31, s13, $0xb8;
	[tilespmem:$0x5900] =	vst v63  }
0xd9: {  	s16 =	sadd.s32 $0x780, s16  }
0xda: {  	[spmem:s2] =	stream.indirect.scatter.add.f32 [tilespmem:s12], [sflag:$0x1], $0x10, s16, s13, $0xb8;
	[tilespmem:$0x5900] =	vst v63  }
0xdb: {  	_ =	swait.ge [sflag:s14], $0x800  }
0xdc: {  	[sflag:s14] =	ssyncset.done $0x0  }
0xdd: {  	[sflag:s14] =	ssyncadd.s32 $0xFFFFF800  }
0xde: {  	_ =	swait.ge [sflag:s14], $0x800  }
0xdf: {  	[sflag:s14] =	ssyncset.done $0x0  }
0xe0: {  	[sflag:s14] =	ssyncadd.s32 $0xFFFFF800  }
0xe1: {  	_ =	swait.ge [sflag:s14], $0x800  }
0xe2: {  	[sflag:s14] =	ssyncset.done $0x0  }
0xe3: {  	[sflag:s14] =	ssyncadd.s32 $0xFFFFF800  }
0xe4: {  	_ =	swait.ge [sflag:s14], $0x800  }
0xe5: {  	[sflag:s14] =	ssyncset.done $0x0  }
0xe6: {  	[sflag:s14] =	ssyncadd.s32 $0xFFFFF800  }
0xe7: {  	_ =	swait.ge [sflag:s14], $0x800  }
0xe8: {  	[sflag:s14] =	ssyncset.done $0x0  }
0xe9: {  	[sflag:s14] =	ssyncadd.s32 $0xFFFFF800  }
0xea: {  	_ =	swait.ge [sflag:s14], $0x800  }
0xeb: {  	[sflag:s14] =	ssyncset.done $0x0  }
0xec: {  	[sflag:s14] =	ssyncadd.s32 $0xFFFFF800  }
0xed: {  	_ =	swait.ge [sflag:s14], $0x800  }
0xee: {  	[sflag:s14] =	ssyncset.done $0x0  }
0xef: {  	[sflag:s14] =	ssyncadd.s32 $0xFFFFF800  }
0xf0: {  	_ =	swait.ge [sflag:s14], $0x800  }
0xf1: {  	[sflag:s14] =	ssyncset.done $0x0  }
0xf2: {  	[sflag:s14] =	ssyncadd.s32 $0xFFFFF800  }
0xf3: {  	_ =	swait.ge [sflag:s14], $0x800  }
0xf4: {  	[sflag:s14] =	ssyncset.done $0x0  }
0xf5: {  	[sflag:s14] =	ssyncadd.s32 $0xFFFFF800  }
0xf6: {  	_ =	swait.ge [sflag:s14], $0x800  }
0xf7: {  	[sflag:s14] =	ssyncset.done $0x0  }
0xf8: {  	[sflag:s14] =	ssyncadd.s32 $0xFFFFF800  }
0xf9: {  	_ =	swait.ge [sflag:s14], $0x800  }
0xfa: {  	[sflag:s14] =	ssyncset.done $0x0  }
0xfb: {  	[sflag:s14] =	ssyncadd.s32 $0xFFFFF800  }
0xfc: {  	_ =	swait.ge [sflag:s14], $0x800  }
0xfd: {  	[sflag:s14] =	ssyncset.done $0x0  }
0xfe: {  	[sflag:s14] =	ssyncadd.s32 $0xFFFFF800  }
0xff: {  	_ =	swait.ge [sflag:s14], $0x800  }
0x100: {  	[sflag:s14] =	ssyncset.done $0x0  }
0x101: {  	[sflag:s14] =	ssyncadd.s32 $0xFFFFF800  }
0x102: {  	_ =	swait.ge [sflag:s14], $0x800  }
0x103: {  	[sflag:s14] =	ssyncset.done $0x0  }
0x104: {  	[sflag:s14] =	ssyncadd.s32 $0xFFFFF800  }
0x105: {  	_ =	swait.ge [sflag:s14], $0x800  }
0x106: {  	[sflag:s14] =	ssyncset.done $0x0  }
0x107: {  	[sflag:s14] =	ssyncadd.s32 $0xFFFFF800  }
0x108: {  	_ =	swait.ge [sflag:s14], $0x800  }
0x109: {  	s15 =	sadd.s32 $0x1, s15;
	[sflag:s14] =	ssyncset.done $0x0  }
0x10a: {  	p0 =	sne.s32 s15, s9;
	[sflag:s14] =	ssyncadd.s32 $0xFFFFF800  }
.Ltmp1:
0x10b: {  	[bflag:$0x0] =	sbarrier.arrive $0xFFFF;
	(pc) =	sbr.rel @p0 .LBB2_1-.Ltmp1, $4  }
0x10c: {  	[hbm:s8], [sflag:s6] =	dma.local [spmem:s10], $0x500  }
0x10d: {  	_ =	swait.ge [sflag:s11], $0x500  }
0x10e: {  	[sflag:s11] =	ssyncset.done $0x0  }
0x10f: {  	[sflag:s11] =	ssyncadd.s32 $0xFFFFFB00  }
0x110: {  	_ =	sfence.sel $0x180000  }
0x111: {  	[bflag:$0x0] =	sbarrier.arrive $0xFFFF  }
0x112: {  	p0 =	sne.s32 s1, $0x0;
	_ =	strace $0x90000047  }
0x113: {  	s0 =	sadd.s32 @!p0 $0x100000, s0;
	[bflag:$0x2] =	sbarrier.arrive $0xFFFF  }
0x114: {  	[sflag:s0] =	ssyncadd.tile.s32 @!p0 $0x1;
	_ =	shalt  }
.Lfunc_end2:
_tile_overlayer_lowered:
.L_overlay_start_2:
0x115: {  	(tag) =	ssettag $0x2  }
0x116: {  	s0 =	rddreg [dreg:$0x0];
	s2 =	stileid.u32  }
0x117: {  	s1 =	rddreg [dreg:$0x1];
	p0 =	sne.s32 s2, $0x0  }
0x118: {  	s3 =	rddreg [dreg:$0x2];
	[bflag:$0x3] =	sbarrier.arrive $0xFFFF;
	s2 =	simm.s32 @!p0 $0x1C02  }
0x119: {  	[timem:s3], [sflag:s2] =	dma.local @!p0 [hbm:s0], s1  }
0x11a: {  	s0 =	simm.s32 @!p0 $0x2  }
0x11b: {  	_ =	swait.ge @!p0 [sflag:s0], s1  }
0x11c: {  	s1 =	ssub.s32 @!p0 $0x0, s1;
	[sflag:s0] =	ssyncset.done @!p0 $0x0  }
0x11d: {  	[sflag:s0] =	ssyncadd.s32 @!p0 s1  }
0x11e: {  	[bflag:$0x3] =	sbarrier.arrive $0xFFFF  }
0x11f: {  	_ =	shalt  }

</sc_bundles>
